<compile_context>
chip_gen: v7x
topology: tpu7x:2x2x1
jax: 0.10.2.dev20260603
libtpu: 0.0.44.dev20260713+nightly
codegen_flags: <defaults>
</compile_context>

<pallas_src>
import functools

import jax
import jax.numpy as jnp
from jax import lax
from jax.experimental import pallas as pl
from jax.experimental.pallas import tpu as pltpu
from jax.experimental.pallas import tpu_sc as plsc

NUM_EMBEDDINGS = 1000000
EMBEDDING_DIM = 32
BATCH = 16384

_info = plsc.get_sparse_core_info()
_NC, _NS, _NL = _info.num_cores, _info.num_subcores, _info.num_lanes
_NW = _NC * _NS
_B_PER_W = BATCH // _NW
_NBUF = 8
_WIN = 128
_CLAMP = 7811 * 128
_TAIL0 = 7812 * 128
_NTAIL = NUM_EMBEDDINGS - _TAIL0

_mesh = plsc.VectorSubcoreMesh(core_axis_name="c", subcore_axis_name="s")


@functools.partial(
    pl.kernel,
    mesh=_mesh,
    out_type=jax.ShapeDtypeStruct((EMBEDDING_DIM, BATCH), jnp.float32),
    scratch_types=[
        pltpu.VMEM((_B_PER_W,), jnp.int32),
        pltpu.VMEM((EMBEDDING_DIM, _B_PER_W), jnp.float32),
        pltpu.VMEM((_NTAIL * EMBEDDING_DIM,), jnp.float32),
    ]
    + [pltpu.VMEM((EMBEDDING_DIM, _WIN), jnp.float32) for _ in range(_NBUF)]
    + [pltpu.SemaphoreType.DMA for _ in range(_NBUF)],
    compiler_params=pltpu.CompilerParams(needs_layout_passes=False),
)
def _sc_gather(
    tp_hbm, idx_hbm, tail_hbm, out_hbm, idx_v, out_v, tail_v, *bufs_sems
):
    bufs = bufs_sems[:_NBUF]
    sems = bufs_sems[_NBUF:]
    wid = lax.axis_index("s") * _NC + lax.axis_index("c")
    base = wid * _B_PER_W
    pltpu.sync_copy(idx_hbm.at[pl.ds(base, _B_PER_W)], idx_v)
    pltpu.sync_copy(tail_hbm, tail_v)
    lane = lax.iota(jnp.int32, _NL)

    def xat(i):
        c0 = lax.bitwise_and(i, jnp.int32(-_NL))
        chunk = idx_v[pl.ds(c0, _NL)]
        sel = lane == (i - c0)
        return jnp.max(jnp.where(sel, chunk, jnp.int32(0)))

    def fetch(i, b):
        x = xat(i)
        s = lax.min(lax.bitwise_and(x, jnp.int32(-128)), jnp.int32(_CLAMP))
        s = pl.multiple_of(s, 128)
        for tr in range(4):
            pltpu.async_copy(
                tp_hbm.at[pl.ds(8 * tr, 8), pl.ds(s, _WIN)],
                bufs[b].at[pl.ds(8 * tr, 8)],
                sems[b],
            )

    for b in range(_NBUF):
        fetch(jnp.int32(b), b)

    def outer(g, carry):
        for b in range(_NBUF):
            i = g * _NBUF + b
            pltpu.make_async_copy(
                tp_hbm.at[:, pl.ds(0, _WIN)], bufs[b], sems[b]
            ).wait()
            x = xat(i)
            s = lax.min(lax.bitwise_and(x, jnp.int32(-128)), jnp.int32(_CLAMP))
            m = lax.min(x - s, jnp.int32(_WIN - 1))
            m_splat = jnp.full((_NL,), m, jnp.int32)
            lo = plsc.load_gather(bufs[b], [lane, m_splat])
            hi = plsc.load_gather(bufs[b], [lane + _NL, m_splat])
            rt = lax.max(x - jnp.int32(_TAIL0), jnp.int32(0))
            tsrc = jnp.full((_NL,), rt * EMBEDDING_DIM, jnp.int32) + lane
            tlo = plsc.load_gather(tail_v, [tsrc])
            thi = plsc.load_gather(tail_v, [tsrc + _NL])
            use_tail = jnp.full((_NL,), x >= _TAIL0, jnp.bool_)
            lo = jnp.where(use_tail, tlo, lo)
            hi = jnp.where(use_tail, thi, hi)
            i_splat = jnp.full((_NL,), i, jnp.int32)
            plsc.store_scatter(out_v, [lane, i_splat], lo)
            plsc.store_scatter(out_v, [lane + _NL, i_splat], hi)
            fetch(lax.min(i + _NBUF, jnp.int32(_B_PER_W - 1)), b)
        return carry

    lax.fori_loop(0, _B_PER_W // _NBUF, outer, jnp.int32(0))
    for b in range(_NBUF):
        pltpu.make_async_copy(
            tp_hbm.at[:, pl.ds(0, _WIN)], bufs[b], sems[b]
        ).wait()
    pltpu.sync_copy(out_v, out_hbm.at[:, pl.ds(base, _B_PER_W)])


def kernel(x, table):
    tail = table[_TAIL0:].reshape(_NTAIL * EMBEDDING_DIM)
    out_t = _sc_gather(table.T, x, tail)
    return out_t.T

# --- scband reference (transcript-rebuilt; emitter-appended) ---
"""Pipeline reference for scband-movie-model-55611236549346 (READ-ONLY COPY).

The authoritative reference and input builder live on the scoring server;
editing this copy changes nothing except your own understanding.
"""

import jax, jax.numpy as jnp
import numpy as np

NUM_EMBEDDINGS = 1000000
EMBEDDING_DIM = 32
BATCH = 16384


def setup_inputs(seed: int = 0) -> dict:
    key = jax.random.key(seed)
    k_idx, k_tab = jax.random.split(key)
    x = jax.random.randint(k_idx, (BATCH,), 0, NUM_EMBEDDINGS, dtype=jnp.int64) if jax.config.jax_enable_x64 else jax.random.randint(k_idx, (BATCH,), 0, NUM_EMBEDDINGS, dtype=jnp.int32)
    table = jax.random.normal(k_tab, (NUM_EMBEDDINGS, EMBEDDING_DIM), dtype=jnp.float32)
    return {"x": x, "table": table}


def reference(x, table):
    # LabelEncoder fit on movie_ids then transform(x): with movie_ids = arange(vocab)
    # the encoder is the identity mapping, so forward is a plain embedding lookup.
    out = jnp.take(table, x, axis=0)
    return out

if __name__ == "__main__":
    import jax
    _d = setup_inputs()
    print(jax.jit(kernel)(*tuple(_d.values())))

</pallas_src>

<mosaic_0001>
#map = affine_map<(d0, d1) -> (0, 0)>
#map1 = affine_map<(d0, d1) -> (0)>
module attributes {stable_mosaic.version = 14 : i64} {
  func.func @_sc_gather(%arg0: i32, %arg1: i32, %arg2: memref<32x1000000xf32, #tpu.memory_space<hbm>>, %arg3: memref<16384xi32, #tpu.memory_space<hbm>>, %arg4: memref<2048xf32, #tpu.memory_space<hbm>>, %arg5: memref<32x16384xf32, #tpu.memory_space<hbm>>, %arg6: memref<512xi32, #tpu.memory_space<vmem>>, %arg7: memref<32x512xf32, #tpu.memory_space<vmem>>, %arg8: memref<2048xf32, #tpu.memory_space<vmem>>, %arg9: memref<32x128xf32, #tpu.memory_space<vmem>>, %arg10: memref<32x128xf32, #tpu.memory_space<vmem>>, %arg11: memref<32x128xf32, #tpu.memory_space<vmem>>, %arg12: memref<32x128xf32, #tpu.memory_space<vmem>>, %arg13: memref<32x128xf32, #tpu.memory_space<vmem>>, %arg14: memref<32x128xf32, #tpu.memory_space<vmem>>, %arg15: memref<32x128xf32, #tpu.memory_space<vmem>>, %arg16: memref<32x128xf32, #tpu.memory_space<vmem>>, %arg17: memref<!tpu.dma_semaphore, #tpu.memory_space<semaphore_mem>>, %arg18: memref<!tpu.dma_semaphore, #tpu.memory_space<semaphore_mem>>, %arg19: memref<!tpu.dma_semaphore, #tpu.memory_space<semaphore_mem>>, %arg20: memref<!tpu.dma_semaphore, #tpu.memory_space<semaphore_mem>>, %arg21: memref<!tpu.dma_semaphore, #tpu.memory_space<semaphore_mem>>, %arg22: memref<!tpu.dma_semaphore, #tpu.memory_space<semaphore_mem>>, %arg23: memref<!tpu.dma_semaphore, #tpu.memory_space<semaphore_mem>>, %arg24: memref<!tpu.dma_semaphore, #tpu.memory_space<semaphore_mem>>) attributes {dimension_semantics = [#tpu.dimension_semantics<core_parallel>, #tpu.dimension_semantics<subcore_parallel>], iteration_bounds = array<i64: 2, 16>, scalar_prefetch = 0 : i64, scratch_operands = 19 : i64, tpu.core_type = #tpu.core_type<sc_vector_subcore>, window_params = [{transform_indices = #map}, {transform_indices = #map1}, {transform_indices = #map1}, {transform_indices = #map}]} {
    %mul3A = arith.constant 2 : i32
    %mul3A_0 = arith.muli %arg1, %mul3A : i32
    %add3A = arith.addi %mul3A_0, %arg0 : i32
    %mul3A_1 = arith.constant 512 : i32
    %mul3A_2 = arith.muli %add3A, %mul3A_1 : i32
    "tpu.region"() ({
      %run_scoped3A = tpu.sem_alloc : memref<!tpu.dma_semaphore, #tpu.memory_space<semaphore_mem>>
      %dma_start3A_564 = tpu.memref_slice %arg3[%mul3A_2] : memref<16384xi32, #tpu.memory_space<hbm>> -> memref<512xi32, #tpu.memory_space<hbm>>
      %dma_start3A_565 = tpu.memref_slice %arg3[%mul3A_2] : memref<16384xi32, #tpu.memory_space<hbm>> -> memref<512xi32, #tpu.memory_space<hbm>>
      tpu.enqueue_dma source(%dma_start3A_565 : memref<512xi32, #tpu.memory_space<hbm>>) target(%arg6 : memref<512xi32, #tpu.memory_space<vmem>>) target_semaphore(%run_scoped3A : memref<!tpu.dma_semaphore, #tpu.memory_space<semaphore_mem>>)
      %dma_wait3A_566 = tpu.memref_slice %arg3[%mul3A_2] : memref<16384xi32, #tpu.memory_space<hbm>> -> memref<512xi32, #tpu.memory_space<hbm>>
      %dma_wait3A_567 = tpu.memref_slice %arg3[%mul3A_2] : memref<16384xi32, #tpu.memory_space<hbm>> -> memref<512xi32, #tpu.memory_space<hbm>>
      tpu.wait_dma2 semaphore(%run_scoped3A : memref<!tpu.dma_semaphore, #tpu.memory_space<semaphore_mem>>) src(%dma_wait3A_567 : memref<512xi32, #tpu.memory_space<hbm>>) dst(%arg6 : memref<512xi32, #tpu.memory_space<vmem>>)
      tpu.yield
    }) : () -> ()
    "tpu.region"() ({
      %run_scoped3A = tpu.sem_alloc : memref<!tpu.dma_semaphore, #tpu.memory_space<semaphore_mem>>
      tpu.enqueue_dma source(%arg4 : memref<2048xf32, #tpu.memory_space<hbm>>) target(%arg8 : memref<2048xf32, #tpu.memory_space<vmem>>) target_semaphore(%run_scoped3A : memref<!tpu.dma_semaphore, #tpu.memory_space<semaphore_mem>>)
      tpu.wait_dma2 semaphore(%run_scoped3A : memref<!tpu.dma_semaphore, #tpu.memory_space<semaphore_mem>>) src(%arg4 : memref<2048xf32, #tpu.memory_space<hbm>>) dst(%arg8 : memref<2048xf32, #tpu.memory_space<vmem>>)
      tpu.yield
    }) : () -> ()
    %iota3A = tpu.iota {dimensions = array<i32: 0>} : vector<16xi32>
    %and3A = arith.constant 0 : i32
    %and3A_3 = arith.constant -16 : i32
    %and3A_4 = arith.andi %and3A, %and3A_3 : i32
    %get3A = arith.index_cast %and3A_4 : i32 to index
    %get3A_5 = tpu.vector_load %arg6[%get3A] {strides = array<i32>} : memref<512xi32, #tpu.memory_space<vmem>>, vector<16xi32>,
    %sub3A = arith.constant 0 : i32
    %sub3A_6 = arith.subi %sub3A, %and3A_4 : i32
    %eq3A = vector.broadcast %sub3A_6 : i32 to vector<16xi32>
    %eq3A_7 = arith.cmpi eq, %iota3A, %eq3A : vector<16xi32>
    %jit3A = arith.constant 0 : i32
    %broadcast_in_dim3A = vector.broadcast %jit3A : i32 to vector<16xi32>
    %select_n3A = arith.select %eq3A_7, %get3A_5, %broadcast_in_dim3A : vector<16xi1>, vector<16xi32>
    %reduce_max3A = arith.constant true
    %reduce_max3A_8 = vector.broadcast %reduce_max3A : i1 to vector<16xi1>
    %reduce_max3A_9 = arith.constant -2147483648 : i32
    %reduce_max3A_10 = vector.broadcast %reduce_max3A_9 : i32 to vector<16xi32>
    %reduce_max3A_11 = arith.xori %select_n3A, %reduce_max3A_10 : vector<16xi32>
    %reduce_max3A_12 = tpu.scan <max>, %reduce_max3A_11 masked %reduce_max3A_8 : vector<16xi32>, vector<16xi1> -> vector<16xi32>
    %reduce_max3A_13 = arith.xori %reduce_max3A_12, %reduce_max3A_10 : vector<16xi32>
    %reduce_max3A_14 = vector.extract %reduce_max3A_13[15] : i32 from vector<16xi32>
    %and3A_15 = arith.constant -128 : i32
    %and3A_16 = arith.andi %reduce_max3A_14, %and3A_15 : i32
    %min3A = arith.constant 999808 : i32
    %min3A_17 = arith.minsi %and3A_16, %min3A : i32
    %multiple_of3A = tpu.assume_multiple %min3A_17, 128 : i32
    %dma_start3A = arith.constant 0 : i32
    %dma_start3A_18 = arith.constant 0 : i32
    %dma_start3A_19 = tpu.memref_slice %arg9[%dma_start3A, %dma_start3A_18] : memref<32x128xf32, #tpu.memory_space<vmem>> -> memref<8x128xf32, #tpu.memory_space<vmem>>
    %dma_start3A_20 = arith.constant 0 : i32
    %dma_start3A_21 = tpu.memref_slice %arg2[%dma_start3A_20, %multiple_of3A] : memref<32x1000000xf32, #tpu.memory_space<hbm>> -> memref<8x128xf32, #tpu.memory_space<hbm>>
    %dma_start3A_22 = arith.constant 0 : i32
    %dma_start3A_23 = arith.constant 0 : i32
    %dma_start3A_24 = tpu.memref_slice %arg9[%dma_start3A_22, %dma_start3A_23] : memref<32x128xf32, #tpu.memory_space<vmem>> -> memref<8x128xf32, #tpu.memory_space<vmem>>
    %dma_start3A_25 = arith.constant 0 : i32
    %dma_start3A_26 = tpu.memref_slice %arg2[%dma_start3A_25, %multiple_of3A] : memref<32x1000000xf32, #tpu.memory_space<hbm>> -> memref<8x128xf32, #tpu.memory_space<hbm>>
    tpu.enqueue_dma source(%dma_start3A_26 : memref<8x128xf32, #tpu.memory_space<hbm>>) target(%dma_start3A_24 : memref<8x128xf32, #tpu.memory_space<vmem>>) target_semaphore(%arg17 : memref<!tpu.dma_semaphore, #tpu.memory_space<semaphore_mem>>)
    %dma_start3A_27 = arith.constant 8 : i32
    %dma_start3A_28 = arith.constant 0 : i32
    %dma_start3A_29 = tpu.memref_slice %arg9[%dma_start3A_27, %dma_start3A_28] : memref<32x128xf32, #tpu.memory_space<vmem>> -> memref<8x128xf32, #tpu.memory_space<vmem>>
    %dma_start3A_30 = arith.constant 8 : i32
    %dma_start3A_31 = tpu.memref_slice %arg2[%dma_start3A_30, %multiple_of3A] : memref<32x1000000xf32, #tpu.memory_space<hbm>> -> memref<8x128xf32, #tpu.memory_space<hbm>>
    %dma_start3A_32 = arith.constant 8 : i32
    %dma_start3A_33 = arith.constant 0 : i32
    %dma_start3A_34 = tpu.memref_slice %arg9[%dma_start3A_32, %dma_start3A_33] : memref<32x128xf32, #tpu.memory_space<vmem>> -> memref<8x128xf32, #tpu.memory_space<vmem>>
    %dma_start3A_35 = arith.constant 8 : i32
    %dma_start3A_36 = tpu.memref_slice %arg2[%dma_start3A_35, %multiple_of3A] : memref<32x1000000xf32, #tpu.memory_space<hbm>> -> memref<8x128xf32, #tpu.memory_space<hbm>>
    tpu.enqueue_dma source(%dma_start3A_36 : memref<8x128xf32, #tpu.memory_space<hbm>>) target(%dma_start3A_34 : memref<8x128xf32, #tpu.memory_space<vmem>>) target_semaphore(%arg17 : memref<!tpu.dma_semaphore, #tpu.memory_space<semaphore_mem>>)
    %dma_start3A_37 = arith.constant 16 : i32
    %dma_start3A_38 = arith.constant 0 : i32
    %dma_start3A_39 = tpu.memref_slice %arg9[%dma_start3A_37, %dma_start3A_38] : memref<32x128xf32, #tpu.memory_space<vmem>> -> memref<8x128xf32, #tpu.memory_space<vmem>>
    %dma_start3A_40 = arith.constant 16 : i32
    %dma_start3A_41 = tpu.memref_slice %arg2[%dma_start3A_40, %multiple_of3A] : memref<32x1000000xf32, #tpu.memory_space<hbm>> -> memref<8x128xf32, #tpu.memory_space<hbm>>
    %dma_start3A_42 = arith.constant 16 : i32
    %dma_start3A_43 = arith.constant 0 : i32
    %dma_start3A_44 = tpu.memref_slice %arg9[%dma_start3A_42, %dma_start3A_43] : memref<32x128xf32, #tpu.memory_space<vmem>> -> memref<8x128xf32, #tpu.memory_space<vmem>>
    %dma_start3A_45 = arith.constant 16 : i32
    %dma_start3A_46 = tpu.memref_slice %arg2[%dma_start3A_45, %multiple_of3A] : memref<32x1000000xf32, #tpu.memory_space<hbm>> -> memref<8x128xf32, #tpu.memory_space<hbm>>
    tpu.enqueue_dma source(%dma_start3A_46 : memref<8x128xf32, #tpu.memory_space<hbm>>) target(%dma_start3A_44 : memref<8x128xf32, #tpu.memory_space<vmem>>) target_semaphore(%arg17 : memref<!tpu.dma_semaphore, #tpu.memory_space<semaphore_mem>>)
    %dma_start3A_47 = arith.constant 24 : i32
    %dma_start3A_48 = arith.constant 0 : i32
    %dma_start3A_49 = tpu.memref_slice %arg9[%dma_start3A_47, %dma_start3A_48] : memref<32x128xf32, #tpu.memory_space<vmem>> -> memref<8x128xf32, #tpu.memory_space<vmem>>
    %dma_start3A_50 = arith.constant 24 : i32
    %dma_start3A_51 = tpu.memref_slice %arg2[%dma_start3A_50, %multiple_of3A] : memref<32x1000000xf32, #tpu.memory_space<hbm>> -> memref<8x128xf32, #tpu.memory_space<hbm>>
    %dma_start3A_52 = arith.constant 24 : i32
    %dma_start3A_53 = arith.constant 0 : i32
    %dma_start3A_54 = tpu.memref_slice %arg9[%dma_start3A_52, %dma_start3A_53] : memref<32x128xf32, #tpu.memory_space<vmem>> -> memref<8x128xf32, #tpu.memory_space<vmem>>
    %dma_start3A_55 = arith.constant 24 : i32
    %dma_start3A_56 = tpu.memref_slice %arg2[%dma_start3A_55, %multiple_of3A] : memref<32x1000000xf32, #tpu.memory_space<hbm>> -> memref<8x128xf32, #tpu.memory_space<hbm>>
    tpu.enqueue_dma source(%dma_start3A_56 : memref<8x128xf32, #tpu.memory_space<hbm>>) target(%dma_start3A_54 : memref<8x128xf32, #tpu.memory_space<vmem>>) target_semaphore(%arg17 : memref<!tpu.dma_semaphore, #tpu.memory_space<semaphore_mem>>)
    %and3A_57 = arith.constant 1 : i32
    %and3A_58 = arith.constant -16 : i32
    %and3A_59 = arith.andi %and3A_57, %and3A_58 : i32
    %get3A_60 = arith.index_cast %and3A_59 : i32 to index
    %get3A_61 = tpu.vector_load %arg6[%get3A_60] {strides = array<i32>} : memref<512xi32, #tpu.memory_space<vmem>>, vector<16xi32>,
    %sub3A_62 = arith.constant 1 : i32
    %sub3A_63 = arith.subi %sub3A_62, %and3A_59 : i32
    %eq3A_64 = vector.broadcast %sub3A_63 : i32 to vector<16xi32>
    %eq3A_65 = arith.cmpi eq, %iota3A, %eq3A_64 : vector<16xi32>
    %jit3A_66 = arith.constant 0 : i32
    %broadcast_in_dim3A_67 = vector.broadcast %jit3A_66 : i32 to vector<16xi32>
    %select_n3A_68 = arith.select %eq3A_65, %get3A_61, %broadcast_in_dim3A_67 : vector<16xi1>, vector<16xi32>
    %reduce_max3A_69 = arith.constant true
    %reduce_max3A_70 = vector.broadcast %reduce_max3A_69 : i1 to vector<16xi1>
    %reduce_max3A_71 = arith.constant -2147483648 : i32
    %reduce_max3A_72 = vector.broadcast %reduce_max3A_71 : i32 to vector<16xi32>
    %reduce_max3A_73 = arith.xori %select_n3A_68, %reduce_max3A_72 : vector<16xi32>
    %reduce_max3A_74 = tpu.scan <max>, %reduce_max3A_73 masked %reduce_max3A_70 : vector<16xi32>, vector<16xi1> -> vector<16xi32>
    %reduce_max3A_75 = arith.xori %reduce_max3A_74, %reduce_max3A_72 : vector<16xi32>
    %reduce_max3A_76 = vector.extract %reduce_max3A_75[15] : i32 from vector<16xi32>
    %and3A_77 = arith.constant -128 : i32
    %and3A_78 = arith.andi %reduce_max3A_76, %and3A_77 : i32
    %min3A_79 = arith.constant 999808 : i32
    %min3A_80 = arith.minsi %and3A_78, %min3A_79 : i32
    %multiple_of3A_81 = tpu.assume_multiple %min3A_80, 128 : i32
    %dma_start3A_82 = arith.constant 0 : i32
    %dma_start3A_83 = arith.constant 0 : i32
    %dma_start3A_84 = tpu.memref_slice %arg10[%dma_start3A_82, %dma_start3A_83] : memref<32x128xf32, #tpu.memory_space<vmem>> -> memref<8x128xf32, #tpu.memory_space<vmem>>
    %dma_start3A_85 = arith.constant 0 : i32
    %dma_start3A_86 = tpu.memref_slice %arg2[%dma_start3A_85, %multiple_of3A_81] : memref<32x1000000xf32, #tpu.memory_space<hbm>> -> memref<8x128xf32, #tpu.memory_space<hbm>>
    %dma_start3A_87 = arith.constant 0 : i32
    %dma_start3A_88 = arith.constant 0 : i32
    %dma_start3A_89 = tpu.memref_slice %arg10[%dma_start3A_87, %dma_start3A_88] : memref<32x128xf32, #tpu.memory_space<vmem>> -> memref<8x128xf32, #tpu.memory_space<vmem>>
    %dma_start3A_90 = arith.constant 0 : i32
    %dma_start3A_91 = tpu.memref_slice %arg2[%dma_start3A_90, %multiple_of3A_81] : memref<32x1000000xf32, #tpu.memory_space<hbm>> -> memref<8x128xf32, #tpu.memory_space<hbm>>
    tpu.enqueue_dma source(%dma_start3A_91 : memref<8x128xf32, #tpu.memory_space<hbm>>) target(%dma_start3A_89 : memref<8x128xf32, #tpu.memory_space<vmem>>) target_semaphore(%arg18 : memref<!tpu.dma_semaphore, #tpu.memory_space<semaphore_mem>>)
    %dma_start3A_92 = arith.constant 8 : i32
    %dma_start3A_93 = arith.constant 0 : i32
    %dma_start3A_94 = tpu.memref_slice %arg10[%dma_start3A_92, %dma_start3A_93] : memref<32x128xf32, #tpu.memory_space<vmem>> -> memref<8x128xf32, #tpu.memory_space<vmem>>
    %dma_start3A_95 = arith.constant 8 : i32
    %dma_start3A_96 = tpu.memref_slice %arg2[%dma_start3A_95, %multiple_of3A_81] : memref<32x1000000xf32, #tpu.memory_space<hbm>> -> memref<8x128xf32, #tpu.memory_space<hbm>>
    %dma_start3A_97 = arith.constant 8 : i32
    %dma_start3A_98 = arith.constant 0 : i32
    %dma_start3A_99 = tpu.memref_slice %arg10[%dma_start3A_97, %dma_start3A_98] : memref<32x128xf32, #tpu.memory_space<vmem>> -> memref<8x128xf32, #tpu.memory_space<vmem>>
    %dma_start3A_100 = arith.constant 8 : i32
    %dma_start3A_101 = tpu.memref_slice %arg2[%dma_start3A_100, %multiple_of3A_81] : memref<32x1000000xf32, #tpu.memory_space<hbm>> -> memref<8x128xf32, #tpu.memory_space<hbm>>
    tpu.enqueue_dma source(%dma_start3A_101 : memref<8x128xf32, #tpu.memory_space<hbm>>) target(%dma_start3A_99 : memref<8x128xf32, #tpu.memory_space<vmem>>) target_semaphore(%arg18 : memref<!tpu.dma_semaphore, #tpu.memory_space<semaphore_mem>>)
    %dma_start3A_102 = arith.constant 16 : i32
    %dma_start3A_103 = arith.constant 0 : i32
    %dma_start3A_104 = tpu.memref_slice %arg10[%dma_start3A_102, %dma_start3A_103] : memref<32x128xf32, #tpu.memory_space<vmem>> -> memref<8x128xf32, #tpu.memory_space<vmem>>
    %dma_start3A_105 = arith.constant 16 : i32
    %dma_start3A_106 = tpu.memref_slice %arg2[%dma_start3A_105, %multiple_of3A_81] : memref<32x1000000xf32, #tpu.memory_space<hbm>> -> memref<8x128xf32, #tpu.memory_space<hbm>>
    %dma_start3A_107 = arith.constant 16 : i32
    %dma_start3A_108 = arith.constant 0 : i32
    %dma_start3A_109 = tpu.memref_slice %arg10[%dma_start3A_107, %dma_start3A_108] : memref<32x128xf32, #tpu.memory_space<vmem>> -> memref<8x128xf32, #tpu.memory_space<vmem>>
    %dma_start3A_110 = arith.constant 16 : i32
    %dma_start3A_111 = tpu.memref_slice %arg2[%dma_start3A_110, %multiple_of3A_81] : memref<32x1000000xf32, #tpu.memory_space<hbm>> -> memref<8x128xf32, #tpu.memory_space<hbm>>
    tpu.enqueue_dma source(%dma_start3A_111 : memref<8x128xf32, #tpu.memory_space<hbm>>) target(%dma_start3A_109 : memref<8x128xf32, #tpu.memory_space<vmem>>) target_semaphore(%arg18 : memref<!tpu.dma_semaphore, #tpu.memory_space<semaphore_mem>>)
    %dma_start3A_112 = arith.constant 24 : i32
    %dma_start3A_113 = arith.constant 0 : i32
    %dma_start3A_114 = tpu.memref_slice %arg10[%dma_start3A_112, %dma_start3A_113] : memref<32x128xf32, #tpu.memory_space<vmem>> -> memref<8x128xf32, #tpu.memory_space<vmem>>
    %dma_start3A_115 = arith.constant 24 : i32
    %dma_start3A_116 = tpu.memref_slice %arg2[%dma_start3A_115, %multiple_of3A_81] : memref<32x1000000xf32, #tpu.memory_space<hbm>> -> memref<8x128xf32, #tpu.memory_space<hbm>>
    %dma_start3A_117 = arith.constant 24 : i32
    %dma_start3A_118 = arith.constant 0 : i32
    %dma_start3A_119 = tpu.memref_slice %arg10[%dma_start3A_117, %dma_start3A_118] : memref<32x128xf32, #tpu.memory_space<vmem>> -> memref<8x128xf32, #tpu.memory_space<vmem>>
    %dma_start3A_120 = arith.constant 24 : i32
    %dma_start3A_121 = tpu.memref_slice %arg2[%dma_start3A_120, %multiple_of3A_81] : memref<32x1000000xf32, #tpu.memory_space<hbm>> -> memref<8x128xf32, #tpu.memory_space<hbm>>
    tpu.enqueue_dma source(%dma_start3A_121 : memref<8x128xf32, #tpu.memory_space<hbm>>) target(%dma_start3A_119 : memref<8x128xf32, #tpu.memory_space<vmem>>) target_semaphore(%arg18 : memref<!tpu.dma_semaphore, #tpu.memory_space<semaphore_mem>>)
    %and3A_122 = arith.constant 2 : i32
    %and3A_123 = arith.constant -16 : i32
    %and3A_124 = arith.andi %and3A_122, %and3A_123 : i32
    %get3A_125 = arith.index_cast %and3A_124 : i32 to index
    %get3A_126 = tpu.vector_load %arg6[%get3A_125] {strides = array<i32>} : memref<512xi32, #tpu.memory_space<vmem>>, vector<16xi32>,
    %sub3A_127 = arith.constant 2 : i32
    %sub3A_128 = arith.subi %sub3A_127, %and3A_124 : i32
    %eq3A_129 = vector.broadcast %sub3A_128 : i32 to vector<16xi32>
    %eq3A_130 = arith.cmpi eq, %iota3A, %eq3A_129 : vector<16xi32>
    %jit3A_131 = arith.constant 0 : i32
    %broadcast_in_dim3A_132 = vector.broadcast %jit3A_131 : i32 to vector<16xi32>
    %select_n3A_133 = arith.select %eq3A_130, %get3A_126, %broadcast_in_dim3A_132 : vector<16xi1>, vector<16xi32>
    %reduce_max3A_134 = arith.constant true
    %reduce_max3A_135 = vector.broadcast %reduce_max3A_134 : i1 to vector<16xi1>
    %reduce_max3A_136 = arith.constant -2147483648 : i32
    %reduce_max3A_137 = vector.broadcast %reduce_max3A_136 : i32 to vector<16xi32>
    %reduce_max3A_138 = arith.xori %select_n3A_133, %reduce_max3A_137 : vector<16xi32>
    %reduce_max3A_139 = tpu.scan <max>, %reduce_max3A_138 masked %reduce_max3A_135 : vector<16xi32>, vector<16xi1> -> vector<16xi32>
    %reduce_max3A_140 = arith.xori %reduce_max3A_139, %reduce_max3A_137 : vector<16xi32>
    %reduce_max3A_141 = vector.extract %reduce_max3A_140[15] : i32 from vector<16xi32>
    %and3A_142 = arith.constant -128 : i32
    %and3A_143 = arith.andi %reduce_max3A_141, %and3A_142 : i32
    %min3A_144 = arith.constant 999808 : i32
    %min3A_145 = arith.minsi %and3A_143, %min3A_144 : i32
    %multiple_of3A_146 = tpu.assume_multiple %min3A_145, 128 : i32
    %dma_start3A_147 = arith.constant 0 : i32
    %dma_start3A_148 = arith.constant 0 : i32
    %dma_start3A_149 = tpu.memref_slice %arg11[%dma_start3A_147, %dma_start3A_148] : memref<32x128xf32, #tpu.memory_space<vmem>> -> memref<8x128xf32, #tpu.memory_space<vmem>>
    %dma_start3A_150 = arith.constant 0 : i32
    %dma_start3A_151 = tpu.memref_slice %arg2[%dma_start3A_150, %multiple_of3A_146] : memref<32x1000000xf32, #tpu.memory_space<hbm>> -> memref<8x128xf32, #tpu.memory_space<hbm>>
    %dma_start3A_152 = arith.constant 0 : i32
    %dma_start3A_153 = arith.constant 0 : i32
    %dma_start3A_154 = tpu.memref_slice %arg11[%dma_start3A_152, %dma_start3A_153] : memref<32x128xf32, #tpu.memory_space<vmem>> -> memref<8x128xf32, #tpu.memory_space<vmem>>
    %dma_start3A_155 = arith.constant 0 : i32
    %dma_start3A_156 = tpu.memref_slice %arg2[%dma_start3A_155, %multiple_of3A_146] : memref<32x1000000xf32, #tpu.memory_space<hbm>> -> memref<8x128xf32, #tpu.memory_space<hbm>>
    tpu.enqueue_dma source(%dma_start3A_156 : memref<8x128xf32, #tpu.memory_space<hbm>>) target(%dma_start3A_154 : memref<8x128xf32, #tpu.memory_space<vmem>>) target_semaphore(%arg19 : memref<!tpu.dma_semaphore, #tpu.memory_space<semaphore_mem>>)
    %dma_start3A_157 = arith.constant 8 : i32
    %dma_start3A_158 = arith.constant 0 : i32
    %dma_start3A_159 = tpu.memref_slice %arg11[%dma_start3A_157, %dma_start3A_158] : memref<32x128xf32, #tpu.memory_space<vmem>> -> memref<8x128xf32, #tpu.memory_space<vmem>>
    %dma_start3A_160 = arith.constant 8 : i32
    %dma_start3A_161 = tpu.memref_slice %arg2[%dma_start3A_160, %multiple_of3A_146] : memref<32x1000000xf32, #tpu.memory_space<hbm>> -> memref<8x128xf32, #tpu.memory_space<hbm>>
    %dma_start3A_162 = arith.constant 8 : i32
    %dma_start3A_163 = arith.constant 0 : i32
    %dma_start3A_164 = tpu.memref_slice %arg11[%dma_start3A_162, %dma_start3A_163] : memref<32x128xf32, #tpu.memory_space<vmem>> -> memref<8x128xf32, #tpu.memory_space<vmem>>
    %dma_start3A_165 = arith.constant 8 : i32
    %dma_start3A_166 = tpu.memref_slice %arg2[%dma_start3A_165, %multiple_of3A_146] : memref<32x1000000xf32, #tpu.memory_space<hbm>> -> memref<8x128xf32, #tpu.memory_space<hbm>>
    tpu.enqueue_dma source(%dma_start3A_166 : memref<8x128xf32, #tpu.memory_space<hbm>>) target(%dma_start3A_164 : memref<8x128xf32, #tpu.memory_space<vmem>>) target_semaphore(%arg19 : memref<!tpu.dma_semaphore, #tpu.memory_space<semaphore_mem>>)
    %dma_start3A_167 = arith.constant 16 : i32
    %dma_start3A_168 = arith.constant 0 : i32
    %dma_start3A_169 = tpu.memref_slice %arg11[%dma_start3A_167, %dma_start3A_168] : memref<32x128xf32, #tpu.memory_space<vmem>> -> memref<8x128xf32, #tpu.memory_space<vmem>>
    %dma_start3A_170 = arith.constant 16 : i32
    %dma_start3A_171 = tpu.memref_slice %arg2[%dma_start3A_170, %multiple_of3A_146] : memref<32x1000000xf32, #tpu.memory_space<hbm>> -> memref<8x128xf32, #tpu.memory_space<hbm>>
    %dma_start3A_172 = arith.constant 16 : i32
    %dma_start3A_173 = arith.constant 0 : i32
    %dma_start3A_174 = tpu.memref_slice %arg11[%dma_start3A_172, %dma_start3A_173] : memref<32x128xf32, #tpu.memory_space<vmem>> -> memref<8x128xf32, #tpu.memory_space<vmem>>
    %dma_start3A_175 = arith.constant 16 : i32
    %dma_start3A_176 = tpu.memref_slice %arg2[%dma_start3A_175, %multiple_of3A_146] : memref<32x1000000xf32, #tpu.memory_space<hbm>> -> memref<8x128xf32, #tpu.memory_space<hbm>>
    tpu.enqueue_dma source(%dma_start3A_176 : memref<8x128xf32, #tpu.memory_space<hbm>>) target(%dma_start3A_174 : memref<8x128xf32, #tpu.memory_space<vmem>>) target_semaphore(%arg19 : memref<!tpu.dma_semaphore, #tpu.memory_space<semaphore_mem>>)
    %dma_start3A_177 = arith.constant 24 : i32
    %dma_start3A_178 = arith.constant 0 : i32
    %dma_start3A_179 = tpu.memref_slice %arg11[%dma_start3A_177, %dma_start3A_178] : memref<32x128xf32, #tpu.memory_space<vmem>> -> memref<8x128xf32, #tpu.memory_space<vmem>>
    %dma_start3A_180 = arith.constant 24 : i32
    %dma_start3A_181 = tpu.memref_slice %arg2[%dma_start3A_180, %multiple_of3A_146] : memref<32x1000000xf32, #tpu.memory_space<hbm>> -> memref<8x128xf32, #tpu.memory_space<hbm>>
    %dma_start3A_182 = arith.constant 24 : i32
    %dma_start3A_183 = arith.constant 0 : i32
    %dma_start3A_184 = tpu.memref_slice %arg11[%dma_start3A_182, %dma_start3A_183] : memref<32x128xf32, #tpu.memory_space<vmem>> -> memref<8x128xf32, #tpu.memory_space<vmem>>
    %dma_start3A_185 = arith.constant 24 : i32
    %dma_start3A_186 = tpu.memref_slice %arg2[%dma_start3A_185, %multiple_of3A_146] : memref<32x1000000xf32, #tpu.memory_space<hbm>> -> memref<8x128xf32, #tpu.memory_space<hbm>>
    tpu.enqueue_dma source(%dma_start3A_186 : memref<8x128xf32, #tpu.memory_space<hbm>>) target(%dma_start3A_184 : memref<8x128xf32, #tpu.memory_space<vmem>>) target_semaphore(%arg19 : memref<!tpu.dma_semaphore, #tpu.memory_space<semaphore_mem>>)
    %and3A_187 = arith.constant 3 : i32
    %and3A_188 = arith.constant -16 : i32
    %and3A_189 = arith.andi %and3A_187, %and3A_188 : i32
    %get3A_190 = arith.index_cast %and3A_189 : i32 to index
    %get3A_191 = tpu.vector_load %arg6[%get3A_190] {strides = array<i32>} : memref<512xi32, #tpu.memory_space<vmem>>, vector<16xi32>,
    %sub3A_192 = arith.constant 3 : i32
    %sub3A_193 = arith.subi %sub3A_192, %and3A_189 : i32
    %eq3A_194 = vector.broadcast %sub3A_193 : i32 to vector<16xi32>
    %eq3A_195 = arith.cmpi eq, %iota3A, %eq3A_194 : vector<16xi32>
    %jit3A_196 = arith.constant 0 : i32
    %broadcast_in_dim3A_197 = vector.broadcast %jit3A_196 : i32 to vector<16xi32>
    %select_n3A_198 = arith.select %eq3A_195, %get3A_191, %broadcast_in_dim3A_197 : vector<16xi1>, vector<16xi32>
    %reduce_max3A_199 = arith.constant true
    %reduce_max3A_200 = vector.broadcast %reduce_max3A_199 : i1 to vector<16xi1>
    %reduce_max3A_201 = arith.constant -2147483648 : i32
    %reduce_max3A_202 = vector.broadcast %reduce_max3A_201 : i32 to vector<16xi32>
    %reduce_max3A_203 = arith.xori %select_n3A_198, %reduce_max3A_202 : vector<16xi32>
    %reduce_max3A_204 = tpu.scan <max>, %reduce_max3A_203 masked %reduce_max3A_200 : vector<16xi32>, vector<16xi1> -> vector<16xi32>
    %reduce_max3A_205 = arith.xori %reduce_max3A_204, %reduce_max3A_202 : vector<16xi32>
    %reduce_max3A_206 = vector.extract %reduce_max3A_205[15] : i32 from vector<16xi32>
    %and3A_207 = arith.constant -128 : i32
    %and3A_208 = arith.andi %reduce_max3A_206, %and3A_207 : i32
    %min3A_209 = arith.constant 999808 : i32
    %min3A_210 = arith.minsi %and3A_208, %min3A_209 : i32
    %multiple_of3A_211 = tpu.assume_multiple %min3A_210, 128 : i32
    %dma_start3A_212 = arith.constant 0 : i32
    %dma_start3A_213 = arith.constant 0 : i32
    %dma_start3A_214 = tpu.memref_slice %arg12[%dma_start3A_212, %dma_start3A_213] : memref<32x128xf32, #tpu.memory_space<vmem>> -> memref<8x128xf32, #tpu.memory_space<vmem>>
    %dma_start3A_215 = arith.constant 0 : i32
    %dma_start3A_216 = tpu.memref_slice %arg2[%dma_start3A_215, %multiple_of3A_211] : memref<32x1000000xf32, #tpu.memory_space<hbm>> -> memref<8x128xf32, #tpu.memory_space<hbm>>
    %dma_start3A_217 = arith.constant 0 : i32
    %dma_start3A_218 = arith.constant 0 : i32
    %dma_start3A_219 = tpu.memref_slice %arg12[%dma_start3A_217, %dma_start3A_218] : memref<32x128xf32, #tpu.memory_space<vmem>> -> memref<8x128xf32, #tpu.memory_space<vmem>>
    %dma_start3A_220 = arith.constant 0 : i32
    %dma_start3A_221 = tpu.memref_slice %arg2[%dma_start3A_220, %multiple_of3A_211] : memref<32x1000000xf32, #tpu.memory_space<hbm>> -> memref<8x128xf32, #tpu.memory_space<hbm>>
    tpu.enqueue_dma source(%dma_start3A_221 : memref<8x128xf32, #tpu.memory_space<hbm>>) target(%dma_start3A_219 : memref<8x128xf32, #tpu.memory_space<vmem>>) target_semaphore(%arg20 : memref<!tpu.dma_semaphore, #tpu.memory_space<semaphore_mem>>)
    %dma_start3A_222 = arith.constant 8 : i32
    %dma_start3A_223 = arith.constant 0 : i32
    %dma_start3A_224 = tpu.memref_slice %arg12[%dma_start3A_222, %dma_start3A_223] : memref<32x128xf32, #tpu.memory_space<vmem>> -> memref<8x128xf32, #tpu.memory_space<vmem>>
    %dma_start3A_225 = arith.constant 8 : i32
    %dma_start3A_226 = tpu.memref_slice %arg2[%dma_start3A_225, %multiple_of3A_211] : memref<32x1000000xf32, #tpu.memory_space<hbm>> -> memref<8x128xf32, #tpu.memory_space<hbm>>
    %dma_start3A_227 = arith.constant 8 : i32
    %dma_start3A_228 = arith.constant 0 : i32
    %dma_start3A_229 = tpu.memref_slice %arg12[%dma_start3A_227, %dma_start3A_228] : memref<32x128xf32, #tpu.memory_space<vmem>> -> memref<8x128xf32, #tpu.memory_space<vmem>>
    %dma_start3A_230 = arith.constant 8 : i32
    %dma_start3A_231 = tpu.memref_slice %arg2[%dma_start3A_230, %multiple_of3A_211] : memref<32x1000000xf32, #tpu.memory_space<hbm>> -> memref<8x128xf32, #tpu.memory_space<hbm>>
    tpu.enqueue_dma source(%dma_start3A_231 : memref<8x128xf32, #tpu.memory_space<hbm>>) target(%dma_start3A_229 : memref<8x128xf32, #tpu.memory_space<vmem>>) target_semaphore(%arg20 : memref<!tpu.dma_semaphore, #tpu.memory_space<semaphore_mem>>)
    %dma_start3A_232 = arith.constant 16 : i32
    %dma_start3A_233 = arith.constant 0 : i32
    %dma_start3A_234 = tpu.memref_slice %arg12[%dma_start3A_232, %dma_start3A_233] : memref<32x128xf32, #tpu.memory_space<vmem>> -> memref<8x128xf32, #tpu.memory_space<vmem>>
    %dma_start3A_235 = arith.constant 16 : i32
    %dma_start3A_236 = tpu.memref_slice %arg2[%dma_start3A_235, %multiple_of3A_211] : memref<32x1000000xf32, #tpu.memory_space<hbm>> -> memref<8x128xf32, #tpu.memory_space<hbm>>
    %dma_start3A_237 = arith.constant 16 : i32
    %dma_start3A_238 = arith.constant 0 : i32
    %dma_start3A_239 = tpu.memref_slice %arg12[%dma_start3A_237, %dma_start3A_238] : memref<32x128xf32, #tpu.memory_space<vmem>> -> memref<8x128xf32, #tpu.memory_space<vmem>>
    %dma_start3A_240 = arith.constant 16 : i32
    %dma_start3A_241 = tpu.memref_slice %arg2[%dma_start3A_240, %multiple_of3A_211] : memref<32x1000000xf32, #tpu.memory_space<hbm>> -> memref<8x128xf32, #tpu.memory_space<hbm>>
    tpu.enqueue_dma source(%dma_start3A_241 : memref<8x128xf32, #tpu.memory_space<hbm>>) target(%dma_start3A_239 : memref<8x128xf32, #tpu.memory_space<vmem>>) target_semaphore(%arg20 : memref<!tpu.dma_semaphore, #tpu.memory_space<semaphore_mem>>)
    %dma_start3A_242 = arith.constant 24 : i32
    %dma_start3A_243 = arith.constant 0 : i32
    %dma_start3A_244 = tpu.memref_slice %arg12[%dma_start3A_242, %dma_start3A_243] : memref<32x128xf32, #tpu.memory_space<vmem>> -> memref<8x128xf32, #tpu.memory_space<vmem>>
    %dma_start3A_245 = arith.constant 24 : i32
    %dma_start3A_246 = tpu.memref_slice %arg2[%dma_start3A_245, %multiple_of3A_211] : memref<32x1000000xf32, #tpu.memory_space<hbm>> -> memref<8x128xf32, #tpu.memory_space<hbm>>
    %dma_start3A_247 = arith.constant 24 : i32
    %dma_start3A_248 = arith.constant 0 : i32
    %dma_start3A_249 = tpu.memref_slice %arg12[%dma_start3A_247, %dma_start3A_248] : memref<32x128xf32, #tpu.memory_space<vmem>> -> memref<8x128xf32, #tpu.memory_space<vmem>>
    %dma_start3A_250 = arith.constant 24 : i32
    %dma_start3A_251 = tpu.memref_slice %arg2[%dma_start3A_250, %multiple_of3A_211] : memref<32x1000000xf32, #tpu.memory_space<hbm>> -> memref<8x128xf32, #tpu.memory_space<hbm>>
    tpu.enqueue_dma source(%dma_start3A_251 : memref<8x128xf32, #tpu.memory_space<hbm>>) target(%dma_start3A_249 : memref<8x128xf32, #tpu.memory_space<vmem>>) target_semaphore(%arg20 : memref<!tpu.dma_semaphore, #tpu.memory_space<semaphore_mem>>)
    %and3A_252 = arith.constant 4 : i32
    %and3A_253 = arith.constant -16 : i32
    %and3A_254 = arith.andi %and3A_252, %and3A_253 : i32
    %get3A_255 = arith.index_cast %and3A_254 : i32 to index
    %get3A_256 = tpu.vector_load %arg6[%get3A_255] {strides = array<i32>} : memref<512xi32, #tpu.memory_space<vmem>>, vector<16xi32>,
    %sub3A_257 = arith.constant 4 : i32
    %sub3A_258 = arith.subi %sub3A_257, %and3A_254 : i32
    %eq3A_259 = vector.broadcast %sub3A_258 : i32 to vector<16xi32>
    %eq3A_260 = arith.cmpi eq, %iota3A, %eq3A_259 : vector<16xi32>
    %jit3A_261 = arith.constant 0 : i32
    %broadcast_in_dim3A_262 = vector.broadcast %jit3A_261 : i32 to vector<16xi32>
    %select_n3A_263 = arith.select %eq3A_260, %get3A_256, %broadcast_in_dim3A_262 : vector<16xi1>, vector<16xi32>
    %reduce_max3A_264 = arith.constant true
    %reduce_max3A_265 = vector.broadcast %reduce_max3A_264 : i1 to vector<16xi1>
    %reduce_max3A_266 = arith.constant -2147483648 : i32
    %reduce_max3A_267 = vector.broadcast %reduce_max3A_266 : i32 to vector<16xi32>
    %reduce_max3A_268 = arith.xori %select_n3A_263, %reduce_max3A_267 : vector<16xi32>
    %reduce_max3A_269 = tpu.scan <max>, %reduce_max3A_268 masked %reduce_max3A_265 : vector<16xi32>, vector<16xi1> -> vector<16xi32>
    %reduce_max3A_270 = arith.xori %reduce_max3A_269, %reduce_max3A_267 : vector<16xi32>
    %reduce_max3A_271 = vector.extract %reduce_max3A_270[15] : i32 from vector<16xi32>
    %and3A_272 = arith.constant -128 : i32
    %and3A_273 = arith.andi %reduce_max3A_271, %and3A_272 : i32
    %min3A_274 = arith.constant 999808 : i32
    %min3A_275 = arith.minsi %and3A_273, %min3A_274 : i32
    %multiple_of3A_276 = tpu.assume_multiple %min3A_275, 128 : i32
    %dma_start3A_277 = arith.constant 0 : i32
    %dma_start3A_278 = arith.constant 0 : i32
    %dma_start3A_279 = tpu.memref_slice %arg13[%dma_start3A_277, %dma_start3A_278] : memref<32x128xf32, #tpu.memory_space<vmem>> -> memref<8x128xf32, #tpu.memory_space<vmem>>
    %dma_start3A_280 = arith.constant 0 : i32
    %dma_start3A_281 = tpu.memref_slice %arg2[%dma_start3A_280, %multiple_of3A_276] : memref<32x1000000xf32, #tpu.memory_space<hbm>> -> memref<8x128xf32, #tpu.memory_space<hbm>>
    %dma_start3A_282 = arith.constant 0 : i32
    %dma_start3A_283 = arith.constant 0 : i32
    %dma_start3A_284 = tpu.memref_slice %arg13[%dma_start3A_282, %dma_start3A_283] : memref<32x128xf32, #tpu.memory_space<vmem>> -> memref<8x128xf32, #tpu.memory_space<vmem>>
    %dma_start3A_285 = arith.constant 0 : i32
    %dma_start3A_286 = tpu.memref_slice %arg2[%dma_start3A_285, %multiple_of3A_276] : memref<32x1000000xf32, #tpu.memory_space<hbm>> -> memref<8x128xf32, #tpu.memory_space<hbm>>
    tpu.enqueue_dma source(%dma_start3A_286 : memref<8x128xf32, #tpu.memory_space<hbm>>) target(%dma_start3A_284 : memref<8x128xf32, #tpu.memory_space<vmem>>) target_semaphore(%arg21 : memref<!tpu.dma_semaphore, #tpu.memory_space<semaphore_mem>>)
    %dma_start3A_287 = arith.constant 8 : i32
    %dma_start3A_288 = arith.constant 0 : i32
    %dma_start3A_289 = tpu.memref_slice %arg13[%dma_start3A_287, %dma_start3A_288] : memref<32x128xf32, #tpu.memory_space<vmem>> -> memref<8x128xf32, #tpu.memory_space<vmem>>
    %dma_start3A_290 = arith.constant 8 : i32
    %dma_start3A_291 = tpu.memref_slice %arg2[%dma_start3A_290, %multiple_of3A_276] : memref<32x1000000xf32, #tpu.memory_space<hbm>> -> memref<8x128xf32, #tpu.memory_space<hbm>>
    %dma_start3A_292 = arith.constant 8 : i32
    %dma_start3A_293 = arith.constant 0 : i32
    %dma_start3A_294 = tpu.memref_slice %arg13[%dma_start3A_292, %dma_start3A_293] : memref<32x128xf32, #tpu.memory_space<vmem>> -> memref<8x128xf32, #tpu.memory_space<vmem>>
    %dma_start3A_295 = arith.constant 8 : i32
    %dma_start3A_296 = tpu.memref_slice %arg2[%dma_start3A_295, %multiple_of3A_276] : memref<32x1000000xf32, #tpu.memory_space<hbm>> -> memref<8x128xf32, #tpu.memory_space<hbm>>
    tpu.enqueue_dma source(%dma_start3A_296 : memref<8x128xf32, #tpu.memory_space<hbm>>) target(%dma_start3A_294 : memref<8x128xf32, #tpu.memory_space<vmem>>) target_semaphore(%arg21 : memref<!tpu.dma_semaphore, #tpu.memory_space<semaphore_mem>>)
    %dma_start3A_297 = arith.constant 16 : i32
    %dma_start3A_298 = arith.constant 0 : i32
    %dma_start3A_299 = tpu.memref_slice %arg13[%dma_start3A_297, %dma_start3A_298] : memref<32x128xf32, #tpu.memory_space<vmem>> -> memref<8x128xf32, #tpu.memory_space<vmem>>
    %dma_start3A_300 = arith.constant 16 : i32
    %dma_start3A_301 = tpu.memref_slice %arg2[%dma_start3A_300, %multiple_of3A_276] : memref<32x1000000xf32, #tpu.memory_space<hbm>> -> memref<8x128xf32, #tpu.memory_space<hbm>>
    %dma_start3A_302 = arith.constant 16 : i32
    %dma_start3A_303 = arith.constant 0 : i32
    %dma_start3A_304 = tpu.memref_slice %arg13[%dma_start3A_302, %dma_start3A_303] : memref<32x128xf32, #tpu.memory_space<vmem>> -> memref<8x128xf32, #tpu.memory_space<vmem>>
    %dma_start3A_305 = arith.constant 16 : i32
    %dma_start3A_306 = tpu.memref_slice %arg2[%dma_start3A_305, %multiple_of3A_276] : memref<32x1000000xf32, #tpu.memory_space<hbm>> -> memref<8x128xf32, #tpu.memory_space<hbm>>
    tpu.enqueue_dma source(%dma_start3A_306 : memref<8x128xf32, #tpu.memory_space<hbm>>) target(%dma_start3A_304 : memref<8x128xf32, #tpu.memory_space<vmem>>) target_semaphore(%arg21 : memref<!tpu.dma_semaphore, #tpu.memory_space<semaphore_mem>>)
    %dma_start3A_307 = arith.constant 24 : i32
    %dma_start3A_308 = arith.constant 0 : i32
    %dma_start3A_309 = tpu.memref_slice %arg13[%dma_start3A_307, %dma_start3A_308] : memref<32x128xf32, #tpu.memory_space<vmem>> -> memref<8x128xf32, #tpu.memory_space<vmem>>
    %dma_start3A_310 = arith.constant 24 : i32
    %dma_start3A_311 = tpu.memref_slice %arg2[%dma_start3A_310, %multiple_of3A_276] : memref<32x1000000xf32, #tpu.memory_space<hbm>> -> memref<8x128xf32, #tpu.memory_space<hbm>>
    %dma_start3A_312 = arith.constant 24 : i32
    %dma_start3A_313 = arith.constant 0 : i32
    %dma_start3A_314 = tpu.memref_slice %arg13[%dma_start3A_312, %dma_start3A_313] : memref<32x128xf32, #tpu.memory_space<vmem>> -> memref<8x128xf32, #tpu.memory_space<vmem>>
    %dma_start3A_315 = arith.constant 24 : i32
    %dma_start3A_316 = tpu.memref_slice %arg2[%dma_start3A_315, %multiple_of3A_276] : memref<32x1000000xf32, #tpu.memory_space<hbm>> -> memref<8x128xf32, #tpu.memory_space<hbm>>
    tpu.enqueue_dma source(%dma_start3A_316 : memref<8x128xf32, #tpu.memory_space<hbm>>) target(%dma_start3A_314 : memref<8x128xf32, #tpu.memory_space<vmem>>) target_semaphore(%arg21 : memref<!tpu.dma_semaphore, #tpu.memory_space<semaphore_mem>>)
    %and3A_317 = arith.constant 5 : i32
    %and3A_318 = arith.constant -16 : i32
    %and3A_319 = arith.andi %and3A_317, %and3A_318 : i32
    %get3A_320 = arith.index_cast %and3A_319 : i32 to index
    %get3A_321 = tpu.vector_load %arg6[%get3A_320] {strides = array<i32>} : memref<512xi32, #tpu.memory_space<vmem>>, vector<16xi32>,
    %sub3A_322 = arith.constant 5 : i32
    %sub3A_323 = arith.subi %sub3A_322, %and3A_319 : i32
    %eq3A_324 = vector.broadcast %sub3A_323 : i32 to vector<16xi32>
    %eq3A_325 = arith.cmpi eq, %iota3A, %eq3A_324 : vector<16xi32>
    %jit3A_326 = arith.constant 0 : i32
    %broadcast_in_dim3A_327 = vector.broadcast %jit3A_326 : i32 to vector<16xi32>
    %select_n3A_328 = arith.select %eq3A_325, %get3A_321, %broadcast_in_dim3A_327 : vector<16xi1>, vector<16xi32>
    %reduce_max3A_329 = arith.constant true
    %reduce_max3A_330 = vector.broadcast %reduce_max3A_329 : i1 to vector<16xi1>
    %reduce_max3A_331 = arith.constant -2147483648 : i32
    %reduce_max3A_332 = vector.broadcast %reduce_max3A_331 : i32 to vector<16xi32>
    %reduce_max3A_333 = arith.xori %select_n3A_328, %reduce_max3A_332 : vector<16xi32>
    %reduce_max3A_334 = tpu.scan <max>, %reduce_max3A_333 masked %reduce_max3A_330 : vector<16xi32>, vector<16xi1> -> vector<16xi32>
    %reduce_max3A_335 = arith.xori %reduce_max3A_334, %reduce_max3A_332 : vector<16xi32>
    %reduce_max3A_336 = vector.extract %reduce_max3A_335[15] : i32 from vector<16xi32>
    %and3A_337 = arith.constant -128 : i32
    %and3A_338 = arith.andi %reduce_max3A_336, %and3A_337 : i32
    %min3A_339 = arith.constant 999808 : i32
    %min3A_340 = arith.minsi %and3A_338, %min3A_339 : i32
    %multiple_of3A_341 = tpu.assume_multiple %min3A_340, 128 : i32
    %dma_start3A_342 = arith.constant 0 : i32
    %dma_start3A_343 = arith.constant 0 : i32
    %dma_start3A_344 = tpu.memref_slice %arg14[%dma_start3A_342, %dma_start3A_343] : memref<32x128xf32, #tpu.memory_space<vmem>> -> memref<8x128xf32, #tpu.memory_space<vmem>>
    %dma_start3A_345 = arith.constant 0 : i32
    %dma_start3A_346 = tpu.memref_slice %arg2[%dma_start3A_345, %multiple_of3A_341] : memref<32x1000000xf32, #tpu.memory_space<hbm>> -> memref<8x128xf32, #tpu.memory_space<hbm>>
    %dma_start3A_347 = arith.constant 0 : i32
    %dma_start3A_348 = arith.constant 0 : i32
    %dma_start3A_349 = tpu.memref_slice %arg14[%dma_start3A_347, %dma_start3A_348] : memref<32x128xf32, #tpu.memory_space<vmem>> -> memref<8x128xf32, #tpu.memory_space<vmem>>
    %dma_start3A_350 = arith.constant 0 : i32
    %dma_start3A_351 = tpu.memref_slice %arg2[%dma_start3A_350, %multiple_of3A_341] : memref<32x1000000xf32, #tpu.memory_space<hbm>> -> memref<8x128xf32, #tpu.memory_space<hbm>>
    tpu.enqueue_dma source(%dma_start3A_351 : memref<8x128xf32, #tpu.memory_space<hbm>>) target(%dma_start3A_349 : memref<8x128xf32, #tpu.memory_space<vmem>>) target_semaphore(%arg22 : memref<!tpu.dma_semaphore, #tpu.memory_space<semaphore_mem>>)
    %dma_start3A_352 = arith.constant 8 : i32
    %dma_start3A_353 = arith.constant 0 : i32
    %dma_start3A_354 = tpu.memref_slice %arg14[%dma_start3A_352, %dma_start3A_353] : memref<32x128xf32, #tpu.memory_space<vmem>> -> memref<8x128xf32, #tpu.memory_space<vmem>>
    %dma_start3A_355 = arith.constant 8 : i32
    %dma_start3A_356 = tpu.memref_slice %arg2[%dma_start3A_355, %multiple_of3A_341] : memref<32x1000000xf32, #tpu.memory_space<hbm>> -> memref<8x128xf32, #tpu.memory_space<hbm>>
    %dma_start3A_357 = arith.constant 8 : i32
    %dma_start3A_358 = arith.constant 0 : i32
    %dma_start3A_359 = tpu.memref_slice %arg14[%dma_start3A_357, %dma_start3A_358] : memref<32x128xf32, #tpu.memory_space<vmem>> -> memref<8x128xf32, #tpu.memory_space<vmem>>
    %dma_start3A_360 = arith.constant 8 : i32
    %dma_start3A_361 = tpu.memref_slice %arg2[%dma_start3A_360, %multiple_of3A_341] : memref<32x1000000xf32, #tpu.memory_space<hbm>> -> memref<8x128xf32, #tpu.memory_space<hbm>>
    tpu.enqueue_dma source(%dma_start3A_361 : memref<8x128xf32, #tpu.memory_space<hbm>>) target(%dma_start3A_359 : memref<8x128xf32, #tpu.memory_space<vmem>>) target_semaphore(%arg22 : memref<!tpu.dma_semaphore, #tpu.memory_space<semaphore_mem>>)
    %dma_start3A_362 = arith.constant 16 : i32
    %dma_start3A_363 = arith.constant 0 : i32
    %dma_start3A_364 = tpu.memref_slice %arg14[%dma_start3A_362, %dma_start3A_363] : memref<32x128xf32, #tpu.memory_space<vmem>> -> memref<8x128xf32, #tpu.memory_space<vmem>>
    %dma_start3A_365 = arith.constant 16 : i32
    %dma_start3A_366 = tpu.memref_slice %arg2[%dma_start3A_365, %multiple_of3A_341] : memref<32x1000000xf32, #tpu.memory_space<hbm>> -> memref<8x128xf32, #tpu.memory_space<hbm>>
    %dma_start3A_367 = arith.constant 16 : i32
    %dma_start3A_368 = arith.constant 0 : i32
    %dma_start3A_369 = tpu.memref_slice %arg14[%dma_start3A_367, %dma_start3A_368] : memref<32x128xf32, #tpu.memory_space<vmem>> -> memref<8x128xf32, #tpu.memory_space<vmem>>
    %dma_start3A_370 = arith.constant 16 : i32
    %dma_start3A_371 = tpu.memref_slice %arg2[%dma_start3A_370, %multiple_of3A_341] : memref<32x1000000xf32, #tpu.memory_space<hbm>> -> memref<8x128xf32, #tpu.memory_space<hbm>>
    tpu.enqueue_dma source(%dma_start3A_371 : memref<8x128xf32, #tpu.memory_space<hbm>>) target(%dma_start3A_369 : memref<8x128xf32, #tpu.memory_space<vmem>>) target_semaphore(%arg22 : memref<!tpu.dma_semaphore, #tpu.memory_space<semaphore_mem>>)
    %dma_start3A_372 = arith.constant 24 : i32
    %dma_start3A_373 = arith.constant 0 : i32
    %dma_start3A_374 = tpu.memref_slice %arg14[%dma_start3A_372, %dma_start3A_373] : memref<32x128xf32, #tpu.memory_space<vmem>> -> memref<8x128xf32, #tpu.memory_space<vmem>>
    %dma_start3A_375 = arith.constant 24 : i32
    %dma_start3A_376 = tpu.memref_slice %arg2[%dma_start3A_375, %multiple_of3A_341] : memref<32x1000000xf32, #tpu.memory_space<hbm>> -> memref<8x128xf32, #tpu.memory_space<hbm>>
    %dma_start3A_377 = arith.constant 24 : i32
    %dma_start3A_378 = arith.constant 0 : i32
    %dma_start3A_379 = tpu.memref_slice %arg14[%dma_start3A_377, %dma_start3A_378] : memref<32x128xf32, #tpu.memory_space<vmem>> -> memref<8x128xf32, #tpu.memory_space<vmem>>
    %dma_start3A_380 = arith.constant 24 : i32
    %dma_start3A_381 = tpu.memref_slice %arg2[%dma_start3A_380, %multiple_of3A_341] : memref<32x1000000xf32, #tpu.memory_space<hbm>> -> memref<8x128xf32, #tpu.memory_space<hbm>>
    tpu.enqueue_dma source(%dma_start3A_381 : memref<8x128xf32, #tpu.memory_space<hbm>>) target(%dma_start3A_379 : memref<8x128xf32, #tpu.memory_space<vmem>>) target_semaphore(%arg22 : memref<!tpu.dma_semaphore, #tpu.memory_space<semaphore_mem>>)
    %and3A_382 = arith.constant 6 : i32
    %and3A_383 = arith.constant -16 : i32
    %and3A_384 = arith.andi %and3A_382, %and3A_383 : i32
    %get3A_385 = arith.index_cast %and3A_384 : i32 to index
    %get3A_386 = tpu.vector_load %arg6[%get3A_385] {strides = array<i32>} : memref<512xi32, #tpu.memory_space<vmem>>, vector<16xi32>,
    %sub3A_387 = arith.constant 6 : i32
    %sub3A_388 = arith.subi %sub3A_387, %and3A_384 : i32
    %eq3A_389 = vector.broadcast %sub3A_388 : i32 to vector<16xi32>
    %eq3A_390 = arith.cmpi eq, %iota3A, %eq3A_389 : vector<16xi32>
    %jit3A_391 = arith.constant 0 : i32
    %broadcast_in_dim3A_392 = vector.broadcast %jit3A_391 : i32 to vector<16xi32>
    %select_n3A_393 = arith.select %eq3A_390, %get3A_386, %broadcast_in_dim3A_392 : vector<16xi1>, vector<16xi32>
    %reduce_max3A_394 = arith.constant true
    %reduce_max3A_395 = vector.broadcast %reduce_max3A_394 : i1 to vector<16xi1>
    %reduce_max3A_396 = arith.constant -2147483648 : i32
    %reduce_max3A_397 = vector.broadcast %reduce_max3A_396 : i32 to vector<16xi32>
    %reduce_max3A_398 = arith.xori %select_n3A_393, %reduce_max3A_397 : vector<16xi32>
    %reduce_max3A_399 = tpu.scan <max>, %reduce_max3A_398 masked %reduce_max3A_395 : vector<16xi32>, vector<16xi1> -> vector<16xi32>
    %reduce_max3A_400 = arith.xori %reduce_max3A_399, %reduce_max3A_397 : vector<16xi32>
    %reduce_max3A_401 = vector.extract %reduce_max3A_400[15] : i32 from vector<16xi32>
    %and3A_402 = arith.constant -128 : i32
    %and3A_403 = arith.andi %reduce_max3A_401, %and3A_402 : i32
    %min3A_404 = arith.constant 999808 : i32
    %min3A_405 = arith.minsi %and3A_403, %min3A_404 : i32
    %multiple_of3A_406 = tpu.assume_multiple %min3A_405, 128 : i32
    %dma_start3A_407 = arith.constant 0 : i32
    %dma_start3A_408 = arith.constant 0 : i32
    %dma_start3A_409 = tpu.memref_slice %arg15[%dma_start3A_407, %dma_start3A_408] : memref<32x128xf32, #tpu.memory_space<vmem>> -> memref<8x128xf32, #tpu.memory_space<vmem>>
    %dma_start3A_410 = arith.constant 0 : i32
    %dma_start3A_411 = tpu.memref_slice %arg2[%dma_start3A_410, %multiple_of3A_406] : memref<32x1000000xf32, #tpu.memory_space<hbm>> -> memref<8x128xf32, #tpu.memory_space<hbm>>
    %dma_start3A_412 = arith.constant 0 : i32
    %dma_start3A_413 = arith.constant 0 : i32
    %dma_start3A_414 = tpu.memref_slice %arg15[%dma_start3A_412, %dma_start3A_413] : memref<32x128xf32, #tpu.memory_space<vmem>> -> memref<8x128xf32, #tpu.memory_space<vmem>>
    %dma_start3A_415 = arith.constant 0 : i32
    %dma_start3A_416 = tpu.memref_slice %arg2[%dma_start3A_415, %multiple_of3A_406] : memref<32x1000000xf32, #tpu.memory_space<hbm>> -> memref<8x128xf32, #tpu.memory_space<hbm>>
    tpu.enqueue_dma source(%dma_start3A_416 : memref<8x128xf32, #tpu.memory_space<hbm>>) target(%dma_start3A_414 : memref<8x128xf32, #tpu.memory_space<vmem>>) target_semaphore(%arg23 : memref<!tpu.dma_semaphore, #tpu.memory_space<semaphore_mem>>)
    %dma_start3A_417 = arith.constant 8 : i32
    %dma_start3A_418 = arith.constant 0 : i32
    %dma_start3A_419 = tpu.memref_slice %arg15[%dma_start3A_417, %dma_start3A_418] : memref<32x128xf32, #tpu.memory_space<vmem>> -> memref<8x128xf32, #tpu.memory_space<vmem>>
    %dma_start3A_420 = arith.constant 8 : i32
    %dma_start3A_421 = tpu.memref_slice %arg2[%dma_start3A_420, %multiple_of3A_406] : memref<32x1000000xf32, #tpu.memory_space<hbm>> -> memref<8x128xf32, #tpu.memory_space<hbm>>
    %dma_start3A_422 = arith.constant 8 : i32
    %dma_start3A_423 = arith.constant 0 : i32
    %dma_start3A_424 = tpu.memref_slice %arg15[%dma_start3A_422, %dma_start3A_423] : memref<32x128xf32, #tpu.memory_space<vmem>> -> memref<8x128xf32, #tpu.memory_space<vmem>>
    %dma_start3A_425 = arith.constant 8 : i32
    %dma_start3A_426 = tpu.memref_slice %arg2[%dma_start3A_425, %multiple_of3A_406] : memref<32x1000000xf32, #tpu.memory_space<hbm>> -> memref<8x128xf32, #tpu.memory_space<hbm>>
    tpu.enqueue_dma source(%dma_start3A_426 : memref<8x128xf32, #tpu.memory_space<hbm>>) target(%dma_start3A_424 : memref<8x128xf32, #tpu.memory_space<vmem>>) target_semaphore(%arg23 : memref<!tpu.dma_semaphore, #tpu.memory_space<semaphore_mem>>)
    %dma_start3A_427 = arith.constant 16 : i32
    %dma_start3A_428 = arith.constant 0 : i32
    %dma_start3A_429 = tpu.memref_slice %arg15[%dma_start3A_427, %dma_start3A_428] : memref<32x128xf32, #tpu.memory_space<vmem>> -> memref<8x128xf32, #tpu.memory_space<vmem>>
    %dma_start3A_430 = arith.constant 16 : i32
    %dma_start3A_431 = tpu.memref_slice %arg2[%dma_start3A_430, %multiple_of3A_406] : memref<32x1000000xf32, #tpu.memory_space<hbm>> -> memref<8x128xf32, #tpu.memory_space<hbm>>
    %dma_start3A_432 = arith.constant 16 : i32
    %dma_start3A_433 = arith.constant 0 : i32
    %dma_start3A_434 = tpu.memref_slice %arg15[%dma_start3A_432, %dma_start3A_433] : memref<32x128xf32, #tpu.memory_space<vmem>> -> memref<8x128xf32, #tpu.memory_space<vmem>>
    %dma_start3A_435 = arith.constant 16 : i32
    %dma_start3A_436 = tpu.memref_slice %arg2[%dma_start3A_435, %multiple_of3A_406] : memref<32x1000000xf32, #tpu.memory_space<hbm>> -> memref<8x128xf32, #tpu.memory_space<hbm>>
    tpu.enqueue_dma source(%dma_start3A_436 : memref<8x128xf32, #tpu.memory_space<hbm>>) target(%dma_start3A_434 : memref<8x128xf32, #tpu.memory_space<vmem>>) target_semaphore(%arg23 : memref<!tpu.dma_semaphore, #tpu.memory_space<semaphore_mem>>)
    %dma_start3A_437 = arith.constant 24 : i32
    %dma_start3A_438 = arith.constant 0 : i32
    %dma_start3A_439 = tpu.memref_slice %arg15[%dma_start3A_437, %dma_start3A_438] : memref<32x128xf32, #tpu.memory_space<vmem>> -> memref<8x128xf32, #tpu.memory_space<vmem>>
    %dma_start3A_440 = arith.constant 24 : i32
    %dma_start3A_441 = tpu.memref_slice %arg2[%dma_start3A_440, %multiple_of3A_406] : memref<32x1000000xf32, #tpu.memory_space<hbm>> -> memref<8x128xf32, #tpu.memory_space<hbm>>
    %dma_start3A_442 = arith.constant 24 : i32
    %dma_start3A_443 = arith.constant 0 : i32
    %dma_start3A_444 = tpu.memref_slice %arg15[%dma_start3A_442, %dma_start3A_443] : memref<32x128xf32, #tpu.memory_space<vmem>> -> memref<8x128xf32, #tpu.memory_space<vmem>>
    %dma_start3A_445 = arith.constant 24 : i32
    %dma_start3A_446 = tpu.memref_slice %arg2[%dma_start3A_445, %multiple_of3A_406] : memref<32x1000000xf32, #tpu.memory_space<hbm>> -> memref<8x128xf32, #tpu.memory_space<hbm>>
    tpu.enqueue_dma source(%dma_start3A_446 : memref<8x128xf32, #tpu.memory_space<hbm>>) target(%dma_start3A_444 : memref<8x128xf32, #tpu.memory_space<vmem>>) target_semaphore(%arg23 : memref<!tpu.dma_semaphore, #tpu.memory_space<semaphore_mem>>)
    %and3A_447 = arith.constant 7 : i32
    %and3A_448 = arith.constant -16 : i32
    %and3A_449 = arith.andi %and3A_447, %and3A_448 : i32
    %get3A_450 = arith.index_cast %and3A_449 : i32 to index
    %get3A_451 = tpu.vector_load %arg6[%get3A_450] {strides = array<i32>} : memref<512xi32, #tpu.memory_space<vmem>>, vector<16xi32>,
    %sub3A_452 = arith.constant 7 : i32
    %sub3A_453 = arith.subi %sub3A_452, %and3A_449 : i32
    %eq3A_454 = vector.broadcast %sub3A_453 : i32 to vector<16xi32>
    %eq3A_455 = arith.cmpi eq, %iota3A, %eq3A_454 : vector<16xi32>
    %jit3A_456 = arith.constant 0 : i32
    %broadcast_in_dim3A_457 = vector.broadcast %jit3A_456 : i32 to vector<16xi32>
    %select_n3A_458 = arith.select %eq3A_455, %get3A_451, %broadcast_in_dim3A_457 : vector<16xi1>, vector<16xi32>
    %reduce_max3A_459 = arith.constant true
    %reduce_max3A_460 = vector.broadcast %reduce_max3A_459 : i1 to vector<16xi1>
    %reduce_max3A_461 = arith.constant -2147483648 : i32
    %reduce_max3A_462 = vector.broadcast %reduce_max3A_461 : i32 to vector<16xi32>
    %reduce_max3A_463 = arith.xori %select_n3A_458, %reduce_max3A_462 : vector<16xi32>
    %reduce_max3A_464 = tpu.scan <max>, %reduce_max3A_463 masked %reduce_max3A_460 : vector<16xi32>, vector<16xi1> -> vector<16xi32>
    %reduce_max3A_465 = arith.xori %reduce_max3A_464, %reduce_max3A_462 : vector<16xi32>
    %reduce_max3A_466 = vector.extract %reduce_max3A_465[15] : i32 from vector<16xi32>
    %and3A_467 = arith.constant -128 : i32
    %and3A_468 = arith.andi %reduce_max3A_466, %and3A_467 : i32
    %min3A_469 = arith.constant 999808 : i32
    %min3A_470 = arith.minsi %and3A_468, %min3A_469 : i32
    %multiple_of3A_471 = tpu.assume_multiple %min3A_470, 128 : i32
    %dma_start3A_472 = arith.constant 0 : i32
    %dma_start3A_473 = arith.constant 0 : i32
    %dma_start3A_474 = tpu.memref_slice %arg16[%dma_start3A_472, %dma_start3A_473] : memref<32x128xf32, #tpu.memory_space<vmem>> -> memref<8x128xf32, #tpu.memory_space<vmem>>
    %dma_start3A_475 = arith.constant 0 : i32
    %dma_start3A_476 = tpu.memref_slice %arg2[%dma_start3A_475, %multiple_of3A_471] : memref<32x1000000xf32, #tpu.memory_space<hbm>> -> memref<8x128xf32, #tpu.memory_space<hbm>>
    %dma_start3A_477 = arith.constant 0 : i32
    %dma_start3A_478 = arith.constant 0 : i32
    %dma_start3A_479 = tpu.memref_slice %arg16[%dma_start3A_477, %dma_start3A_478] : memref<32x128xf32, #tpu.memory_space<vmem>> -> memref<8x128xf32, #tpu.memory_space<vmem>>
    %dma_start3A_480 = arith.constant 0 : i32
    %dma_start3A_481 = tpu.memref_slice %arg2[%dma_start3A_480, %multiple_of3A_471] : memref<32x1000000xf32, #tpu.memory_space<hbm>> -> memref<8x128xf32, #tpu.memory_space<hbm>>
    tpu.enqueue_dma source(%dma_start3A_481 : memref<8x128xf32, #tpu.memory_space<hbm>>) target(%dma_start3A_479 : memref<8x128xf32, #tpu.memory_space<vmem>>) target_semaphore(%arg24 : memref<!tpu.dma_semaphore, #tpu.memory_space<semaphore_mem>>)
    %dma_start3A_482 = arith.constant 8 : i32
    %dma_start3A_483 = arith.constant 0 : i32
    %dma_start3A_484 = tpu.memref_slice %arg16[%dma_start3A_482, %dma_start3A_483] : memref<32x128xf32, #tpu.memory_space<vmem>> -> memref<8x128xf32, #tpu.memory_space<vmem>>
    %dma_start3A_485 = arith.constant 8 : i32
    %dma_start3A_486 = tpu.memref_slice %arg2[%dma_start3A_485, %multiple_of3A_471] : memref<32x1000000xf32, #tpu.memory_space<hbm>> -> memref<8x128xf32, #tpu.memory_space<hbm>>
    %dma_start3A_487 = arith.constant 8 : i32
    %dma_start3A_488 = arith.constant 0 : i32
    %dma_start3A_489 = tpu.memref_slice %arg16[%dma_start3A_487, %dma_start3A_488] : memref<32x128xf32, #tpu.memory_space<vmem>> -> memref<8x128xf32, #tpu.memory_space<vmem>>
    %dma_start3A_490 = arith.constant 8 : i32
    %dma_start3A_491 = tpu.memref_slice %arg2[%dma_start3A_490, %multiple_of3A_471] : memref<32x1000000xf32, #tpu.memory_space<hbm>> -> memref<8x128xf32, #tpu.memory_space<hbm>>
    tpu.enqueue_dma source(%dma_start3A_491 : memref<8x128xf32, #tpu.memory_space<hbm>>) target(%dma_start3A_489 : memref<8x128xf32, #tpu.memory_space<vmem>>) target_semaphore(%arg24 : memref<!tpu.dma_semaphore, #tpu.memory_space<semaphore_mem>>)
    %dma_start3A_492 = arith.constant 16 : i32
    %dma_start3A_493 = arith.constant 0 : i32
    %dma_start3A_494 = tpu.memref_slice %arg16[%dma_start3A_492, %dma_start3A_493] : memref<32x128xf32, #tpu.memory_space<vmem>> -> memref<8x128xf32, #tpu.memory_space<vmem>>
    %dma_start3A_495 = arith.constant 16 : i32
    %dma_start3A_496 = tpu.memref_slice %arg2[%dma_start3A_495, %multiple_of3A_471] : memref<32x1000000xf32, #tpu.memory_space<hbm>> -> memref<8x128xf32, #tpu.memory_space<hbm>>
    %dma_start3A_497 = arith.constant 16 : i32
    %dma_start3A_498 = arith.constant 0 : i32
    %dma_start3A_499 = tpu.memref_slice %arg16[%dma_start3A_497, %dma_start3A_498] : memref<32x128xf32, #tpu.memory_space<vmem>> -> memref<8x128xf32, #tpu.memory_space<vmem>>
    %dma_start3A_500 = arith.constant 16 : i32
    %dma_start3A_501 = tpu.memref_slice %arg2[%dma_start3A_500, %multiple_of3A_471] : memref<32x1000000xf32, #tpu.memory_space<hbm>> -> memref<8x128xf32, #tpu.memory_space<hbm>>
    tpu.enqueue_dma source(%dma_start3A_501 : memref<8x128xf32, #tpu.memory_space<hbm>>) target(%dma_start3A_499 : memref<8x128xf32, #tpu.memory_space<vmem>>) target_semaphore(%arg24 : memref<!tpu.dma_semaphore, #tpu.memory_space<semaphore_mem>>)
    %dma_start3A_502 = arith.constant 24 : i32
    %dma_start3A_503 = arith.constant 0 : i32
    %dma_start3A_504 = tpu.memref_slice %arg16[%dma_start3A_502, %dma_start3A_503] : memref<32x128xf32, #tpu.memory_space<vmem>> -> memref<8x128xf32, #tpu.memory_space<vmem>>
    %dma_start3A_505 = arith.constant 24 : i32
    %dma_start3A_506 = tpu.memref_slice %arg2[%dma_start3A_505, %multiple_of3A_471] : memref<32x1000000xf32, #tpu.memory_space<hbm>> -> memref<8x128xf32, #tpu.memory_space<hbm>>
    %dma_start3A_507 = arith.constant 24 : i32
    %dma_start3A_508 = arith.constant 0 : i32
    %dma_start3A_509 = tpu.memref_slice %arg16[%dma_start3A_507, %dma_start3A_508] : memref<32x128xf32, #tpu.memory_space<vmem>> -> memref<8x128xf32, #tpu.memory_space<vmem>>
    %dma_start3A_510 = arith.constant 24 : i32
    %dma_start3A_511 = tpu.memref_slice %arg2[%dma_start3A_510, %multiple_of3A_471] : memref<32x1000000xf32, #tpu.memory_space<hbm>> -> memref<8x128xf32, #tpu.memory_space<hbm>>
    tpu.enqueue_dma source(%dma_start3A_511 : memref<8x128xf32, #tpu.memory_space<hbm>>) target(%dma_start3A_509 : memref<8x128xf32, #tpu.memory_space<vmem>>) target_semaphore(%arg24 : memref<!tpu.dma_semaphore, #tpu.memory_space<semaphore_mem>>)
    %scan3A = arith.constant 0 : i32
    %scan3A_512 = arith.constant 0 : i32
    %scan3A_513 = arith.constant 64 : i32
    %scan3A_514 = arith.addi %scan3A_512, %scan3A_513 : i32
    %scan3A_515 = arith.constant 1 : i32
    scf.for %scan3A_564 = %scan3A_512 to %scan3A_514 step %scan3A_515  : i32 {
      %mul3A_565 = arith.constant 8 : i32
      %mul3A_566 = arith.muli %scan3A_564, %mul3A_565 : i32
      %add3A_567 = arith.constant 0 : i32
      %add3A_568 = arith.addi %mul3A_566, %add3A_567 : i32
      %dma_wait3A_569 = arith.constant 0 : i32
      %dma_wait3A_570 = arith.constant 0 : i32
      %dma_wait3A_571 = tpu.memref_slice %arg2[%dma_wait3A_569, %dma_wait3A_570] : memref<32x1000000xf32, #tpu.memory_space<hbm>> -> memref<32x128xf32, #tpu.memory_space<hbm>>
      %dma_wait3A_572 = arith.constant 0 : i32
      %dma_wait3A_573 = arith.constant 0 : i32
      %dma_wait3A_574 = tpu.memref_slice %arg2[%dma_wait3A_572, %dma_wait3A_573] : memref<32x1000000xf32, #tpu.memory_space<hbm>> -> memref<32x128xf32, #tpu.memory_space<hbm>>
      tpu.wait_dma2 semaphore(%arg17 : memref<!tpu.dma_semaphore, #tpu.memory_space<semaphore_mem>>) src(%dma_wait3A_574 : memref<32x128xf32, #tpu.memory_space<hbm>>) dst(%arg9 : memref<32x128xf32, #tpu.memory_space<vmem>>)
      %and3A_575 = arith.constant -16 : i32
      %and3A_576 = arith.andi %add3A_568, %and3A_575 : i32
      %get3A_577 = arith.index_cast %and3A_576 : i32 to index
      %get3A_578 = tpu.vector_load %arg6[%get3A_577] {strides = array<i32>} : memref<512xi32, #tpu.memory_space<vmem>>, vector<16xi32>,
      %sub3A_579 = arith.subi %add3A_568, %and3A_576 : i32
      %eq3A_580 = vector.broadcast %sub3A_579 : i32 to vector<16xi32>
      %eq3A_581 = arith.cmpi eq, %iota3A, %eq3A_580 : vector<16xi32>
      %jit3A_582 = arith.constant 0 : i32
      %broadcast_in_dim3A_583 = vector.broadcast %jit3A_582 : i32 to vector<16xi32>
      %select_n3A_584 = arith.select %eq3A_581, %get3A_578, %broadcast_in_dim3A_583 : vector<16xi1>, vector<16xi32>
      %reduce_max3A_585 = arith.constant true
      %reduce_max3A_586 = vector.broadcast %reduce_max3A_585 : i1 to vector<16xi1>
      %reduce_max3A_587 = arith.constant -2147483648 : i32
      %reduce_max3A_588 = vector.broadcast %reduce_max3A_587 : i32 to vector<16xi32>
      %reduce_max3A_589 = arith.xori %select_n3A_584, %reduce_max3A_588 : vector<16xi32>
      %reduce_max3A_590 = tpu.scan <max>, %reduce_max3A_589 masked %reduce_max3A_586 : vector<16xi32>, vector<16xi1> -> vector<16xi32>
      %reduce_max3A_591 = arith.xori %reduce_max3A_590, %reduce_max3A_588 : vector<16xi32>
      %reduce_max3A_592 = vector.extract %reduce_max3A_591[15] : i32 from vector<16xi32>
      %and3A_593 = arith.constant -128 : i32
      %and3A_594 = arith.andi %reduce_max3A_592, %and3A_593 : i32
      %min3A_595 = arith.constant 999808 : i32
      %min3A_596 = arith.minsi %and3A_594, %min3A_595 : i32
      %sub3A_597 = arith.subi %reduce_max3A_592, %min3A_596 : i32
      %min3A_598 = arith.constant 127 : i32
      %min3A_599 = arith.minsi %sub3A_597, %min3A_598 : i32
      %broadcast_in_dim3A_600 = vector.broadcast %min3A_599 : i32 to vector<16xi32>
      %gather3A = tpu.vector_load_idx %arg9[%iota3A, %broadcast_in_dim3A_600] : memref<32x128xf32, #tpu.memory_space<vmem>>[vector<16xi32>, vector<16xi32>], vector<16xf32>,
      %add3A_601 = arith.constant 16 : i32
      %add3A_602 = vector.broadcast %add3A_601 : i32 to vector<16xi32>
      %add3A_603 = arith.addi %iota3A, %add3A_602 : vector<16xi32>
      %gather3A_604 = tpu.vector_load_idx %arg9[%add3A_603, %broadcast_in_dim3A_600] : memref<32x128xf32, #tpu.memory_space<vmem>>[vector<16xi32>, vector<16xi32>], vector<16xf32>,
      %sub3A_605 = arith.constant 999936 : i32
      %sub3A_606 = arith.subi %reduce_max3A_592, %sub3A_605 : i32
      %max3A = arith.constant 0 : i32
      %max3A_607 = arith.maxsi %sub3A_606, %max3A : i32
      %mul3A_608 = arith.constant 32 : i32
      %mul3A_609 = arith.muli %max3A_607, %mul3A_608 : i32
      %broadcast_in_dim3A_610 = vector.broadcast %mul3A_609 : i32 to vector<16xi32>
      %add3A_611 = arith.addi %broadcast_in_dim3A_610, %iota3A : vector<16xi32>
      %gather3A_612 = tpu.vector_load_idx %arg8[%add3A_611] : memref<2048xf32, #tpu.memory_space<vmem>>[vector<16xi32>], vector<16xf32>,
      %add3A_613 = arith.constant 16 : i32
      %add3A_614 = vector.broadcast %add3A_613 : i32 to vector<16xi32>
      %add3A_615 = arith.addi %add3A_611, %add3A_614 : vector<16xi32>
      %gather3A_616 = tpu.vector_load_idx %arg8[%add3A_615] : memref<2048xf32, #tpu.memory_space<vmem>>[vector<16xi32>], vector<16xf32>,
      %ge3A = arith.constant 999936 : i32
      %ge3A_617 = arith.cmpi sge, %reduce_max3A_592, %ge3A : i32
      %broadcast_in_dim3A_618 = vector.broadcast %ge3A_617 : i1 to vector<16xi1>
      %select_n3A_619 = arith.select %broadcast_in_dim3A_618, %gather3A_612, %gather3A : vector<16xi1>, vector<16xf32>
      %select_n3A_620 = arith.select %broadcast_in_dim3A_618, %gather3A_616, %gather3A_604 : vector<16xi1>, vector<16xf32>
      %broadcast_in_dim3A_621 = vector.broadcast %add3A_568 : i32 to vector<16xi32>
      tpu.vector_store_idx %arg7[%iota3A, %broadcast_in_dim3A_621], %select_n3A_619 : memref<32x512xf32, #tpu.memory_space<vmem>>[vector<16xi32>, vector<16xi32>], vector<16xf32>,
      %add3A_622 = arith.constant 16 : i32
      %add3A_623 = vector.broadcast %add3A_622 : i32 to vector<16xi32>
      %add3A_624 = arith.addi %iota3A, %add3A_623 : vector<16xi32>
      tpu.vector_store_idx %arg7[%add3A_624, %broadcast_in_dim3A_621], %select_n3A_620 : memref<32x512xf32, #tpu.memory_space<vmem>>[vector<16xi32>, vector<16xi32>], vector<16xf32>,
      %add3A_625 = arith.constant 8 : i32
      %add3A_626 = arith.addi %add3A_568, %add3A_625 : i32
      %min3A_627 = arith.constant 511 : i32
      %min3A_628 = arith.minsi %add3A_626, %min3A_627 : i32
      %and3A_629 = arith.constant -16 : i32
      %and3A_630 = arith.andi %min3A_628, %and3A_629 : i32
      %get3A_631 = arith.index_cast %and3A_630 : i32 to index
      %get3A_632 = tpu.vector_load %arg6[%get3A_631] {strides = array<i32>} : memref<512xi32, #tpu.memory_space<vmem>>, vector<16xi32>,
      %sub3A_633 = arith.subi %min3A_628, %and3A_630 : i32
      %eq3A_634 = vector.broadcast %sub3A_633 : i32 to vector<16xi32>
      %eq3A_635 = arith.cmpi eq, %iota3A, %eq3A_634 : vector<16xi32>
      %jit3A_636 = arith.constant 0 : i32
      %broadcast_in_dim3A_637 = vector.broadcast %jit3A_636 : i32 to vector<16xi32>
      %select_n3A_638 = arith.select %eq3A_635, %get3A_632, %broadcast_in_dim3A_637 : vector<16xi1>, vector<16xi32>
      %reduce_max3A_639 = arith.constant true
      %reduce_max3A_640 = vector.broadcast %reduce_max3A_639 : i1 to vector<16xi1>
      %reduce_max3A_641 = arith.constant -2147483648 : i32
      %reduce_max3A_642 = vector.broadcast %reduce_max3A_641 : i32 to vector<16xi32>
      %reduce_max3A_643 = arith.xori %select_n3A_638, %reduce_max3A_642 : vector<16xi32>
      %reduce_max3A_644 = tpu.scan <max>, %reduce_max3A_643 masked %reduce_max3A_640 : vector<16xi32>, vector<16xi1> -> vector<16xi32>
      %reduce_max3A_645 = arith.xori %reduce_max3A_644, %reduce_max3A_642 : vector<16xi32>
      %reduce_max3A_646 = vector.extract %reduce_max3A_645[15] : i32 from vector<16xi32>
      %and3A_647 = arith.constant -128 : i32
      %and3A_648 = arith.andi %reduce_max3A_646, %and3A_647 : i32
      %min3A_649 = arith.constant 999808 : i32
      %min3A_650 = arith.minsi %and3A_648, %min3A_649 : i32
      %multiple_of3A_651 = tpu.assume_multiple %min3A_650, 128 : i32
      %dma_start3A_652 = arith.constant 0 : i32
      %dma_start3A_653 = arith.constant 0 : i32
      %dma_start3A_654 = tpu.memref_slice %arg9[%dma_start3A_652, %dma_start3A_653] : memref<32x128xf32, #tpu.memory_space<vmem>> -> memref<8x128xf32, #tpu.memory_space<vmem>>
      %dma_start3A_655 = arith.constant 0 : i32
      %dma_start3A_656 = tpu.memref_slice %arg2[%dma_start3A_655, %multiple_of3A_651] : memref<32x1000000xf32, #tpu.memory_space<hbm>> -> memref<8x128xf32, #tpu.memory_space<hbm>>
      %dma_start3A_657 = arith.constant 0 : i32
      %dma_start3A_658 = arith.constant 0 : i32
      %dma_start3A_659 = tpu.memref_slice %arg9[%dma_start3A_657, %dma_start3A_658] : memref<32x128xf32, #tpu.memory_space<vmem>> -> memref<8x128xf32, #tpu.memory_space<vmem>>
      %dma_start3A_660 = arith.constant 0 : i32
      %dma_start3A_661 = tpu.memref_slice %arg2[%dma_start3A_660, %multiple_of3A_651] : memref<32x1000000xf32, #tpu.memory_space<hbm>> -> memref<8x128xf32, #tpu.memory_space<hbm>>
      tpu.enqueue_dma source(%dma_start3A_661 : memref<8x128xf32, #tpu.memory_space<hbm>>) target(%dma_start3A_659 : memref<8x128xf32, #tpu.memory_space<vmem>>) target_semaphore(%arg17 : memref<!tpu.dma_semaphore, #tpu.memory_space<semaphore_mem>>)
      %dma_start3A_662 = arith.constant 8 : i32
      %dma_start3A_663 = arith.constant 0 : i32
      %dma_start3A_664 = tpu.memref_slice %arg9[%dma_start3A_662, %dma_start3A_663] : memref<32x128xf32, #tpu.memory_space<vmem>> -> memref<8x128xf32, #tpu.memory_space<vmem>>
      %dma_start3A_665 = arith.constant 8 : i32
      %dma_start3A_666 = tpu.memref_slice %arg2[%dma_start3A_665, %multiple_of3A_651] : memref<32x1000000xf32, #tpu.memory_space<hbm>> -> memref<8x128xf32, #tpu.memory_space<hbm>>
      %dma_start3A_667 = arith.constant 8 : i32
      %dma_start3A_668 = arith.constant 0 : i32
      %dma_start3A_669 = tpu.memref_slice %arg9[%dma_start3A_667, %dma_start3A_668] : memref<32x128xf32, #tpu.memory_space<vmem>> -> memref<8x128xf32, #tpu.memory_space<vmem>>
      %dma_start3A_670 = arith.constant 8 : i32
      %dma_start3A_671 = tpu.memref_slice %arg2[%dma_start3A_670, %multiple_of3A_651] : memref<32x1000000xf32, #tpu.memory_space<hbm>> -> memref<8x128xf32, #tpu.memory_space<hbm>>
      tpu.enqueue_dma source(%dma_start3A_671 : memref<8x128xf32, #tpu.memory_space<hbm>>) target(%dma_start3A_669 : memref<8x128xf32, #tpu.memory_space<vmem>>) target_semaphore(%arg17 : memref<!tpu.dma_semaphore, #tpu.memory_space<semaphore_mem>>)
      %dma_start3A_672 = arith.constant 16 : i32
      %dma_start3A_673 = arith.constant 0 : i32
      %dma_start3A_674 = tpu.memref_slice %arg9[%dma_start3A_672, %dma_start3A_673] : memref<32x128xf32, #tpu.memory_space<vmem>> -> memref<8x128xf32, #tpu.memory_space<vmem>>
      %dma_start3A_675 = arith.constant 16 : i32
      %dma_start3A_676 = tpu.memref_slice %arg2[%dma_start3A_675, %multiple_of3A_651] : memref<32x1000000xf32, #tpu.memory_space<hbm>> -> memref<8x128xf32, #tpu.memory_space<hbm>>
      %dma_start3A_677 = arith.constant 16 : i32
      %dma_start3A_678 = arith.constant 0 : i32
      %dma_start3A_679 = tpu.memref_slice %arg9[%dma_start3A_677, %dma_start3A_678] : memref<32x128xf32, #tpu.memory_space<vmem>> -> memref<8x128xf32, #tpu.memory_space<vmem>>
      %dma_start3A_680 = arith.constant 16 : i32
      %dma_start3A_681 = tpu.memref_slice %arg2[%dma_start3A_680, %multiple_of3A_651] : memref<32x1000000xf32, #tpu.memory_space<hbm>> -> memref<8x128xf32, #tpu.memory_space<hbm>>
      tpu.enqueue_dma source(%dma_start3A_681 : memref<8x128xf32, #tpu.memory_space<hbm>>) target(%dma_start3A_679 : memref<8x128xf32, #tpu.memory_space<vmem>>) target_semaphore(%arg17 : memref<!tpu.dma_semaphore, #tpu.memory_space<semaphore_mem>>)
      %dma_start3A_682 = arith.constant 24 : i32
      %dma_start3A_683 = arith.constant 0 : i32
      %dma_start3A_684 = tpu.memref_slice %arg9[%dma_start3A_682, %dma_start3A_683] : memref<32x128xf32, #tpu.memory_space<vmem>> -> memref<8x128xf32, #tpu.memory_space<vmem>>
      %dma_start3A_685 = arith.constant 24 : i32
      %dma_start3A_686 = tpu.memref_slice %arg2[%dma_start3A_685, %multiple_of3A_651] : memref<32x1000000xf32, #tpu.memory_space<hbm>> -> memref<8x128xf32, #tpu.memory_space<hbm>>
      %dma_start3A_687 = arith.constant 24 : i32
      %dma_start3A_688 = arith.constant 0 : i32
      %dma_start3A_689 = tpu.memref_slice %arg9[%dma_start3A_687, %dma_start3A_688] : memref<32x128xf32, #tpu.memory_space<vmem>> -> memref<8x128xf32, #tpu.memory_space<vmem>>
      %dma_start3A_690 = arith.constant 24 : i32
      %dma_start3A_691 = tpu.memref_slice %arg2[%dma_start3A_690, %multiple_of3A_651] : memref<32x1000000xf32, #tpu.memory_space<hbm>> -> memref<8x128xf32, #tpu.memory_space<hbm>>
      tpu.enqueue_dma source(%dma_start3A_691 : memref<8x128xf32, #tpu.memory_space<hbm>>) target(%dma_start3A_689 : memref<8x128xf32, #tpu.memory_space<vmem>>) target_semaphore(%arg17 : memref<!tpu.dma_semaphore, #tpu.memory_space<semaphore_mem>>)
      %mul3A_692 = arith.constant 8 : i32
      %mul3A_693 = arith.muli %scan3A_564, %mul3A_692 : i32
      %add3A_694 = arith.constant 1 : i32
      %add3A_695 = arith.addi %mul3A_693, %add3A_694 : i32
      %dma_wait3A_696 = arith.constant 0 : i32
      %dma_wait3A_697 = arith.constant 0 : i32
      %dma_wait3A_698 = tpu.memref_slice %arg2[%dma_wait3A_696, %dma_wait3A_697] : memref<32x1000000xf32, #tpu.memory_space<hbm>> -> memref<32x128xf32, #tpu.memory_space<hbm>>
      %dma_wait3A_699 = arith.constant 0 : i32
      %dma_wait3A_700 = arith.constant 0 : i32
      %dma_wait3A_701 = tpu.memref_slice %arg2[%dma_wait3A_699, %dma_wait3A_700] : memref<32x1000000xf32, #tpu.memory_space<hbm>> -> memref<32x128xf32, #tpu.memory_space<hbm>>
      tpu.wait_dma2 semaphore(%arg18 : memref<!tpu.dma_semaphore, #tpu.memory_space<semaphore_mem>>) src(%dma_wait3A_701 : memref<32x128xf32, #tpu.memory_space<hbm>>) dst(%arg10 : memref<32x128xf32, #tpu.memory_space<vmem>>)
      %and3A_702 = arith.constant -16 : i32
      %and3A_703 = arith.andi %add3A_695, %and3A_702 : i32
      %get3A_704 = arith.index_cast %and3A_703 : i32 to index
      %get3A_705 = tpu.vector_load %arg6[%get3A_704] {strides = array<i32>} : memref<512xi32, #tpu.memory_space<vmem>>, vector<16xi32>,
      %sub3A_706 = arith.subi %add3A_695, %and3A_703 : i32
      %eq3A_707 = vector.broadcast %sub3A_706 : i32 to vector<16xi32>
      %eq3A_708 = arith.cmpi eq, %iota3A, %eq3A_707 : vector<16xi32>
      %jit3A_709 = arith.constant 0 : i32
      %broadcast_in_dim3A_710 = vector.broadcast %jit3A_709 : i32 to vector<16xi32>
      %select_n3A_711 = arith.select %eq3A_708, %get3A_705, %broadcast_in_dim3A_710 : vector<16xi1>, vector<16xi32>
      %reduce_max3A_712 = arith.constant true
      %reduce_max3A_713 = vector.broadcast %reduce_max3A_712 : i1 to vector<16xi1>
      %reduce_max3A_714 = arith.constant -2147483648 : i32
      %reduce_max3A_715 = vector.broadcast %reduce_max3A_714 : i32 to vector<16xi32>
      %reduce_max3A_716 = arith.xori %select_n3A_711, %reduce_max3A_715 : vector<16xi32>
      %reduce_max3A_717 = tpu.scan <max>, %reduce_max3A_716 masked %reduce_max3A_713 : vector<16xi32>, vector<16xi1> -> vector<16xi32>
      %reduce_max3A_718 = arith.xori %reduce_max3A_717, %reduce_max3A_715 : vector<16xi32>
      %reduce_max3A_719 = vector.extract %reduce_max3A_718[15] : i32 from vector<16xi32>
      %and3A_720 = arith.constant -128 : i32
      %and3A_721 = arith.andi %reduce_max3A_719, %and3A_720 : i32
      %min3A_722 = arith.constant 999808 : i32
      %min3A_723 = arith.minsi %and3A_721, %min3A_722 : i32
      %sub3A_724 = arith.subi %reduce_max3A_719, %min3A_723 : i32
      %min3A_725 = arith.constant 127 : i32
      %min3A_726 = arith.minsi %sub3A_724, %min3A_725 : i32
      %broadcast_in_dim3A_727 = vector.broadcast %min3A_726 : i32 to vector<16xi32>
      %gather3A_728 = tpu.vector_load_idx %arg10[%iota3A, %broadcast_in_dim3A_727] : memref<32x128xf32, #tpu.memory_space<vmem>>[vector<16xi32>, vector<16xi32>], vector<16xf32>,
      %add3A_729 = arith.constant 16 : i32
      %add3A_730 = vector.broadcast %add3A_729 : i32 to vector<16xi32>
      %add3A_731 = arith.addi %iota3A, %add3A_730 : vector<16xi32>
      %gather3A_732 = tpu.vector_load_idx %arg10[%add3A_731, %broadcast_in_dim3A_727] : memref<32x128xf32, #tpu.memory_space<vmem>>[vector<16xi32>, vector<16xi32>], vector<16xf32>,
      %sub3A_733 = arith.constant 999936 : i32
      %sub3A_734 = arith.subi %reduce_max3A_719, %sub3A_733 : i32
      %max3A_735 = arith.constant 0 : i32
      %max3A_736 = arith.maxsi %sub3A_734, %max3A_735 : i32
      %mul3A_737 = arith.constant 32 : i32
      %mul3A_738 = arith.muli %max3A_736, %mul3A_737 : i32
      %broadcast_in_dim3A_739 = vector.broadcast %mul3A_738 : i32 to vector<16xi32>
      %add3A_740 = arith.addi %broadcast_in_dim3A_739, %iota3A : vector<16xi32>
      %gather3A_741 = tpu.vector_load_idx %arg8[%add3A_740] : memref<2048xf32, #tpu.memory_space<vmem>>[vector<16xi32>], vector<16xf32>,
      %add3A_742 = arith.constant 16 : i32
      %add3A_743 = vector.broadcast %add3A_742 : i32 to vector<16xi32>
      %add3A_744 = arith.addi %add3A_740, %add3A_743 : vector<16xi32>
      %gather3A_745 = tpu.vector_load_idx %arg8[%add3A_744] : memref<2048xf32, #tpu.memory_space<vmem>>[vector<16xi32>], vector<16xf32>,
      %ge3A_746 = arith.constant 999936 : i32
      %ge3A_747 = arith.cmpi sge, %reduce_max3A_719, %ge3A_746 : i32
      %broadcast_in_dim3A_748 = vector.broadcast %ge3A_747 : i1 to vector<16xi1>
      %select_n3A_749 = arith.select %broadcast_in_dim3A_748, %gather3A_741, %gather3A_728 : vector<16xi1>, vector<16xf32>
      %select_n3A_750 = arith.select %broadcast_in_dim3A_748, %gather3A_745, %gather3A_732 : vector<16xi1>, vector<16xf32>
      %broadcast_in_dim3A_751 = vector.broadcast %add3A_695 : i32 to vector<16xi32>
      tpu.vector_store_idx %arg7[%iota3A, %broadcast_in_dim3A_751], %select_n3A_749 : memref<32x512xf32, #tpu.memory_space<vmem>>[vector<16xi32>, vector<16xi32>], vector<16xf32>,
      %add3A_752 = arith.constant 16 : i32
      %add3A_753 = vector.broadcast %add3A_752 : i32 to vector<16xi32>
      %add3A_754 = arith.addi %iota3A, %add3A_753 : vector<16xi32>
      tpu.vector_store_idx %arg7[%add3A_754, %broadcast_in_dim3A_751], %select_n3A_750 : memref<32x512xf32, #tpu.memory_space<vmem>>[vector<16xi32>, vector<16xi32>], vector<16xf32>,
      %add3A_755 = arith.constant 8 : i32
      %add3A_756 = arith.addi %add3A_695, %add3A_755 : i32
      %min3A_757 = arith.constant 511 : i32
      %min3A_758 = arith.minsi %add3A_756, %min3A_757 : i32
      %and3A_759 = arith.constant -16 : i32
      %and3A_760 = arith.andi %min3A_758, %and3A_759 : i32
      %get3A_761 = arith.index_cast %and3A_760 : i32 to index
      %get3A_762 = tpu.vector_load %arg6[%get3A_761] {strides = array<i32>} : memref<512xi32, #tpu.memory_space<vmem>>, vector<16xi32>,
      %sub3A_763 = arith.subi %min3A_758, %and3A_760 : i32
      %eq3A_764 = vector.broadcast %sub3A_763 : i32 to vector<16xi32>
      %eq3A_765 = arith.cmpi eq, %iota3A, %eq3A_764 : vector<16xi32>
      %jit3A_766 = arith.constant 0 : i32
      %broadcast_in_dim3A_767 = vector.broadcast %jit3A_766 : i32 to vector<16xi32>
      %select_n3A_768 = arith.select %eq3A_765, %get3A_762, %broadcast_in_dim3A_767 : vector<16xi1>, vector<16xi32>
      %reduce_max3A_769 = arith.constant true
      %reduce_max3A_770 = vector.broadcast %reduce_max3A_769 : i1 to vector<16xi1>
      %reduce_max3A_771 = arith.constant -2147483648 : i32
      %reduce_max3A_772 = vector.broadcast %reduce_max3A_771 : i32 to vector<16xi32>
      %reduce_max3A_773 = arith.xori %select_n3A_768, %reduce_max3A_772 : vector<16xi32>
      %reduce_max3A_774 = tpu.scan <max>, %reduce_max3A_773 masked %reduce_max3A_770 : vector<16xi32>, vector<16xi1> -> vector<16xi32>
      %reduce_max3A_775 = arith.xori %reduce_max3A_774, %reduce_max3A_772 : vector<16xi32>
      %reduce_max3A_776 = vector.extract %reduce_max3A_775[15] : i32 from vector<16xi32>
      %and3A_777 = arith.constant -128 : i32
      %and3A_778 = arith.andi %reduce_max3A_776, %and3A_777 : i32
      %min3A_779 = arith.constant 999808 : i32
      %min3A_780 = arith.minsi %and3A_778, %min3A_779 : i32
      %multiple_of3A_781 = tpu.assume_multiple %min3A_780, 128 : i32
      %dma_start3A_782 = arith.constant 0 : i32
      %dma_start3A_783 = arith.constant 0 : i32
      %dma_start3A_784 = tpu.memref_slice %arg10[%dma_start3A_782, %dma_start3A_783] : memref<32x128xf32, #tpu.memory_space<vmem>> -> memref<8x128xf32, #tpu.memory_space<vmem>>
      %dma_start3A_785 = arith.constant 0 : i32
      %dma_start3A_786 = tpu.memref_slice %arg2[%dma_start3A_785, %multiple_of3A_781] : memref<32x1000000xf32, #tpu.memory_space<hbm>> -> memref<8x128xf32, #tpu.memory_space<hbm>>
      %dma_start3A_787 = arith.constant 0 : i32
      %dma_start3A_788 = arith.constant 0 : i32
      %dma_start3A_789 = tpu.memref_slice %arg10[%dma_start3A_787, %dma_start3A_788] : memref<32x128xf32, #tpu.memory_space<vmem>> -> memref<8x128xf32, #tpu.memory_space<vmem>>
      %dma_start3A_790 = arith.constant 0 : i32
      %dma_start3A_791 = tpu.memref_slice %arg2[%dma_start3A_790, %multiple_of3A_781] : memref<32x1000000xf32, #tpu.memory_space<hbm>> -> memref<8x128xf32, #tpu.memory_space<hbm>>
      tpu.enqueue_dma source(%dma_start3A_791 : memref<8x128xf32, #tpu.memory_space<hbm>>) target(%dma_start3A_789 : memref<8x128xf32, #tpu.memory_space<vmem>>) target_semaphore(%arg18 : memref<!tpu.dma_semaphore, #tpu.memory_space<semaphore_mem>>)
      %dma_start3A_792 = arith.constant 8 : i32
      %dma_start3A_793 = arith.constant 0 : i32
      %dma_start3A_794 = tpu.memref_slice %arg10[%dma_start3A_792, %dma_start3A_793] : memref<32x128xf32, #tpu.memory_space<vmem>> -> memref<8x128xf32, #tpu.memory_space<vmem>>
      %dma_start3A_795 = arith.constant 8 : i32
      %dma_start3A_796 = tpu.memref_slice %arg2[%dma_start3A_795, %multiple_of3A_781] : memref<32x1000000xf32, #tpu.memory_space<hbm>> -> memref<8x128xf32, #tpu.memory_space<hbm>>
      %dma_start3A_797 = arith.constant 8 : i32
      %dma_start3A_798 = arith.constant 0 : i32
      %dma_start3A_799 = tpu.memref_slice %arg10[%dma_start3A_797, %dma_start3A_798] : memref<32x128xf32, #tpu.memory_space<vmem>> -> memref<8x128xf32, #tpu.memory_space<vmem>>
      %dma_start3A_800 = arith.constant 8 : i32
      %dma_start3A_801 = tpu.memref_slice %arg2[%dma_start3A_800, %multiple_of3A_781] : memref<32x1000000xf32, #tpu.memory_space<hbm>> -> memref<8x128xf32, #tpu.memory_space<hbm>>
      tpu.enqueue_dma source(%dma_start3A_801 : memref<8x128xf32, #tpu.memory_space<hbm>>) target(%dma_start3A_799 : memref<8x128xf32, #tpu.memory_space<vmem>>) target_semaphore(%arg18 : memref<!tpu.dma_semaphore, #tpu.memory_space<semaphore_mem>>)
      %dma_start3A_802 = arith.constant 16 : i32
      %dma_start3A_803 = arith.constant 0 : i32
      %dma_start3A_804 = tpu.memref_slice %arg10[%dma_start3A_802, %dma_start3A_803] : memref<32x128xf32, #tpu.memory_space<vmem>> -> memref<8x128xf32, #tpu.memory_space<vmem>>
      %dma_start3A_805 = arith.constant 16 : i32
      %dma_start3A_806 = tpu.memref_slice %arg2[%dma_start3A_805, %multiple_of3A_781] : memref<32x1000000xf32, #tpu.memory_space<hbm>> -> memref<8x128xf32, #tpu.memory_space<hbm>>
      %dma_start3A_807 = arith.constant 16 : i32
      %dma_start3A_808 = arith.constant 0 : i32
      %dma_start3A_809 = tpu.memref_slice %arg10[%dma_start3A_807, %dma_start3A_808] : memref<32x128xf32, #tpu.memory_space<vmem>> -> memref<8x128xf32, #tpu.memory_space<vmem>>
      %dma_start3A_810 = arith.constant 16 : i32
      %dma_start3A_811 = tpu.memref_slice %arg2[%dma_start3A_810, %multiple_of3A_781] : memref<32x1000000xf32, #tpu.memory_space<hbm>> -> memref<8x128xf32, #tpu.memory_space<hbm>>
      tpu.enqueue_dma source(%dma_start3A_811 : memref<8x128xf32, #tpu.memory_space<hbm>>) target(%dma_start3A_809 : memref<8x128xf32, #tpu.memory_space<vmem>>) target_semaphore(%arg18 : memref<!tpu.dma_semaphore, #tpu.memory_space<semaphore_mem>>)
      %dma_start3A_812 = arith.constant 24 : i32
      %dma_start3A_813 = arith.constant 0 : i32
      %dma_start3A_814 = tpu.memref_slice %arg10[%dma_start3A_812, %dma_start3A_813] : memref<32x128xf32, #tpu.memory_space<vmem>> -> memref<8x128xf32, #tpu.memory_space<vmem>>
      %dma_start3A_815 = arith.constant 24 : i32
      %dma_start3A_816 = tpu.memref_slice %arg2[%dma_start3A_815, %multiple_of3A_781] : memref<32x1000000xf32, #tpu.memory_space<hbm>> -> memref<8x128xf32, #tpu.memory_space<hbm>>
      %dma_start3A_817 = arith.constant 24 : i32
      %dma_start3A_818 = arith.constant 0 : i32
      %dma_start3A_819 = tpu.memref_slice %arg10[%dma_start3A_817, %dma_start3A_818] : memref<32x128xf32, #tpu.memory_space<vmem>> -> memref<8x128xf32, #tpu.memory_space<vmem>>
      %dma_start3A_820 = arith.constant 24 : i32
      %dma_start3A_821 = tpu.memref_slice %arg2[%dma_start3A_820, %multiple_of3A_781] : memref<32x1000000xf32, #tpu.memory_space<hbm>> -> memref<8x128xf32, #tpu.memory_space<hbm>>
      tpu.enqueue_dma source(%dma_start3A_821 : memref<8x128xf32, #tpu.memory_space<hbm>>) target(%dma_start3A_819 : memref<8x128xf32, #tpu.memory_space<vmem>>) target_semaphore(%arg18 : memref<!tpu.dma_semaphore, #tpu.memory_space<semaphore_mem>>)
      %mul3A_822 = arith.constant 8 : i32
      %mul3A_823 = arith.muli %scan3A_564, %mul3A_822 : i32
      %add3A_824 = arith.constant 2 : i32
      %add3A_825 = arith.addi %mul3A_823, %add3A_824 : i32
      %dma_wait3A_826 = arith.constant 0 : i32
      %dma_wait3A_827 = arith.constant 0 : i32
      %dma_wait3A_828 = tpu.memref_slice %arg2[%dma_wait3A_826, %dma_wait3A_827] : memref<32x1000000xf32, #tpu.memory_space<hbm>> -> memref<32x128xf32, #tpu.memory_space<hbm>>
      %dma_wait3A_829 = arith.constant 0 : i32
      %dma_wait3A_830 = arith.constant 0 : i32
      %dma_wait3A_831 = tpu.memref_slice %arg2[%dma_wait3A_829, %dma_wait3A_830] : memref<32x1000000xf32, #tpu.memory_space<hbm>> -> memref<32x128xf32, #tpu.memory_space<hbm>>
      tpu.wait_dma2 semaphore(%arg19 : memref<!tpu.dma_semaphore, #tpu.memory_space<semaphore_mem>>) src(%dma_wait3A_831 : memref<32x128xf32, #tpu.memory_space<hbm>>) dst(%arg11 : memref<32x128xf32, #tpu.memory_space<vmem>>)
      %and3A_832 = arith.constant -16 : i32
      %and3A_833 = arith.andi %add3A_825, %and3A_832 : i32
      %get3A_834 = arith.index_cast %and3A_833 : i32 to index
      %get3A_835 = tpu.vector_load %arg6[%get3A_834] {strides = array<i32>} : memref<512xi32, #tpu.memory_space<vmem>>, vector<16xi32>,
      %sub3A_836 = arith.subi %add3A_825, %and3A_833 : i32
      %eq3A_837 = vector.broadcast %sub3A_836 : i32 to vector<16xi32>
      %eq3A_838 = arith.cmpi eq, %iota3A, %eq3A_837 : vector<16xi32>
      %jit3A_839 = arith.constant 0 : i32
      %broadcast_in_dim3A_840 = vector.broadcast %jit3A_839 : i32 to vector<16xi32>
      %select_n3A_841 = arith.select %eq3A_838, %get3A_835, %broadcast_in_dim3A_840 : vector<16xi1>, vector<16xi32>
      %reduce_max3A_842 = arith.constant true
      %reduce_max3A_843 = vector.broadcast %reduce_max3A_842 : i1 to vector<16xi1>
      %reduce_max3A_844 = arith.constant -2147483648 : i32
      %reduce_max3A_845 = vector.broadcast %reduce_max3A_844 : i32 to vector<16xi32>
      %reduce_max3A_846 = arith.xori %select_n3A_841, %reduce_max3A_845 : vector<16xi32>
      %reduce_max3A_847 = tpu.scan <max>, %reduce_max3A_846 masked %reduce_max3A_843 : vector<16xi32>, vector<16xi1> -> vector<16xi32>
      %reduce_max3A_848 = arith.xori %reduce_max3A_847, %reduce_max3A_845 : vector<16xi32>
      %reduce_max3A_849 = vector.extract %reduce_max3A_848[15] : i32 from vector<16xi32>
      %and3A_850 = arith.constant -128 : i32
      %and3A_851 = arith.andi %reduce_max3A_849, %and3A_850 : i32
      %min3A_852 = arith.constant 999808 : i32
      %min3A_853 = arith.minsi %and3A_851, %min3A_852 : i32
      %sub3A_854 = arith.subi %reduce_max3A_849, %min3A_853 : i32
      %min3A_855 = arith.constant 127 : i32
      %min3A_856 = arith.minsi %sub3A_854, %min3A_855 : i32
      %broadcast_in_dim3A_857 = vector.broadcast %min3A_856 : i32 to vector<16xi32>
      %gather3A_858 = tpu.vector_load_idx %arg11[%iota3A, %broadcast_in_dim3A_857] : memref<32x128xf32, #tpu.memory_space<vmem>>[vector<16xi32>, vector<16xi32>], vector<16xf32>,
      %add3A_859 = arith.constant 16 : i32
      %add3A_860 = vector.broadcast %add3A_859 : i32 to vector<16xi32>
      %add3A_861 = arith.addi %iota3A, %add3A_860 : vector<16xi32>
      %gather3A_862 = tpu.vector_load_idx %arg11[%add3A_861, %broadcast_in_dim3A_857] : memref<32x128xf32, #tpu.memory_space<vmem>>[vector<16xi32>, vector<16xi32>], vector<16xf32>,
      %sub3A_863 = arith.constant 999936 : i32
      %sub3A_864 = arith.subi %reduce_max3A_849, %sub3A_863 : i32
      %max3A_865 = arith.constant 0 : i32
      %max3A_866 = arith.maxsi %sub3A_864, %max3A_865 : i32
      %mul3A_867 = arith.constant 32 : i32
      %mul3A_868 = arith.muli %max3A_866, %mul3A_867 : i32
      %broadcast_in_dim3A_869 = vector.broadcast %mul3A_868 : i32 to vector<16xi32>
      %add3A_870 = arith.addi %broadcast_in_dim3A_869, %iota3A : vector<16xi32>
      %gather3A_871 = tpu.vector_load_idx %arg8[%add3A_870] : memref<2048xf32, #tpu.memory_space<vmem>>[vector<16xi32>], vector<16xf32>,
      %add3A_872 = arith.constant 16 : i32
      %add3A_873 = vector.broadcast %add3A_872 : i32 to vector<16xi32>
      %add3A_874 = arith.addi %add3A_870, %add3A_873 : vector<16xi32>
      %gather3A_875 = tpu.vector_load_idx %arg8[%add3A_874] : memref<2048xf32, #tpu.memory_space<vmem>>[vector<16xi32>], vector<16xf32>,
      %ge3A_876 = arith.constant 999936 : i32
      %ge3A_877 = arith.cmpi sge, %reduce_max3A_849, %ge3A_876 : i32
      %broadcast_in_dim3A_878 = vector.broadcast %ge3A_877 : i1 to vector<16xi1>
      %select_n3A_879 = arith.select %broadcast_in_dim3A_878, %gather3A_871, %gather3A_858 : vector<16xi1>, vector<16xf32>
      %select_n3A_880 = arith.select %broadcast_in_dim3A_878, %gather3A_875, %gather3A_862 : vector<16xi1>, vector<16xf32>
      %broadcast_in_dim3A_881 = vector.broadcast %add3A_825 : i32 to vector<16xi32>
      tpu.vector_store_idx %arg7[%iota3A, %broadcast_in_dim3A_881], %select_n3A_879 : memref<32x512xf32, #tpu.memory_space<vmem>>[vector<16xi32>, vector<16xi32>], vector<16xf32>,
      %add3A_882 = arith.constant 16 : i32
      %add3A_883 = vector.broadcast %add3A_882 : i32 to vector<16xi32>
      %add3A_884 = arith.addi %iota3A, %add3A_883 : vector<16xi32>
      tpu.vector_store_idx %arg7[%add3A_884, %broadcast_in_dim3A_881], %select_n3A_880 : memref<32x512xf32, #tpu.memory_space<vmem>>[vector<16xi32>, vector<16xi32>], vector<16xf32>,
      %add3A_885 = arith.constant 8 : i32
      %add3A_886 = arith.addi %add3A_825, %add3A_885 : i32
      %min3A_887 = arith.constant 511 : i32
      %min3A_888 = arith.minsi %add3A_886, %min3A_887 : i32
      %and3A_889 = arith.constant -16 : i32
      %and3A_890 = arith.andi %min3A_888, %and3A_889 : i32
      %get3A_891 = arith.index_cast %and3A_890 : i32 to index
      %get3A_892 = tpu.vector_load %arg6[%get3A_891] {strides = array<i32>} : memref<512xi32, #tpu.memory_space<vmem>>, vector<16xi32>,
      %sub3A_893 = arith.subi %min3A_888, %and3A_890 : i32
      %eq3A_894 = vector.broadcast %sub3A_893 : i32 to vector<16xi32>
      %eq3A_895 = arith.cmpi eq, %iota3A, %eq3A_894 : vector<16xi32>
      %jit3A_896 = arith.constant 0 : i32
      %broadcast_in_dim3A_897 = vector.broadcast %jit3A_896 : i32 to vector<16xi32>
      %select_n3A_898 = arith.select %eq3A_895, %get3A_892, %broadcast_in_dim3A_897 : vector<16xi1>, vector<16xi32>
      %reduce_max3A_899 = arith.constant true
      %reduce_max3A_900 = vector.broadcast %reduce_max3A_899 : i1 to vector<16xi1>
      %reduce_max3A_901 = arith.constant -2147483648 : i32
      %reduce_max3A_902 = vector.broadcast %reduce_max3A_901 : i32 to vector<16xi32>
      %reduce_max3A_903 = arith.xori %select_n3A_898, %reduce_max3A_902 : vector<16xi32>
      %reduce_max3A_904 = tpu.scan <max>, %reduce_max3A_903 masked %reduce_max3A_900 : vector<16xi32>, vector<16xi1> -> vector<16xi32>
      %reduce_max3A_905 = arith.xori %reduce_max3A_904, %reduce_max3A_902 : vector<16xi32>
      %reduce_max3A_906 = vector.extract %reduce_max3A_905[15] : i32 from vector<16xi32>
      %and3A_907 = arith.constant -128 : i32
      %and3A_908 = arith.andi %reduce_max3A_906, %and3A_907 : i32
      %min3A_909 = arith.constant 999808 : i32
      %min3A_910 = arith.minsi %and3A_908, %min3A_909 : i32
      %multiple_of3A_911 = tpu.assume_multiple %min3A_910, 128 : i32
      %dma_start3A_912 = arith.constant 0 : i32
      %dma_start3A_913 = arith.constant 0 : i32
      %dma_start3A_914 = tpu.memref_slice %arg11[%dma_start3A_912, %dma_start3A_913] : memref<32x128xf32, #tpu.memory_space<vmem>> -> memref<8x128xf32, #tpu.memory_space<vmem>>
      %dma_start3A_915 = arith.constant 0 : i32
      %dma_start3A_916 = tpu.memref_slice %arg2[%dma_start3A_915, %multiple_of3A_911] : memref<32x1000000xf32, #tpu.memory_space<hbm>> -> memref<8x128xf32, #tpu.memory_space<hbm>>
      %dma_start3A_917 = arith.constant 0 : i32
      %dma_start3A_918 = arith.constant 0 : i32
      %dma_start3A_919 = tpu.memref_slice %arg11[%dma_start3A_917, %dma_start3A_918] : memref<32x128xf32, #tpu.memory_space<vmem>> -> memref<8x128xf32, #tpu.memory_space<vmem>>
      %dma_start3A_920 = arith.constant 0 : i32
      %dma_start3A_921 = tpu.memref_slice %arg2[%dma_start3A_920, %multiple_of3A_911] : memref<32x1000000xf32, #tpu.memory_space<hbm>> -> memref<8x128xf32, #tpu.memory_space<hbm>>
      tpu.enqueue_dma source(%dma_start3A_921 : memref<8x128xf32, #tpu.memory_space<hbm>>) target(%dma_start3A_919 : memref<8x128xf32, #tpu.memory_space<vmem>>) target_semaphore(%arg19 : memref<!tpu.dma_semaphore, #tpu.memory_space<semaphore_mem>>)
      %dma_start3A_922 = arith.constant 8 : i32
      %dma_start3A_923 = arith.constant 0 : i32
      %dma_start3A_924 = tpu.memref_slice %arg11[%dma_start3A_922, %dma_start3A_923] : memref<32x128xf32, #tpu.memory_space<vmem>> -> memref<8x128xf32, #tpu.memory_space<vmem>>
      %dma_start3A_925 = arith.constant 8 : i32
      %dma_start3A_926 = tpu.memref_slice %arg2[%dma_start3A_925, %multiple_of3A_911] : memref<32x1000000xf32, #tpu.memory_space<hbm>> -> memref<8x128xf32, #tpu.memory_space<hbm>>
      %dma_start3A_927 = arith.constant 8 : i32
      %dma_start3A_928 = arith.constant 0 : i32
      %dma_start3A_929 = tpu.memref_slice %arg11[%dma_start3A_927, %dma_start3A_928] : memref<32x128xf32, #tpu.memory_space<vmem>> -> memref<8x128xf32, #tpu.memory_space<vmem>>
      %dma_start3A_930 = arith.constant 8 : i32
      %dma_start3A_931 = tpu.memref_slice %arg2[%dma_start3A_930, %multiple_of3A_911] : memref<32x1000000xf32, #tpu.memory_space<hbm>> -> memref<8x128xf32, #tpu.memory_space<hbm>>
      tpu.enqueue_dma source(%dma_start3A_931 : memref<8x128xf32, #tpu.memory_space<hbm>>) target(%dma_start3A_929 : memref<8x128xf32, #tpu.memory_space<vmem>>) target_semaphore(%arg19 : memref<!tpu.dma_semaphore, #tpu.memory_space<semaphore_mem>>)
      %dma_start3A_932 = arith.constant 16 : i32
      %dma_start3A_933 = arith.constant 0 : i32
      %dma_start3A_934 = tpu.memref_slice %arg11[%dma_start3A_932, %dma_start3A_933] : memref<32x128xf32, #tpu.memory_space<vmem>> -> memref<8x128xf32, #tpu.memory_space<vmem>>
      %dma_start3A_935 = arith.constant 16 : i32
      %dma_start3A_936 = tpu.memref_slice %arg2[%dma_start3A_935, %multiple_of3A_911] : memref<32x1000000xf32, #tpu.memory_space<hbm>> -> memref<8x128xf32, #tpu.memory_space<hbm>>
      %dma_start3A_937 = arith.constant 16 : i32
      %dma_start3A_938 = arith.constant 0 : i32
      %dma_start3A_939 = tpu.memref_slice %arg11[%dma_start3A_937, %dma_start3A_938] : memref<32x128xf32, #tpu.memory_space<vmem>> -> memref<8x128xf32, #tpu.memory_space<vmem>>
      %dma_start3A_940 = arith.constant 16 : i32
      %dma_start3A_941 = tpu.memref_slice %arg2[%dma_start3A_940, %multiple_of3A_911] : memref<32x1000000xf32, #tpu.memory_space<hbm>> -> memref<8x128xf32, #tpu.memory_space<hbm>>
      tpu.enqueue_dma source(%dma_start3A_941 : memref<8x128xf32, #tpu.memory_space<hbm>>) target(%dma_start3A_939 : memref<8x128xf32, #tpu.memory_space<vmem>>) target_semaphore(%arg19 : memref<!tpu.dma_semaphore, #tpu.memory_space<semaphore_mem>>)
      %dma_start3A_942 = arith.constant 24 : i32
      %dma_start3A_943 = arith.constant 0 : i32
      %dma_start3A_944 = tpu.memref_slice %arg11[%dma_start3A_942, %dma_start3A_943] : memref<32x128xf32, #tpu.memory_space<vmem>> -> memref<8x128xf32, #tpu.memory_space<vmem>>
      %dma_start3A_945 = arith.constant 24 : i32
      %dma_start3A_946 = tpu.memref_slice %arg2[%dma_start3A_945, %multiple_of3A_911] : memref<32x1000000xf32, #tpu.memory_space<hbm>> -> memref<8x128xf32, #tpu.memory_space<hbm>>
      %dma_start3A_947 = arith.constant 24 : i32
      %dma_start3A_948 = arith.constant 0 : i32
      %dma_start3A_949 = tpu.memref_slice %arg11[%dma_start3A_947, %dma_start3A_948] : memref<32x128xf32, #tpu.memory_space<vmem>> -> memref<8x128xf32, #tpu.memory_space<vmem>>
      %dma_start3A_950 = arith.constant 24 : i32
      %dma_start3A_951 = tpu.memref_slice %arg2[%dma_start3A_950, %multiple_of3A_911] : memref<32x1000000xf32, #tpu.memory_space<hbm>> -> memref<8x128xf32, #tpu.memory_space<hbm>>
      tpu.enqueue_dma source(%dma_start3A_951 : memref<8x128xf32, #tpu.memory_space<hbm>>) target(%dma_start3A_949 : memref<8x128xf32, #tpu.memory_space<vmem>>) target_semaphore(%arg19 : memref<!tpu.dma_semaphore, #tpu.memory_space<semaphore_mem>>)
      %mul3A_952 = arith.constant 8 : i32
      %mul3A_953 = arith.muli %scan3A_564, %mul3A_952 : i32
      %add3A_954 = arith.constant 3 : i32
      %add3A_955 = arith.addi %mul3A_953, %add3A_954 : i32
      %dma_wait3A_956 = arith.constant 0 : i32
      %dma_wait3A_957 = arith.constant 0 : i32
      %dma_wait3A_958 = tpu.memref_slice %arg2[%dma_wait3A_956, %dma_wait3A_957] : memref<32x1000000xf32, #tpu.memory_space<hbm>> -> memref<32x128xf32, #tpu.memory_space<hbm>>
      %dma_wait3A_959 = arith.constant 0 : i32
      %dma_wait3A_960 = arith.constant 0 : i32
      %dma_wait3A_961 = tpu.memref_slice %arg2[%dma_wait3A_959, %dma_wait3A_960] : memref<32x1000000xf32, #tpu.memory_space<hbm>> -> memref<32x128xf32, #tpu.memory_space<hbm>>
      tpu.wait_dma2 semaphore(%arg20 : memref<!tpu.dma_semaphore, #tpu.memory_space<semaphore_mem>>) src(%dma_wait3A_961 : memref<32x128xf32, #tpu.memory_space<hbm>>) dst(%arg12 : memref<32x128xf32, #tpu.memory_space<vmem>>)
      %and3A_962 = arith.constant -16 : i32
      %and3A_963 = arith.andi %add3A_955, %and3A_962 : i32
      %get3A_964 = arith.index_cast %and3A_963 : i32 to index
      %get3A_965 = tpu.vector_load %arg6[%get3A_964] {strides = array<i32>} : memref<512xi32, #tpu.memory_space<vmem>>, vector<16xi32>,
      %sub3A_966 = arith.subi %add3A_955, %and3A_963 : i32
      %eq3A_967 = vector.broadcast %sub3A_966 : i32 to vector<16xi32>
      %eq3A_968 = arith.cmpi eq, %iota3A, %eq3A_967 : vector<16xi32>
      %jit3A_969 = arith.constant 0 : i32
      %broadcast_in_dim3A_970 = vector.broadcast %jit3A_969 : i32 to vector<16xi32>
      %select_n3A_971 = arith.select %eq3A_968, %get3A_965, %broadcast_in_dim3A_970 : vector<16xi1>, vector<16xi32>
      %reduce_max3A_972 = arith.constant true
      %reduce_max3A_973 = vector.broadcast %reduce_max3A_972 : i1 to vector<16xi1>
      %reduce_max3A_974 = arith.constant -2147483648 : i32
      %reduce_max3A_975 = vector.broadcast %reduce_max3A_974 : i32 to vector<16xi32>
      %reduce_max3A_976 = arith.xori %select_n3A_971, %reduce_max3A_975 : vector<16xi32>
      %reduce_max3A_977 = tpu.scan <max>, %reduce_max3A_976 masked %reduce_max3A_973 : vector<16xi32>, vector<16xi1> -> vector<16xi32>
      %reduce_max3A_978 = arith.xori %reduce_max3A_977, %reduce_max3A_975 : vector<16xi32>
      %reduce_max3A_979 = vector.extract %reduce_max3A_978[15] : i32 from vector<16xi32>
      %and3A_980 = arith.constant -128 : i32
      %and3A_981 = arith.andi %reduce_max3A_979, %and3A_980 : i32
      %min3A_982 = arith.constant 999808 : i32
      %min3A_983 = arith.minsi %and3A_981, %min3A_982 : i32
      %sub3A_984 = arith.subi %reduce_max3A_979, %min3A_983 : i32
      %min3A_985 = arith.constant 127 : i32
      %min3A_986 = arith.minsi %sub3A_984, %min3A_985 : i32
      %broadcast_in_dim3A_987 = vector.broadcast %min3A_986 : i32 to vector<16xi32>
      %gather3A_988 = tpu.vector_load_idx %arg12[%iota3A, %broadcast_in_dim3A_987] : memref<32x128xf32, #tpu.memory_space<vmem>>[vector<16xi32>, vector<16xi32>], vector<16xf32>,
      %add3A_989 = arith.constant 16 : i32
      %add3A_990 = vector.broadcast %add3A_989 : i32 to vector<16xi32>
      %add3A_991 = arith.addi %iota3A, %add3A_990 : vector<16xi32>
      %gather3A_992 = tpu.vector_load_idx %arg12[%add3A_991, %broadcast_in_dim3A_987] : memref<32x128xf32, #tpu.memory_space<vmem>>[vector<16xi32>, vector<16xi32>], vector<16xf32>,
      %sub3A_993 = arith.constant 999936 : i32
      %sub3A_994 = arith.subi %reduce_max3A_979, %sub3A_993 : i32
      %max3A_995 = arith.constant 0 : i32
      %max3A_996 = arith.maxsi %sub3A_994, %max3A_995 : i32
      %mul3A_997 = arith.constant 32 : i32
      %mul3A_998 = arith.muli %max3A_996, %mul3A_997 : i32
      %broadcast_in_dim3A_999 = vector.broadcast %mul3A_998 : i32 to vector<16xi32>
      %add3A_1000 = arith.addi %broadcast_in_dim3A_999, %iota3A : vector<16xi32>
      %gather3A_1001 = tpu.vector_load_idx %arg8[%add3A_1000] : memref<2048xf32, #tpu.memory_space<vmem>>[vector<16xi32>], vector<16xf32>,
      %add3A_1002 = arith.constant 16 : i32
      %add3A_1003 = vector.broadcast %add3A_1002 : i32 to vector<16xi32>
      %add3A_1004 = arith.addi %add3A_1000, %add3A_1003 : vector<16xi32>
      %gather3A_1005 = tpu.vector_load_idx %arg8[%add3A_1004] : memref<2048xf32, #tpu.memory_space<vmem>>[vector<16xi32>], vector<16xf32>,
      %ge3A_1006 = arith.constant 999936 : i32
      %ge3A_1007 = arith.cmpi sge, %reduce_max3A_979, %ge3A_1006 : i32
      %broadcast_in_dim3A_1008 = vector.broadcast %ge3A_1007 : i1 to vector<16xi1>
      %select_n3A_1009 = arith.select %broadcast_in_dim3A_1008, %gather3A_1001, %gather3A_988 : vector<16xi1>, vector<16xf32>
      %select_n3A_1010 = arith.select %broadcast_in_dim3A_1008, %gather3A_1005, %gather3A_992 : vector<16xi1>, vector<16xf32>
      %broadcast_in_dim3A_1011 = vector.broadcast %add3A_955 : i32 to vector<16xi32>
      tpu.vector_store_idx %arg7[%iota3A, %broadcast_in_dim3A_1011], %select_n3A_1009 : memref<32x512xf32, #tpu.memory_space<vmem>>[vector<16xi32>, vector<16xi32>], vector<16xf32>,
      %add3A_1012 = arith.constant 16 : i32
      %add3A_1013 = vector.broadcast %add3A_1012 : i32 to vector<16xi32>
      %add3A_1014 = arith.addi %iota3A, %add3A_1013 : vector<16xi32>
      tpu.vector_store_idx %arg7[%add3A_1014, %broadcast_in_dim3A_1011], %select_n3A_1010 : memref<32x512xf32, #tpu.memory_space<vmem>>[vector<16xi32>, vector<16xi32>], vector<16xf32>,
      %add3A_1015 = arith.constant 8 : i32
      %add3A_1016 = arith.addi %add3A_955, %add3A_1015 : i32
      %min3A_1017 = arith.constant 511 : i32
      %min3A_1018 = arith.minsi %add3A_1016, %min3A_1017 : i32
      %and3A_1019 = arith.constant -16 : i32
      %and3A_1020 = arith.andi %min3A_1018, %and3A_1019 : i32
      %get3A_1021 = arith.index_cast %and3A_1020 : i32 to index
      %get3A_1022 = tpu.vector_load %arg6[%get3A_1021] {strides = array<i32>} : memref<512xi32, #tpu.memory_space<vmem>>, vector<16xi32>,
      %sub3A_1023 = arith.subi %min3A_1018, %and3A_1020 : i32
      %eq3A_1024 = vector.broadcast %sub3A_1023 : i32 to vector<16xi32>
      %eq3A_1025 = arith.cmpi eq, %iota3A, %eq3A_1024 : vector<16xi32>
      %jit3A_1026 = arith.constant 0 : i32
      %broadcast_in_dim3A_1027 = vector.broadcast %jit3A_1026 : i32 to vector<16xi32>
      %select_n3A_1028 = arith.select %eq3A_1025, %get3A_1022, %broadcast_in_dim3A_1027 : vector<16xi1>, vector<16xi32>
      %reduce_max3A_1029 = arith.constant true
      %reduce_max3A_1030 = vector.broadcast %reduce_max3A_1029 : i1 to vector<16xi1>
      %reduce_max3A_1031 = arith.constant -2147483648 : i32
      %reduce_max3A_1032 = vector.broadcast %reduce_max3A_1031 : i32 to vector<16xi32>
      %reduce_max3A_1033 = arith.xori %select_n3A_1028, %reduce_max3A_1032 : vector<16xi32>
      %reduce_max3A_1034 = tpu.scan <max>, %reduce_max3A_1033 masked %reduce_max3A_1030 : vector<16xi32>, vector<16xi1> -> vector<16xi32>
      %reduce_max3A_1035 = arith.xori %reduce_max3A_1034, %reduce_max3A_1032 : vector<16xi32>
      %reduce_max3A_1036 = vector.extract %reduce_max3A_1035[15] : i32 from vector<16xi32>
      %and3A_1037 = arith.constant -128 : i32
      %and3A_1038 = arith.andi %reduce_max3A_1036, %and3A_1037 : i32
      %min3A_1039 = arith.constant 999808 : i32
      %min3A_1040 = arith.minsi %and3A_1038, %min3A_1039 : i32
      %multiple_of3A_1041 = tpu.assume_multiple %min3A_1040, 128 : i32
      %dma_start3A_1042 = arith.constant 0 : i32
      %dma_start3A_1043 = arith.constant 0 : i32
      %dma_start3A_1044 = tpu.memref_slice %arg12[%dma_start3A_1042, %dma_start3A_1043] : memref<32x128xf32, #tpu.memory_space<vmem>> -> memref<8x128xf32, #tpu.memory_space<vmem>>
      %dma_start3A_1045 = arith.constant 0 : i32
      %dma_start3A_1046 = tpu.memref_slice %arg2[%dma_start3A_1045, %multiple_of3A_1041] : memref<32x1000000xf32, #tpu.memory_space<hbm>> -> memref<8x128xf32, #tpu.memory_space<hbm>>
      %dma_start3A_1047 = arith.constant 0 : i32
      %dma_start3A_1048 = arith.constant 0 : i32
      %dma_start3A_1049 = tpu.memref_slice %arg12[%dma_start3A_1047, %dma_start3A_1048] : memref<32x128xf32, #tpu.memory_space<vmem>> -> memref<8x128xf32, #tpu.memory_space<vmem>>
      %dma_start3A_1050 = arith.constant 0 : i32
      %dma_start3A_1051 = tpu.memref_slice %arg2[%dma_start3A_1050, %multiple_of3A_1041] : memref<32x1000000xf32, #tpu.memory_space<hbm>> -> memref<8x128xf32, #tpu.memory_space<hbm>>
      tpu.enqueue_dma source(%dma_start3A_1051 : memref<8x128xf32, #tpu.memory_space<hbm>>) target(%dma_start3A_1049 : memref<8x128xf32, #tpu.memory_space<vmem>>) target_semaphore(%arg20 : memref<!tpu.dma_semaphore, #tpu.memory_space<semaphore_mem>>)
      %dma_start3A_1052 = arith.constant 8 : i32
      %dma_start3A_1053 = arith.constant 0 : i32
      %dma_start3A_1054 = tpu.memref_slice %arg12[%dma_start3A_1052, %dma_start3A_1053] : memref<32x128xf32, #tpu.memory_space<vmem>> -> memref<8x128xf32, #tpu.memory_space<vmem>>
      %dma_start3A_1055 = arith.constant 8 : i32
      %dma_start3A_1056 = tpu.memref_slice %arg2[%dma_start3A_1055, %multiple_of3A_1041] : memref<32x1000000xf32, #tpu.memory_space<hbm>> -> memref<8x128xf32, #tpu.memory_space<hbm>>
      %dma_start3A_1057 = arith.constant 8 : i32
      %dma_start3A_1058 = arith.constant 0 : i32
      %dma_start3A_1059 = tpu.memref_slice %arg12[%dma_start3A_1057, %dma_start3A_1058] : memref<32x128xf32, #tpu.memory_space<vmem>> -> memref<8x128xf32, #tpu.memory_space<vmem>>
      %dma_start3A_1060 = arith.constant 8 : i32
      %dma_start3A_1061 = tpu.memref_slice %arg2[%dma_start3A_1060, %multiple_of3A_1041] : memref<32x1000000xf32, #tpu.memory_space<hbm>> -> memref<8x128xf32, #tpu.memory_space<hbm>>
      tpu.enqueue_dma source(%dma_start3A_1061 : memref<8x128xf32, #tpu.memory_space<hbm>>) target(%dma_start3A_1059 : memref<8x128xf32, #tpu.memory_space<vmem>>) target_semaphore(%arg20 : memref<!tpu.dma_semaphore, #tpu.memory_space<semaphore_mem>>)
      %dma_start3A_1062 = arith.constant 16 : i32
      %dma_start3A_1063 = arith.constant 0 : i32
      %dma_start3A_1064 = tpu.memref_slice %arg12[%dma_start3A_1062, %dma_start3A_1063] : memref<32x128xf32, #tpu.memory_space<vmem>> -> memref<8x128xf32, #tpu.memory_space<vmem>>
      %dma_start3A_1065 = arith.constant 16 : i32
      %dma_start3A_1066 = tpu.memref_slice %arg2[%dma_start3A_1065, %multiple_of3A_1041] : memref<32x1000000xf32, #tpu.memory_space<hbm>> -> memref<8x128xf32, #tpu.memory_space<hbm>>
      %dma_start3A_1067 = arith.constant 16 : i32
      %dma_start3A_1068 = arith.constant 0 : i32
      %dma_start3A_1069 = tpu.memref_slice %arg12[%dma_start3A_1067, %dma_start3A_1068] : memref<32x128xf32, #tpu.memory_space<vmem>> -> memref<8x128xf32, #tpu.memory_space<vmem>>
      %dma_start3A_1070 = arith.constant 16 : i32
      %dma_start3A_1071 = tpu.memref_slice %arg2[%dma_start3A_1070, %multiple_of3A_1041] : memref<32x1000000xf32, #tpu.memory_space<hbm>> -> memref<8x128xf32, #tpu.memory_space<hbm>>
      tpu.enqueue_dma source(%dma_start3A_1071 : memref<8x128xf32, #tpu.memory_space<hbm>>) target(%dma_start3A_1069 : memref<8x128xf32, #tpu.memory_space<vmem>>) target_semaphore(%arg20 : memref<!tpu.dma_semaphore, #tpu.memory_space<semaphore_mem>>)
      %dma_start3A_1072 = arith.constant 24 : i32
      %dma_start3A_1073 = arith.constant 0 : i32
      %dma_start3A_1074 = tpu.memref_slice %arg12[%dma_start3A_1072, %dma_start3A_1073] : memref<32x128xf32, #tpu.memory_space<vmem>> -> memref<8x128xf32, #tpu.memory_space<vmem>>
      %dma_start3A_1075 = arith.constant 24 : i32
      %dma_start3A_1076 = tpu.memref_slice %arg2[%dma_start3A_1075, %multiple_of3A_1041] : memref<32x1000000xf32, #tpu.memory_space<hbm>> -> memref<8x128xf32, #tpu.memory_space<hbm>>
      %dma_start3A_1077 = arith.constant 24 : i32
      %dma_start3A_1078 = arith.constant 0 : i32
      %dma_start3A_1079 = tpu.memref_slice %arg12[%dma_start3A_1077, %dma_start3A_1078] : memref<32x128xf32, #tpu.memory_space<vmem>> -> memref<8x128xf32, #tpu.memory_space<vmem>>
      %dma_start3A_1080 = arith.constant 24 : i32
      %dma_start3A_1081 = tpu.memref_slice %arg2[%dma_start3A_1080, %multiple_of3A_1041] : memref<32x1000000xf32, #tpu.memory_space<hbm>> -> memref<8x128xf32, #tpu.memory_space<hbm>>
      tpu.enqueue_dma source(%dma_start3A_1081 : memref<8x128xf32, #tpu.memory_space<hbm>>) target(%dma_start3A_1079 : memref<8x128xf32, #tpu.memory_space<vmem>>) target_semaphore(%arg20 : memref<!tpu.dma_semaphore, #tpu.memory_space<semaphore_mem>>)
      %mul3A_1082 = arith.constant 8 : i32
      %mul3A_1083 = arith.muli %scan3A_564, %mul3A_1082 : i32
      %add3A_1084 = arith.constant 4 : i32
      %add3A_1085 = arith.addi %mul3A_1083, %add3A_1084 : i32
      %dma_wait3A_1086 = arith.constant 0 : i32
      %dma_wait3A_1087 = arith.constant 0 : i32
      %dma_wait3A_1088 = tpu.memref_slice %arg2[%dma_wait3A_1086, %dma_wait3A_1087] : memref<32x1000000xf32, #tpu.memory_space<hbm>> -> memref<32x128xf32, #tpu.memory_space<hbm>>
      %dma_wait3A_1089 = arith.constant 0 : i32
      %dma_wait3A_1090 = arith.constant 0 : i32
      %dma_wait3A_1091 = tpu.memref_slice %arg2[%dma_wait3A_1089, %dma_wait3A_1090] : memref<32x1000000xf32, #tpu.memory_space<hbm>> -> memref<32x128xf32, #tpu.memory_space<hbm>>
      tpu.wait_dma2 semaphore(%arg21 : memref<!tpu.dma_semaphore, #tpu.memory_space<semaphore_mem>>) src(%dma_wait3A_1091 : memref<32x128xf32, #tpu.memory_space<hbm>>) dst(%arg13 : memref<32x128xf32, #tpu.memory_space<vmem>>)
      %and3A_1092 = arith.constant -16 : i32
      %and3A_1093 = arith.andi %add3A_1085, %and3A_1092 : i32
      %get3A_1094 = arith.index_cast %and3A_1093 : i32 to index
      %get3A_1095 = tpu.vector_load %arg6[%get3A_1094] {strides = array<i32>} : memref<512xi32, #tpu.memory_space<vmem>>, vector<16xi32>,
      %sub3A_1096 = arith.subi %add3A_1085, %and3A_1093 : i32
      %eq3A_1097 = vector.broadcast %sub3A_1096 : i32 to vector<16xi32>
      %eq3A_1098 = arith.cmpi eq, %iota3A, %eq3A_1097 : vector<16xi32>
      %jit3A_1099 = arith.constant 0 : i32
      %broadcast_in_dim3A_1100 = vector.broadcast %jit3A_1099 : i32 to vector<16xi32>
      %select_n3A_1101 = arith.select %eq3A_1098, %get3A_1095, %broadcast_in_dim3A_1100 : vector<16xi1>, vector<16xi32>
      %reduce_max3A_1102 = arith.constant true
      %reduce_max3A_1103 = vector.broadcast %reduce_max3A_1102 : i1 to vector<16xi1>
      %reduce_max3A_1104 = arith.constant -2147483648 : i32
      %reduce_max3A_1105 = vector.broadcast %reduce_max3A_1104 : i32 to vector<16xi32>
      %reduce_max3A_1106 = arith.xori %select_n3A_1101, %reduce_max3A_1105 : vector<16xi32>
      %reduce_max3A_1107 = tpu.scan <max>, %reduce_max3A_1106 masked %reduce_max3A_1103 : vector<16xi32>, vector<16xi1> -> vector<16xi32>
      %reduce_max3A_1108 = arith.xori %reduce_max3A_1107, %reduce_max3A_1105 : vector<16xi32>
      %reduce_max3A_1109 = vector.extract %reduce_max3A_1108[15] : i32 from vector<16xi32>
      %and3A_1110 = arith.constant -128 : i32
      %and3A_1111 = arith.andi %reduce_max3A_1109, %and3A_1110 : i32
      %min3A_1112 = arith.constant 999808 : i32
      %min3A_1113 = arith.minsi %and3A_1111, %min3A_1112 : i32
      %sub3A_1114 = arith.subi %reduce_max3A_1109, %min3A_1113 : i32
      %min3A_1115 = arith.constant 127 : i32
      %min3A_1116 = arith.minsi %sub3A_1114, %min3A_1115 : i32
      %broadcast_in_dim3A_1117 = vector.broadcast %min3A_1116 : i32 to vector<16xi32>
      %gather3A_1118 = tpu.vector_load_idx %arg13[%iota3A, %broadcast_in_dim3A_1117] : memref<32x128xf32, #tpu.memory_space<vmem>>[vector<16xi32>, vector<16xi32>], vector<16xf32>,
      %add3A_1119 = arith.constant 16 : i32
      %add3A_1120 = vector.broadcast %add3A_1119 : i32 to vector<16xi32>
      %add3A_1121 = arith.addi %iota3A, %add3A_1120 : vector<16xi32>
      %gather3A_1122 = tpu.vector_load_idx %arg13[%add3A_1121, %broadcast_in_dim3A_1117] : memref<32x128xf32, #tpu.memory_space<vmem>>[vector<16xi32>, vector<16xi32>], vector<16xf32>,
      %sub3A_1123 = arith.constant 999936 : i32
      %sub3A_1124 = arith.subi %reduce_max3A_1109, %sub3A_1123 : i32
      %max3A_1125 = arith.constant 0 : i32
      %max3A_1126 = arith.maxsi %sub3A_1124, %max3A_1125 : i32
      %mul3A_1127 = arith.constant 32 : i32
      %mul3A_1128 = arith.muli %max3A_1126, %mul3A_1127 : i32
      %broadcast_in_dim3A_1129 = vector.broadcast %mul3A_1128 : i32 to vector<16xi32>
      %add3A_1130 = arith.addi %broadcast_in_dim3A_1129, %iota3A : vector<16xi32>
      %gather3A_1131 = tpu.vector_load_idx %arg8[%add3A_1130] : memref<2048xf32, #tpu.memory_space<vmem>>[vector<16xi32>], vector<16xf32>,
      %add3A_1132 = arith.constant 16 : i32
      %add3A_1133 = vector.broadcast %add3A_1132 : i32 to vector<16xi32>
      %add3A_1134 = arith.addi %add3A_1130, %add3A_1133 : vector<16xi32>
      %gather3A_1135 = tpu.vector_load_idx %arg8[%add3A_1134] : memref<2048xf32, #tpu.memory_space<vmem>>[vector<16xi32>], vector<16xf32>,
      %ge3A_1136 = arith.constant 999936 : i32
      %ge3A_1137 = arith.cmpi sge, %reduce_max3A_1109, %ge3A_1136 : i32
      %broadcast_in_dim3A_1138 = vector.broadcast %ge3A_1137 : i1 to vector<16xi1>
      %select_n3A_1139 = arith.select %broadcast_in_dim3A_1138, %gather3A_1131, %gather3A_1118 : vector<16xi1>, vector<16xf32>
      %select_n3A_1140 = arith.select %broadcast_in_dim3A_1138, %gather3A_1135, %gather3A_1122 : vector<16xi1>, vector<16xf32>
      %broadcast_in_dim3A_1141 = vector.broadcast %add3A_1085 : i32 to vector<16xi32>
      tpu.vector_store_idx %arg7[%iota3A, %broadcast_in_dim3A_1141], %select_n3A_1139 : memref<32x512xf32, #tpu.memory_space<vmem>>[vector<16xi32>, vector<16xi32>], vector<16xf32>,
      %add3A_1142 = arith.constant 16 : i32
      %add3A_1143 = vector.broadcast %add3A_1142 : i32 to vector<16xi32>
      %add3A_1144 = arith.addi %iota3A, %add3A_1143 : vector<16xi32>
      tpu.vector_store_idx %arg7[%add3A_1144, %broadcast_in_dim3A_1141], %select_n3A_1140 : memref<32x512xf32, #tpu.memory_space<vmem>>[vector<16xi32>, vector<16xi32>], vector<16xf32>,
      %add3A_1145 = arith.constant 8 : i32
      %add3A_1146 = arith.addi %add3A_1085, %add3A_1145 : i32
      %min3A_1147 = arith.constant 511 : i32
      %min3A_1148 = arith.minsi %add3A_1146, %min3A_1147 : i32
      %and3A_1149 = arith.constant -16 : i32
      %and3A_1150 = arith.andi %min3A_1148, %and3A_1149 : i32
      %get3A_1151 = arith.index_cast %and3A_1150 : i32 to index
      %get3A_1152 = tpu.vector_load %arg6[%get3A_1151] {strides = array<i32>} : memref<512xi32, #tpu.memory_space<vmem>>, vector<16xi32>,
      %sub3A_1153 = arith.subi %min3A_1148, %and3A_1150 : i32
      %eq3A_1154 = vector.broadcast %sub3A_1153 : i32 to vector<16xi32>
      %eq3A_1155 = arith.cmpi eq, %iota3A, %eq3A_1154 : vector<16xi32>
      %jit3A_1156 = arith.constant 0 : i32
      %broadcast_in_dim3A_1157 = vector.broadcast %jit3A_1156 : i32 to vector<16xi32>
      %select_n3A_1158 = arith.select %eq3A_1155, %get3A_1152, %broadcast_in_dim3A_1157 : vector<16xi1>, vector<16xi32>
      %reduce_max3A_1159 = arith.constant true
      %reduce_max3A_1160 = vector.broadcast %reduce_max3A_1159 : i1 to vector<16xi1>
      %reduce_max3A_1161 = arith.constant -2147483648 : i32
      %reduce_max3A_1162 = vector.broadcast %reduce_max3A_1161 : i32 to vector<16xi32>
      %reduce_max3A_1163 = arith.xori %select_n3A_1158, %reduce_max3A_1162 : vector<16xi32>
      %reduce_max3A_1164 = tpu.scan <max>, %reduce_max3A_1163 masked %reduce_max3A_1160 : vector<16xi32>, vector<16xi1> -> vector<16xi32>
      %reduce_max3A_1165 = arith.xori %reduce_max3A_1164, %reduce_max3A_1162 : vector<16xi32>
      %reduce_max3A_1166 = vector.extract %reduce_max3A_1165[15] : i32 from vector<16xi32>
      %and3A_1167 = arith.constant -128 : i32
      %and3A_1168 = arith.andi %reduce_max3A_1166, %and3A_1167 : i32
      %min3A_1169 = arith.constant 999808 : i32
      %min3A_1170 = arith.minsi %and3A_1168, %min3A_1169 : i32
      %multiple_of3A_1171 = tpu.assume_multiple %min3A_1170, 128 : i32
      %dma_start3A_1172 = arith.constant 0 : i32
      %dma_start3A_1173 = arith.constant 0 : i32
      %dma_start3A_1174 = tpu.memref_slice %arg13[%dma_start3A_1172, %dma_start3A_1173] : memref<32x128xf32, #tpu.memory_space<vmem>> -> memref<8x128xf32, #tpu.memory_space<vmem>>
      %dma_start3A_1175 = arith.constant 0 : i32
      %dma_start3A_1176 = tpu.memref_slice %arg2[%dma_start3A_1175, %multiple_of3A_1171] : memref<32x1000000xf32, #tpu.memory_space<hbm>> -> memref<8x128xf32, #tpu.memory_space<hbm>>
      %dma_start3A_1177 = arith.constant 0 : i32
      %dma_start3A_1178 = arith.constant 0 : i32
      %dma_start3A_1179 = tpu.memref_slice %arg13[%dma_start3A_1177, %dma_start3A_1178] : memref<32x128xf32, #tpu.memory_space<vmem>> -> memref<8x128xf32, #tpu.memory_space<vmem>>
      %dma_start3A_1180 = arith.constant 0 : i32
      %dma_start3A_1181 = tpu.memref_slice %arg2[%dma_start3A_1180, %multiple_of3A_1171] : memref<32x1000000xf32, #tpu.memory_space<hbm>> -> memref<8x128xf32, #tpu.memory_space<hbm>>
      tpu.enqueue_dma source(%dma_start3A_1181 : memref<8x128xf32, #tpu.memory_space<hbm>>) target(%dma_start3A_1179 : memref<8x128xf32, #tpu.memory_space<vmem>>) target_semaphore(%arg21 : memref<!tpu.dma_semaphore, #tpu.memory_space<semaphore_mem>>)
      %dma_start3A_1182 = arith.constant 8 : i32
      %dma_start3A_1183 = arith.constant 0 : i32
      %dma_start3A_1184 = tpu.memref_slice %arg13[%dma_start3A_1182, %dma_start3A_1183] : memref<32x128xf32, #tpu.memory_space<vmem>> -> memref<8x128xf32, #tpu.memory_space<vmem>>
      %dma_start3A_1185 = arith.constant 8 : i32
      %dma_start3A_1186 = tpu.memref_slice %arg2[%dma_start3A_1185, %multiple_of3A_1171] : memref<32x1000000xf32, #tpu.memory_space<hbm>> -> memref<8x128xf32, #tpu.memory_space<hbm>>
      %dma_start3A_1187 = arith.constant 8 : i32
      %dma_start3A_1188 = arith.constant 0 : i32
      %dma_start3A_1189 = tpu.memref_slice %arg13[%dma_start3A_1187, %dma_start3A_1188] : memref<32x128xf32, #tpu.memory_space<vmem>> -> memref<8x128xf32, #tpu.memory_space<vmem>>
      %dma_start3A_1190 = arith.constant 8 : i32
      %dma_start3A_1191 = tpu.memref_slice %arg2[%dma_start3A_1190, %multiple_of3A_1171] : memref<32x1000000xf32, #tpu.memory_space<hbm>> -> memref<8x128xf32, #tpu.memory_space<hbm>>
      tpu.enqueue_dma source(%dma_start3A_1191 : memref<8x128xf32, #tpu.memory_space<hbm>>) target(%dma_start3A_1189 : memref<8x128xf32, #tpu.memory_space<vmem>>) target_semaphore(%arg21 : memref<!tpu.dma_semaphore, #tpu.memory_space<semaphore_mem>>)
      %dma_start3A_1192 = arith.constant 16 : i32
      %dma_start3A_1193 = arith.constant 0 : i32
      %dma_start3A_1194 = tpu.memref_slice %arg13[%dma_start3A_1192, %dma_start3A_1193] : memref<32x128xf32, #tpu.memory_space<vmem>> -> memref<8x128xf32, #tpu.memory_space<vmem>>
      %dma_start3A_1195 = arith.constant 16 : i32
      %dma_start3A_1196 = tpu.memref_slice %arg2[%dma_start3A_1195, %multiple_of3A_1171] : memref<32x1000000xf32, #tpu.memory_space<hbm>> -> memref<8x128xf32, #tpu.memory_space<hbm>>
      %dma_start3A_1197 = arith.constant 16 : i32
      %dma_start3A_1198 = arith.constant 0 : i32
      %dma_start3A_1199 = tpu.memref_slice %arg13[%dma_start3A_1197, %dma_start3A_1198] : memref<32x128xf32, #tpu.memory_space<vmem>> -> memref<8x128xf32, #tpu.memory_space<vmem>>
      %dma_start3A_1200 = arith.constant 16 : i32
      %dma_start3A_1201 = tpu.memref_slice %arg2[%dma_start3A_1200, %multiple_of3A_1171] : memref<32x1000000xf32, #tpu.memory_space<hbm>> -> memref<8x128xf32, #tpu.memory_space<hbm>>
      tpu.enqueue_dma source(%dma_start3A_1201 : memref<8x128xf32, #tpu.memory_space<hbm>>) target(%dma_start3A_1199 : memref<8x128xf32, #tpu.memory_space<vmem>>) target_semaphore(%arg21 : memref<!tpu.dma_semaphore, #tpu.memory_space<semaphore_mem>>)
      %dma_start3A_1202 = arith.constant 24 : i32
      %dma_start3A_1203 = arith.constant 0 : i32
      %dma_start3A_1204 = tpu.memref_slice %arg13[%dma_start3A_1202, %dma_start3A_1203] : memref<32x128xf32, #tpu.memory_space<vmem>> -> memref<8x128xf32, #tpu.memory_space<vmem>>
      %dma_start3A_1205 = arith.constant 24 : i32
      %dma_start3A_1206 = tpu.memref_slice %arg2[%dma_start3A_1205, %multiple_of3A_1171] : memref<32x1000000xf32, #tpu.memory_space<hbm>> -> memref<8x128xf32, #tpu.memory_space<hbm>>
      %dma_start3A_1207 = arith.constant 24 : i32
      %dma_start3A_1208 = arith.constant 0 : i32
      %dma_start3A_1209 = tpu.memref_slice %arg13[%dma_start3A_1207, %dma_start3A_1208] : memref<32x128xf32, #tpu.memory_space<vmem>> -> memref<8x128xf32, #tpu.memory_space<vmem>>
      %dma_start3A_1210 = arith.constant 24 : i32
      %dma_start3A_1211 = tpu.memref_slice %arg2[%dma_start3A_1210, %multiple_of3A_1171] : memref<32x1000000xf32, #tpu.memory_space<hbm>> -> memref<8x128xf32, #tpu.memory_space<hbm>>
      tpu.enqueue_dma source(%dma_start3A_1211 : memref<8x128xf32, #tpu.memory_space<hbm>>) target(%dma_start3A_1209 : memref<8x128xf32, #tpu.memory_space<vmem>>) target_semaphore(%arg21 : memref<!tpu.dma_semaphore, #tpu.memory_space<semaphore_mem>>)
      %mul3A_1212 = arith.constant 8 : i32
      %mul3A_1213 = arith.muli %scan3A_564, %mul3A_1212 : i32
      %add3A_1214 = arith.constant 5 : i32
      %add3A_1215 = arith.addi %mul3A_1213, %add3A_1214 : i32
      %dma_wait3A_1216 = arith.constant 0 : i32
      %dma_wait3A_1217 = arith.constant 0 : i32
      %dma_wait3A_1218 = tpu.memref_slice %arg2[%dma_wait3A_1216, %dma_wait3A_1217] : memref<32x1000000xf32, #tpu.memory_space<hbm>> -> memref<32x128xf32, #tpu.memory_space<hbm>>
      %dma_wait3A_1219 = arith.constant 0 : i32
      %dma_wait3A_1220 = arith.constant 0 : i32
      %dma_wait3A_1221 = tpu.memref_slice %arg2[%dma_wait3A_1219, %dma_wait3A_1220] : memref<32x1000000xf32, #tpu.memory_space<hbm>> -> memref<32x128xf32, #tpu.memory_space<hbm>>
      tpu.wait_dma2 semaphore(%arg22 : memref<!tpu.dma_semaphore, #tpu.memory_space<semaphore_mem>>) src(%dma_wait3A_1221 : memref<32x128xf32, #tpu.memory_space<hbm>>) dst(%arg14 : memref<32x128xf32, #tpu.memory_space<vmem>>)
      %and3A_1222 = arith.constant -16 : i32
      %and3A_1223 = arith.andi %add3A_1215, %and3A_1222 : i32
      %get3A_1224 = arith.index_cast %and3A_1223 : i32 to index
      %get3A_1225 = tpu.vector_load %arg6[%get3A_1224] {strides = array<i32>} : memref<512xi32, #tpu.memory_space<vmem>>, vector<16xi32>,
      %sub3A_1226 = arith.subi %add3A_1215, %and3A_1223 : i32
      %eq3A_1227 = vector.broadcast %sub3A_1226 : i32 to vector<16xi32>
      %eq3A_1228 = arith.cmpi eq, %iota3A, %eq3A_1227 : vector<16xi32>
      %jit3A_1229 = arith.constant 0 : i32
      %broadcast_in_dim3A_1230 = vector.broadcast %jit3A_1229 : i32 to vector<16xi32>
      %select_n3A_1231 = arith.select %eq3A_1228, %get3A_1225, %broadcast_in_dim3A_1230 : vector<16xi1>, vector<16xi32>
      %reduce_max3A_1232 = arith.constant true
      %reduce_max3A_1233 = vector.broadcast %reduce_max3A_1232 : i1 to vector<16xi1>
      %reduce_max3A_1234 = arith.constant -2147483648 : i32
      %reduce_max3A_1235 = vector.broadcast %reduce_max3A_1234 : i32 to vector<16xi32>
      %reduce_max3A_1236 = arith.xori %select_n3A_1231, %reduce_max3A_1235 : vector<16xi32>
      %reduce_max3A_1237 = tpu.scan <max>, %reduce_max3A_1236 masked %reduce_max3A_1233 : vector<16xi32>, vector<16xi1> -> vector<16xi32>
      %reduce_max3A_1238 = arith.xori %reduce_max3A_1237, %reduce_max3A_1235 : vector<16xi32>
      %reduce_max3A_1239 = vector.extract %reduce_max3A_1238[15] : i32 from vector<16xi32>
      %and3A_1240 = arith.constant -128 : i32
      %and3A_1241 = arith.andi %reduce_max3A_1239, %and3A_1240 : i32
      %min3A_1242 = arith.constant 999808 : i32
      %min3A_1243 = arith.minsi %and3A_1241, %min3A_1242 : i32
      %sub3A_1244 = arith.subi %reduce_max3A_1239, %min3A_1243 : i32
      %min3A_1245 = arith.constant 127 : i32
      %min3A_1246 = arith.minsi %sub3A_1244, %min3A_1245 : i32
      %broadcast_in_dim3A_1247 = vector.broadcast %min3A_1246 : i32 to vector<16xi32>
      %gather3A_1248 = tpu.vector_load_idx %arg14[%iota3A, %broadcast_in_dim3A_1247] : memref<32x128xf32, #tpu.memory_space<vmem>>[vector<16xi32>, vector<16xi32>], vector<16xf32>,
      %add3A_1249 = arith.constant 16 : i32
      %add3A_1250 = vector.broadcast %add3A_1249 : i32 to vector<16xi32>
      %add3A_1251 = arith.addi %iota3A, %add3A_1250 : vector<16xi32>
      %gather3A_1252 = tpu.vector_load_idx %arg14[%add3A_1251, %broadcast_in_dim3A_1247] : memref<32x128xf32, #tpu.memory_space<vmem>>[vector<16xi32>, vector<16xi32>], vector<16xf32>,
      %sub3A_1253 = arith.constant 999936 : i32
      %sub3A_1254 = arith.subi %reduce_max3A_1239, %sub3A_1253 : i32
      %max3A_1255 = arith.constant 0 : i32
      %max3A_1256 = arith.maxsi %sub3A_1254, %max3A_1255 : i32
      %mul3A_1257 = arith.constant 32 : i32
      %mul3A_1258 = arith.muli %max3A_1256, %mul3A_1257 : i32
      %broadcast_in_dim3A_1259 = vector.broadcast %mul3A_1258 : i32 to vector<16xi32>
      %add3A_1260 = arith.addi %broadcast_in_dim3A_1259, %iota3A : vector<16xi32>
      %gather3A_1261 = tpu.vector_load_idx %arg8[%add3A_1260] : memref<2048xf32, #tpu.memory_space<vmem>>[vector<16xi32>], vector<16xf32>,
      %add3A_1262 = arith.constant 16 : i32
      %add3A_1263 = vector.broadcast %add3A_1262 : i32 to vector<16xi32>
      %add3A_1264 = arith.addi %add3A_1260, %add3A_1263 : vector<16xi32>
      %gather3A_1265 = tpu.vector_load_idx %arg8[%add3A_1264] : memref<2048xf32, #tpu.memory_space<vmem>>[vector<16xi32>], vector<16xf32>,
      %ge3A_1266 = arith.constant 999936 : i32
      %ge3A_1267 = arith.cmpi sge, %reduce_max3A_1239, %ge3A_1266 : i32
      %broadcast_in_dim3A_1268 = vector.broadcast %ge3A_1267 : i1 to vector<16xi1>
      %select_n3A_1269 = arith.select %broadcast_in_dim3A_1268, %gather3A_1261, %gather3A_1248 : vector<16xi1>, vector<16xf32>
      %select_n3A_1270 = arith.select %broadcast_in_dim3A_1268, %gather3A_1265, %gather3A_1252 : vector<16xi1>, vector<16xf32>
      %broadcast_in_dim3A_1271 = vector.broadcast %add3A_1215 : i32 to vector<16xi32>
      tpu.vector_store_idx %arg7[%iota3A, %broadcast_in_dim3A_1271], %select_n3A_1269 : memref<32x512xf32, #tpu.memory_space<vmem>>[vector<16xi32>, vector<16xi32>], vector<16xf32>,
      %add3A_1272 = arith.constant 16 : i32
      %add3A_1273 = vector.broadcast %add3A_1272 : i32 to vector<16xi32>
      %add3A_1274 = arith.addi %iota3A, %add3A_1273 : vector<16xi32>
      tpu.vector_store_idx %arg7[%add3A_1274, %broadcast_in_dim3A_1271], %select_n3A_1270 : memref<32x512xf32, #tpu.memory_space<vmem>>[vector<16xi32>, vector<16xi32>], vector<16xf32>,
      %add3A_1275 = arith.constant 8 : i32
      %add3A_1276 = arith.addi %add3A_1215, %add3A_1275 : i32
      %min3A_1277 = arith.constant 511 : i32
      %min3A_1278 = arith.minsi %add3A_1276, %min3A_1277 : i32
      %and3A_1279 = arith.constant -16 : i32
      %and3A_1280 = arith.andi %min3A_1278, %and3A_1279 : i32
      %get3A_1281 = arith.index_cast %and3A_1280 : i32 to index
      %get3A_1282 = tpu.vector_load %arg6[%get3A_1281] {strides = array<i32>} : memref<512xi32, #tpu.memory_space<vmem>>, vector<16xi32>,
      %sub3A_1283 = arith.subi %min3A_1278, %and3A_1280 : i32
      %eq3A_1284 = vector.broadcast %sub3A_1283 : i32 to vector<16xi32>
      %eq3A_1285 = arith.cmpi eq, %iota3A, %eq3A_1284 : vector<16xi32>
      %jit3A_1286 = arith.constant 0 : i32
      %broadcast_in_dim3A_1287 = vector.broadcast %jit3A_1286 : i32 to vector<16xi32>
      %select_n3A_1288 = arith.select %eq3A_1285, %get3A_1282, %broadcast_in_dim3A_1287 : vector<16xi1>, vector<16xi32>
      %reduce_max3A_1289 = arith.constant true
      %reduce_max3A_1290 = vector.broadcast %reduce_max3A_1289 : i1 to vector<16xi1>
      %reduce_max3A_1291 = arith.constant -2147483648 : i32
      %reduce_max3A_1292 = vector.broadcast %reduce_max3A_1291 : i32 to vector<16xi32>
      %reduce_max3A_1293 = arith.xori %select_n3A_1288, %reduce_max3A_1292 : vector<16xi32>
      %reduce_max3A_1294 = tpu.scan <max>, %reduce_max3A_1293 masked %reduce_max3A_1290 : vector<16xi32>, vector<16xi1> -> vector<16xi32>
      %reduce_max3A_1295 = arith.xori %reduce_max3A_1294, %reduce_max3A_1292 : vector<16xi32>
      %reduce_max3A_1296 = vector.extract %reduce_max3A_1295[15] : i32 from vector<16xi32>
      %and3A_1297 = arith.constant -128 : i32
      %and3A_1298 = arith.andi %reduce_max3A_1296, %and3A_1297 : i32
      %min3A_1299 = arith.constant 999808 : i32
      %min3A_1300 = arith.minsi %and3A_1298, %min3A_1299 : i32
      %multiple_of3A_1301 = tpu.assume_multiple %min3A_1300, 128 : i32
      %dma_start3A_1302 = arith.constant 0 : i32
      %dma_start3A_1303 = arith.constant 0 : i32
      %dma_start3A_1304 = tpu.memref_slice %arg14[%dma_start3A_1302, %dma_start3A_1303] : memref<32x128xf32, #tpu.memory_space<vmem>> -> memref<8x128xf32, #tpu.memory_space<vmem>>
      %dma_start3A_1305 = arith.constant 0 : i32
      %dma_start3A_1306 = tpu.memref_slice %arg2[%dma_start3A_1305, %multiple_of3A_1301] : memref<32x1000000xf32, #tpu.memory_space<hbm>> -> memref<8x128xf32, #tpu.memory_space<hbm>>
      %dma_start3A_1307 = arith.constant 0 : i32
      %dma_start3A_1308 = arith.constant 0 : i32
      %dma_start3A_1309 = tpu.memref_slice %arg14[%dma_start3A_1307, %dma_start3A_1308] : memref<32x128xf32, #tpu.memory_space<vmem>> -> memref<8x128xf32, #tpu.memory_space<vmem>>
      %dma_start3A_1310 = arith.constant 0 : i32
      %dma_start3A_1311 = tpu.memref_slice %arg2[%dma_start3A_1310, %multiple_of3A_1301] : memref<32x1000000xf32, #tpu.memory_space<hbm>> -> memref<8x128xf32, #tpu.memory_space<hbm>>
      tpu.enqueue_dma source(%dma_start3A_1311 : memref<8x128xf32, #tpu.memory_space<hbm>>) target(%dma_start3A_1309 : memref<8x128xf32, #tpu.memory_space<vmem>>) target_semaphore(%arg22 : memref<!tpu.dma_semaphore, #tpu.memory_space<semaphore_mem>>)
      %dma_start3A_1312 = arith.constant 8 : i32
      %dma_start3A_1313 = arith.constant 0 : i32
      %dma_start3A_1314 = tpu.memref_slice %arg14[%dma_start3A_1312, %dma_start3A_1313] : memref<32x128xf32, #tpu.memory_space<vmem>> -> memref<8x128xf32, #tpu.memory_space<vmem>>
      %dma_start3A_1315 = arith.constant 8 : i32
      %dma_start3A_1316 = tpu.memref_slice %arg2[%dma_start3A_1315, %multiple_of3A_1301] : memref<32x1000000xf32, #tpu.memory_space<hbm>> -> memref<8x128xf32, #tpu.memory_space<hbm>>
      %dma_start3A_1317 = arith.constant 8 : i32
      %dma_start3A_1318 = arith.constant 0 : i32
      %dma_start3A_1319 = tpu.memref_slice %arg14[%dma_start3A_1317, %dma_start3A_1318] : memref<32x128xf32, #tpu.memory_space<vmem>> -> memref<8x128xf32, #tpu.memory_space<vmem>>
      %dma_start3A_1320 = arith.constant 8 : i32
      %dma_start3A_1321 = tpu.memref_slice %arg2[%dma_start3A_1320, %multiple_of3A_1301] : memref<32x1000000xf32, #tpu.memory_space<hbm>> -> memref<8x128xf32, #tpu.memory_space<hbm>>
      tpu.enqueue_dma source(%dma_start3A_1321 : memref<8x128xf32, #tpu.memory_space<hbm>>) target(%dma_start3A_1319 : memref<8x128xf32, #tpu.memory_space<vmem>>) target_semaphore(%arg22 : memref<!tpu.dma_semaphore, #tpu.memory_space<semaphore_mem>>)
      %dma_start3A_1322 = arith.constant 16 : i32
      %dma_start3A_1323 = arith.constant 0 : i32
      %dma_start3A_1324 = tpu.memref_slice %arg14[%dma_start3A_1322, %dma_start3A_1323] : memref<32x128xf32, #tpu.memory_space<vmem>> -> memref<8x128xf32, #tpu.memory_space<vmem>>
      %dma_start3A_1325 = arith.constant 16 : i32
      %dma_start3A_1326 = tpu.memref_slice %arg2[%dma_start3A_1325, %multiple_of3A_1301] : memref<32x1000000xf32, #tpu.memory_space<hbm>> -> memref<8x128xf32, #tpu.memory_space<hbm>>
      %dma_start3A_1327 = arith.constant 16 : i32
      %dma_start3A_1328 = arith.constant 0 : i32
      %dma_start3A_1329 = tpu.memref_slice %arg14[%dma_start3A_1327, %dma_start3A_1328] : memref<32x128xf32, #tpu.memory_space<vmem>> -> memref<8x128xf32, #tpu.memory_space<vmem>>
      %dma_start3A_1330 = arith.constant 16 : i32
      %dma_start3A_1331 = tpu.memref_slice %arg2[%dma_start3A_1330, %multiple_of3A_1301] : memref<32x1000000xf32, #tpu.memory_space<hbm>> -> memref<8x128xf32, #tpu.memory_space<hbm>>
      tpu.enqueue_dma source(%dma_start3A_1331 : memref<8x128xf32, #tpu.memory_space<hbm>>) target(%dma_start3A_1329 : memref<8x128xf32, #tpu.memory_space<vmem>>) target_semaphore(%arg22 : memref<!tpu.dma_semaphore, #tpu.memory_space<semaphore_mem>>)
      %dma_start3A_1332 = arith.constant 24 : i32
      %dma_start3A_1333 = arith.constant 0 : i32
      %dma_start3A_1334 = tpu.memref_slice %arg14[%dma_start3A_1332, %dma_start3A_1333] : memref<32x128xf32, #tpu.memory_space<vmem>> -> memref<8x128xf32, #tpu.memory_space<vmem>>
      %dma_start3A_1335 = arith.constant 24 : i32
      %dma_start3A_1336 = tpu.memref_slice %arg2[%dma_start3A_1335, %multiple_of3A_1301] : memref<32x1000000xf32, #tpu.memory_space<hbm>> -> memref<8x128xf32, #tpu.memory_space<hbm>>
      %dma_start3A_1337 = arith.constant 24 : i32
      %dma_start3A_1338 = arith.constant 0 : i32
      %dma_start3A_1339 = tpu.memref_slice %arg14[%dma_start3A_1337, %dma_start3A_1338] : memref<32x128xf32, #tpu.memory_space<vmem>> -> memref<8x128xf32, #tpu.memory_space<vmem>>
      %dma_start3A_1340 = arith.constant 24 : i32
      %dma_start3A_1341 = tpu.memref_slice %arg2[%dma_start3A_1340, %multiple_of3A_1301] : memref<32x1000000xf32, #tpu.memory_space<hbm>> -> memref<8x128xf32, #tpu.memory_space<hbm>>
      tpu.enqueue_dma source(%dma_start3A_1341 : memref<8x128xf32, #tpu.memory_space<hbm>>) target(%dma_start3A_1339 : memref<8x128xf32, #tpu.memory_space<vmem>>) target_semaphore(%arg22 : memref<!tpu.dma_semaphore, #tpu.memory_space<semaphore_mem>>)
      %mul3A_1342 = arith.constant 8 : i32
      %mul3A_1343 = arith.muli %scan3A_564, %mul3A_1342 : i32
      %add3A_1344 = arith.constant 6 : i32
      %add3A_1345 = arith.addi %mul3A_1343, %add3A_1344 : i32
      %dma_wait3A_1346 = arith.constant 0 : i32
      %dma_wait3A_1347 = arith.constant 0 : i32
      %dma_wait3A_1348 = tpu.memref_slice %arg2[%dma_wait3A_1346, %dma_wait3A_1347] : memref<32x1000000xf32, #tpu.memory_space<hbm>> -> memref<32x128xf32, #tpu.memory_space<hbm>>
      %dma_wait3A_1349 = arith.constant 0 : i32
      %dma_wait3A_1350 = arith.constant 0 : i32
      %dma_wait3A_1351 = tpu.memref_slice %arg2[%dma_wait3A_1349, %dma_wait3A_1350] : memref<32x1000000xf32, #tpu.memory_space<hbm>> -> memref<32x128xf32, #tpu.memory_space<hbm>>
      tpu.wait_dma2 semaphore(%arg23 : memref<!tpu.dma_semaphore, #tpu.memory_space<semaphore_mem>>) src(%dma_wait3A_1351 : memref<32x128xf32, #tpu.memory_space<hbm>>) dst(%arg15 : memref<32x128xf32, #tpu.memory_space<vmem>>)
      %and3A_1352 = arith.constant -16 : i32
      %and3A_1353 = arith.andi %add3A_1345, %and3A_1352 : i32
      %get3A_1354 = arith.index_cast %and3A_1353 : i32 to index
      %get3A_1355 = tpu.vector_load %arg6[%get3A_1354] {strides = array<i32>} : memref<512xi32, #tpu.memory_space<vmem>>, vector<16xi32>,
      %sub3A_1356 = arith.subi %add3A_1345, %and3A_1353 : i32
      %eq3A_1357 = vector.broadcast %sub3A_1356 : i32 to vector<16xi32>
      %eq3A_1358 = arith.cmpi eq, %iota3A, %eq3A_1357 : vector<16xi32>
      %jit3A_1359 = arith.constant 0 : i32
      %broadcast_in_dim3A_1360 = vector.broadcast %jit3A_1359 : i32 to vector<16xi32>
      %select_n3A_1361 = arith.select %eq3A_1358, %get3A_1355, %broadcast_in_dim3A_1360 : vector<16xi1>, vector<16xi32>
      %reduce_max3A_1362 = arith.constant true
      %reduce_max3A_1363 = vector.broadcast %reduce_max3A_1362 : i1 to vector<16xi1>
      %reduce_max3A_1364 = arith.constant -2147483648 : i32
      %reduce_max3A_1365 = vector.broadcast %reduce_max3A_1364 : i32 to vector<16xi32>
      %reduce_max3A_1366 = arith.xori %select_n3A_1361, %reduce_max3A_1365 : vector<16xi32>
      %reduce_max3A_1367 = tpu.scan <max>, %reduce_max3A_1366 masked %reduce_max3A_1363 : vector<16xi32>, vector<16xi1> -> vector<16xi32>
      %reduce_max3A_1368 = arith.xori %reduce_max3A_1367, %reduce_max3A_1365 : vector<16xi32>
      %reduce_max3A_1369 = vector.extract %reduce_max3A_1368[15] : i32 from vector<16xi32>
      %and3A_1370 = arith.constant -128 : i32
      %and3A_1371 = arith.andi %reduce_max3A_1369, %and3A_1370 : i32
      %min3A_1372 = arith.constant 999808 : i32
      %min3A_1373 = arith.minsi %and3A_1371, %min3A_1372 : i32
      %sub3A_1374 = arith.subi %reduce_max3A_1369, %min3A_1373 : i32
      %min3A_1375 = arith.constant 127 : i32
      %min3A_1376 = arith.minsi %sub3A_1374, %min3A_1375 : i32
      %broadcast_in_dim3A_1377 = vector.broadcast %min3A_1376 : i32 to vector<16xi32>
      %gather3A_1378 = tpu.vector_load_idx %arg15[%iota3A, %broadcast_in_dim3A_1377] : memref<32x128xf32, #tpu.memory_space<vmem>>[vector<16xi32>, vector<16xi32>], vector<16xf32>,
      %add3A_1379 = arith.constant 16 : i32
      %add3A_1380 = vector.broadcast %add3A_1379 : i32 to vector<16xi32>
      %add3A_1381 = arith.addi %iota3A, %add3A_1380 : vector<16xi32>
      %gather3A_1382 = tpu.vector_load_idx %arg15[%add3A_1381, %broadcast_in_dim3A_1377] : memref<32x128xf32, #tpu.memory_space<vmem>>[vector<16xi32>, vector<16xi32>], vector<16xf32>,
      %sub3A_1383 = arith.constant 999936 : i32
      %sub3A_1384 = arith.subi %reduce_max3A_1369, %sub3A_1383 : i32
      %max3A_1385 = arith.constant 0 : i32
      %max3A_1386 = arith.maxsi %sub3A_1384, %max3A_1385 : i32
      %mul3A_1387 = arith.constant 32 : i32
      %mul3A_1388 = arith.muli %max3A_1386, %mul3A_1387 : i32
      %broadcast_in_dim3A_1389 = vector.broadcast %mul3A_1388 : i32 to vector<16xi32>
      %add3A_1390 = arith.addi %broadcast_in_dim3A_1389, %iota3A : vector<16xi32>
      %gather3A_1391 = tpu.vector_load_idx %arg8[%add3A_1390] : memref<2048xf32, #tpu.memory_space<vmem>>[vector<16xi32>], vector<16xf32>,
      %add3A_1392 = arith.constant 16 : i32
      %add3A_1393 = vector.broadcast %add3A_1392 : i32 to vector<16xi32>
      %add3A_1394 = arith.addi %add3A_1390, %add3A_1393 : vector<16xi32>
      %gather3A_1395 = tpu.vector_load_idx %arg8[%add3A_1394] : memref<2048xf32, #tpu.memory_space<vmem>>[vector<16xi32>], vector<16xf32>,
      %ge3A_1396 = arith.constant 999936 : i32
      %ge3A_1397 = arith.cmpi sge, %reduce_max3A_1369, %ge3A_1396 : i32
      %broadcast_in_dim3A_1398 = vector.broadcast %ge3A_1397 : i1 to vector<16xi1>
      %select_n3A_1399 = arith.select %broadcast_in_dim3A_1398, %gather3A_1391, %gather3A_1378 : vector<16xi1>, vector<16xf32>
      %select_n3A_1400 = arith.select %broadcast_in_dim3A_1398, %gather3A_1395, %gather3A_1382 : vector<16xi1>, vector<16xf32>
      %broadcast_in_dim3A_1401 = vector.broadcast %add3A_1345 : i32 to vector<16xi32>
      tpu.vector_store_idx %arg7[%iota3A, %broadcast_in_dim3A_1401], %select_n3A_1399 : memref<32x512xf32, #tpu.memory_space<vmem>>[vector<16xi32>, vector<16xi32>], vector<16xf32>,
      %add3A_1402 = arith.constant 16 : i32
      %add3A_1403 = vector.broadcast %add3A_1402 : i32 to vector<16xi32>
      %add3A_1404 = arith.addi %iota3A, %add3A_1403 : vector<16xi32>
      tpu.vector_store_idx %arg7[%add3A_1404, %broadcast_in_dim3A_1401], %select_n3A_1400 : memref<32x512xf32, #tpu.memory_space<vmem>>[vector<16xi32>, vector<16xi32>], vector<16xf32>,
      %add3A_1405 = arith.constant 8 : i32
      %add3A_1406 = arith.addi %add3A_1345, %add3A_1405 : i32
      %min3A_1407 = arith.constant 511 : i32
      %min3A_1408 = arith.minsi %add3A_1406, %min3A_1407 : i32
      %and3A_1409 = arith.constant -16 : i32
      %and3A_1410 = arith.andi %min3A_1408, %and3A_1409 : i32
      %get3A_1411 = arith.index_cast %and3A_1410 : i32 to index
      %get3A_1412 = tpu.vector_load %arg6[%get3A_1411] {strides = array<i32>} : memref<512xi32, #tpu.memory_space<vmem>>, vector<16xi32>,
      %sub3A_1413 = arith.subi %min3A_1408, %and3A_1410 : i32
      %eq3A_1414 = vector.broadcast %sub3A_1413 : i32 to vector<16xi32>
      %eq3A_1415 = arith.cmpi eq, %iota3A, %eq3A_1414 : vector<16xi32>
      %jit3A_1416 = arith.constant 0 : i32
      %broadcast_in_dim3A_1417 = vector.broadcast %jit3A_1416 : i32 to vector<16xi32>
      %select_n3A_1418 = arith.select %eq3A_1415, %get3A_1412, %broadcast_in_dim3A_1417 : vector<16xi1>, vector<16xi32>
      %reduce_max3A_1419 = arith.constant true
      %reduce_max3A_1420 = vector.broadcast %reduce_max3A_1419 : i1 to vector<16xi1>
      %reduce_max3A_1421 = arith.constant -2147483648 : i32
      %reduce_max3A_1422 = vector.broadcast %reduce_max3A_1421 : i32 to vector<16xi32>
      %reduce_max3A_1423 = arith.xori %select_n3A_1418, %reduce_max3A_1422 : vector<16xi32>
      %reduce_max3A_1424 = tpu.scan <max>, %reduce_max3A_1423 masked %reduce_max3A_1420 : vector<16xi32>, vector<16xi1> -> vector<16xi32>
      %reduce_max3A_1425 = arith.xori %reduce_max3A_1424, %reduce_max3A_1422 : vector<16xi32>
      %reduce_max3A_1426 = vector.extract %reduce_max3A_1425[15] : i32 from vector<16xi32>
      %and3A_1427 = arith.constant -128 : i32
      %and3A_1428 = arith.andi %reduce_max3A_1426, %and3A_1427 : i32
      %min3A_1429 = arith.constant 999808 : i32
      %min3A_1430 = arith.minsi %and3A_1428, %min3A_1429 : i32
      %multiple_of3A_1431 = tpu.assume_multiple %min3A_1430, 128 : i32
      %dma_start3A_1432 = arith.constant 0 : i32
      %dma_start3A_1433 = arith.constant 0 : i32
      %dma_start3A_1434 = tpu.memref_slice %arg15[%dma_start3A_1432, %dma_start3A_1433] : memref<32x128xf32, #tpu.memory_space<vmem>> -> memref<8x128xf32, #tpu.memory_space<vmem>>
      %dma_start3A_1435 = arith.constant 0 : i32
      %dma_start3A_1436 = tpu.memref_slice %arg2[%dma_start3A_1435, %multiple_of3A_1431] : memref<32x1000000xf32, #tpu.memory_space<hbm>> -> memref<8x128xf32, #tpu.memory_space<hbm>>
      %dma_start3A_1437 = arith.constant 0 : i32
      %dma_start3A_1438 = arith.constant 0 : i32
      %dma_start3A_1439 = tpu.memref_slice %arg15[%dma_start3A_1437, %dma_start3A_1438] : memref<32x128xf32, #tpu.memory_space<vmem>> -> memref<8x128xf32, #tpu.memory_space<vmem>>
      %dma_start3A_1440 = arith.constant 0 : i32
      %dma_start3A_1441 = tpu.memref_slice %arg2[%dma_start3A_1440, %multiple_of3A_1431] : memref<32x1000000xf32, #tpu.memory_space<hbm>> -> memref<8x128xf32, #tpu.memory_space<hbm>>
      tpu.enqueue_dma source(%dma_start3A_1441 : memref<8x128xf32, #tpu.memory_space<hbm>>) target(%dma_start3A_1439 : memref<8x128xf32, #tpu.memory_space<vmem>>) target_semaphore(%arg23 : memref<!tpu.dma_semaphore, #tpu.memory_space<semaphore_mem>>)
      %dma_start3A_1442 = arith.constant 8 : i32
      %dma_start3A_1443 = arith.constant 0 : i32
      %dma_start3A_1444 = tpu.memref_slice %arg15[%dma_start3A_1442, %dma_start3A_1443] : memref<32x128xf32, #tpu.memory_space<vmem>> -> memref<8x128xf32, #tpu.memory_space<vmem>>
      %dma_start3A_1445 = arith.constant 8 : i32
      %dma_start3A_1446 = tpu.memref_slice %arg2[%dma_start3A_1445, %multiple_of3A_1431] : memref<32x1000000xf32, #tpu.memory_space<hbm>> -> memref<8x128xf32, #tpu.memory_space<hbm>>
      %dma_start3A_1447 = arith.constant 8 : i32
      %dma_start3A_1448 = arith.constant 0 : i32
      %dma_start3A_1449 = tpu.memref_slice %arg15[%dma_start3A_1447, %dma_start3A_1448] : memref<32x128xf32, #tpu.memory_space<vmem>> -> memref<8x128xf32, #tpu.memory_space<vmem>>
      %dma_start3A_1450 = arith.constant 8 : i32
      %dma_start3A_1451 = tpu.memref_slice %arg2[%dma_start3A_1450, %multiple_of3A_1431] : memref<32x1000000xf32, #tpu.memory_space<hbm>> -> memref<8x128xf32, #tpu.memory_space<hbm>>
      tpu.enqueue_dma source(%dma_start3A_1451 : memref<8x128xf32, #tpu.memory_space<hbm>>) target(%dma_start3A_1449 : memref<8x128xf32, #tpu.memory_space<vmem>>) target_semaphore(%arg23 : memref<!tpu.dma_semaphore, #tpu.memory_space<semaphore_mem>>)
      %dma_start3A_1452 = arith.constant 16 : i32
      %dma_start3A_1453 = arith.constant 0 : i32
      %dma_start3A_1454 = tpu.memref_slice %arg15[%dma_start3A_1452, %dma_start3A_1453] : memref<32x128xf32, #tpu.memory_space<vmem>> -> memref<8x128xf32, #tpu.memory_space<vmem>>
      %dma_start3A_1455 = arith.constant 16 : i32
      %dma_start3A_1456 = tpu.memref_slice %arg2[%dma_start3A_1455, %multiple_of3A_1431] : memref<32x1000000xf32, #tpu.memory_space<hbm>> -> memref<8x128xf32, #tpu.memory_space<hbm>>
      %dma_start3A_1457 = arith.constant 16 : i32
      %dma_start3A_1458 = arith.constant 0 : i32
      %dma_start3A_1459 = tpu.memref_slice %arg15[%dma_start3A_1457, %dma_start3A_1458] : memref<32x128xf32, #tpu.memory_space<vmem>> -> memref<8x128xf32, #tpu.memory_space<vmem>>
      %dma_start3A_1460 = arith.constant 16 : i32
      %dma_start3A_1461 = tpu.memref_slice %arg2[%dma_start3A_1460, %multiple_of3A_1431] : memref<32x1000000xf32, #tpu.memory_space<hbm>> -> memref<8x128xf32, #tpu.memory_space<hbm>>
      tpu.enqueue_dma source(%dma_start3A_1461 : memref<8x128xf32, #tpu.memory_space<hbm>>) target(%dma_start3A_1459 : memref<8x128xf32, #tpu.memory_space<vmem>>) target_semaphore(%arg23 : memref<!tpu.dma_semaphore, #tpu.memory_space<semaphore_mem>>)
      %dma_start3A_1462 = arith.constant 24 : i32
      %dma_start3A_1463 = arith.constant 0 : i32
      %dma_start3A_1464 = tpu.memref_slice %arg15[%dma_start3A_1462, %dma_start3A_1463] : memref<32x128xf32, #tpu.memory_space<vmem>> -> memref<8x128xf32, #tpu.memory_space<vmem>>
      %dma_start3A_1465 = arith.constant 24 : i32
      %dma_start3A_1466 = tpu.memref_slice %arg2[%dma_start3A_1465, %multiple_of3A_1431] : memref<32x1000000xf32, #tpu.memory_space<hbm>> -> memref<8x128xf32, #tpu.memory_space<hbm>>
      %dma_start3A_1467 = arith.constant 24 : i32
      %dma_start3A_1468 = arith.constant 0 : i32
      %dma_start3A_1469 = tpu.memref_slice %arg15[%dma_start3A_1467, %dma_start3A_1468] : memref<32x128xf32, #tpu.memory_space<vmem>> -> memref<8x128xf32, #tpu.memory_space<vmem>>
      %dma_start3A_1470 = arith.constant 24 : i32
      %dma_start3A_1471 = tpu.memref_slice %arg2[%dma_start3A_1470, %multiple_of3A_1431] : memref<32x1000000xf32, #tpu.memory_space<hbm>> -> memref<8x128xf32, #tpu.memory_space<hbm>>
      tpu.enqueue_dma source(%dma_start3A_1471 : memref<8x128xf32, #tpu.memory_space<hbm>>) target(%dma_start3A_1469 : memref<8x128xf32, #tpu.memory_space<vmem>>) target_semaphore(%arg23 : memref<!tpu.dma_semaphore, #tpu.memory_space<semaphore_mem>>)
      %mul3A_1472 = arith.constant 8 : i32
      %mul3A_1473 = arith.muli %scan3A_564, %mul3A_1472 : i32
      %add3A_1474 = arith.constant 7 : i32
      %add3A_1475 = arith.addi %mul3A_1473, %add3A_1474 : i32
      %dma_wait3A_1476 = arith.constant 0 : i32
      %dma_wait3A_1477 = arith.constant 0 : i32
      %dma_wait3A_1478 = tpu.memref_slice %arg2[%dma_wait3A_1476, %dma_wait3A_1477] : memref<32x1000000xf32, #tpu.memory_space<hbm>> -> memref<32x128xf32, #tpu.memory_space<hbm>>
      %dma_wait3A_1479 = arith.constant 0 : i32
      %dma_wait3A_1480 = arith.constant 0 : i32
      %dma_wait3A_1481 = tpu.memref_slice %arg2[%dma_wait3A_1479, %dma_wait3A_1480] : memref<32x1000000xf32, #tpu.memory_space<hbm>> -> memref<32x128xf32, #tpu.memory_space<hbm>>
      tpu.wait_dma2 semaphore(%arg24 : memref<!tpu.dma_semaphore, #tpu.memory_space<semaphore_mem>>) src(%dma_wait3A_1481 : memref<32x128xf32, #tpu.memory_space<hbm>>) dst(%arg16 : memref<32x128xf32, #tpu.memory_space<vmem>>)
      %and3A_1482 = arith.constant -16 : i32
      %and3A_1483 = arith.andi %add3A_1475, %and3A_1482 : i32
      %get3A_1484 = arith.index_cast %and3A_1483 : i32 to index
      %get3A_1485 = tpu.vector_load %arg6[%get3A_1484] {strides = array<i32>} : memref<512xi32, #tpu.memory_space<vmem>>, vector<16xi32>,
      %sub3A_1486 = arith.subi %add3A_1475, %and3A_1483 : i32
      %eq3A_1487 = vector.broadcast %sub3A_1486 : i32 to vector<16xi32>
      %eq3A_1488 = arith.cmpi eq, %iota3A, %eq3A_1487 : vector<16xi32>
      %jit3A_1489 = arith.constant 0 : i32
      %broadcast_in_dim3A_1490 = vector.broadcast %jit3A_1489 : i32 to vector<16xi32>
      %select_n3A_1491 = arith.select %eq3A_1488, %get3A_1485, %broadcast_in_dim3A_1490 : vector<16xi1>, vector<16xi32>
      %reduce_max3A_1492 = arith.constant true
      %reduce_max3A_1493 = vector.broadcast %reduce_max3A_1492 : i1 to vector<16xi1>
      %reduce_max3A_1494 = arith.constant -2147483648 : i32
      %reduce_max3A_1495 = vector.broadcast %reduce_max3A_1494 : i32 to vector<16xi32>
      %reduce_max3A_1496 = arith.xori %select_n3A_1491, %reduce_max3A_1495 : vector<16xi32>
      %reduce_max3A_1497 = tpu.scan <max>, %reduce_max3A_1496 masked %reduce_max3A_1493 : vector<16xi32>, vector<16xi1> -> vector<16xi32>
      %reduce_max3A_1498 = arith.xori %reduce_max3A_1497, %reduce_max3A_1495 : vector<16xi32>
      %reduce_max3A_1499 = vector.extract %reduce_max3A_1498[15] : i32 from vector<16xi32>
      %and3A_1500 = arith.constant -128 : i32
      %and3A_1501 = arith.andi %reduce_max3A_1499, %and3A_1500 : i32
      %min3A_1502 = arith.constant 999808 : i32
      %min3A_1503 = arith.minsi %and3A_1501, %min3A_1502 : i32
      %sub3A_1504 = arith.subi %reduce_max3A_1499, %min3A_1503 : i32
      %min3A_1505 = arith.constant 127 : i32
      %min3A_1506 = arith.minsi %sub3A_1504, %min3A_1505 : i32
      %broadcast_in_dim3A_1507 = vector.broadcast %min3A_1506 : i32 to vector<16xi32>
      %gather3A_1508 = tpu.vector_load_idx %arg16[%iota3A, %broadcast_in_dim3A_1507] : memref<32x128xf32, #tpu.memory_space<vmem>>[vector<16xi32>, vector<16xi32>], vector<16xf32>,
      %add3A_1509 = arith.constant 16 : i32
      %add3A_1510 = vector.broadcast %add3A_1509 : i32 to vector<16xi32>
      %add3A_1511 = arith.addi %iota3A, %add3A_1510 : vector<16xi32>
      %gather3A_1512 = tpu.vector_load_idx %arg16[%add3A_1511, %broadcast_in_dim3A_1507] : memref<32x128xf32, #tpu.memory_space<vmem>>[vector<16xi32>, vector<16xi32>], vector<16xf32>,
      %sub3A_1513 = arith.constant 999936 : i32
      %sub3A_1514 = arith.subi %reduce_max3A_1499, %sub3A_1513 : i32
      %max3A_1515 = arith.constant 0 : i32
      %max3A_1516 = arith.maxsi %sub3A_1514, %max3A_1515 : i32
      %mul3A_1517 = arith.constant 32 : i32
      %mul3A_1518 = arith.muli %max3A_1516, %mul3A_1517 : i32
      %broadcast_in_dim3A_1519 = vector.broadcast %mul3A_1518 : i32 to vector<16xi32>
      %add3A_1520 = arith.addi %broadcast_in_dim3A_1519, %iota3A : vector<16xi32>
      %gather3A_1521 = tpu.vector_load_idx %arg8[%add3A_1520] : memref<2048xf32, #tpu.memory_space<vmem>>[vector<16xi32>], vector<16xf32>,
      %add3A_1522 = arith.constant 16 : i32
      %add3A_1523 = vector.broadcast %add3A_1522 : i32 to vector<16xi32>
      %add3A_1524 = arith.addi %add3A_1520, %add3A_1523 : vector<16xi32>
      %gather3A_1525 = tpu.vector_load_idx %arg8[%add3A_1524] : memref<2048xf32, #tpu.memory_space<vmem>>[vector<16xi32>], vector<16xf32>,
      %ge3A_1526 = arith.constant 999936 : i32
      %ge3A_1527 = arith.cmpi sge, %reduce_max3A_1499, %ge3A_1526 : i32
      %broadcast_in_dim3A_1528 = vector.broadcast %ge3A_1527 : i1 to vector<16xi1>
      %select_n3A_1529 = arith.select %broadcast_in_dim3A_1528, %gather3A_1521, %gather3A_1508 : vector<16xi1>, vector<16xf32>
      %select_n3A_1530 = arith.select %broadcast_in_dim3A_1528, %gather3A_1525, %gather3A_1512 : vector<16xi1>, vector<16xf32>
      %broadcast_in_dim3A_1531 = vector.broadcast %add3A_1475 : i32 to vector<16xi32>
      tpu.vector_store_idx %arg7[%iota3A, %broadcast_in_dim3A_1531], %select_n3A_1529 : memref<32x512xf32, #tpu.memory_space<vmem>>[vector<16xi32>, vector<16xi32>], vector<16xf32>,
      %add3A_1532 = arith.constant 16 : i32
      %add3A_1533 = vector.broadcast %add3A_1532 : i32 to vector<16xi32>
      %add3A_1534 = arith.addi %iota3A, %add3A_1533 : vector<16xi32>
      tpu.vector_store_idx %arg7[%add3A_1534, %broadcast_in_dim3A_1531], %select_n3A_1530 : memref<32x512xf32, #tpu.memory_space<vmem>>[vector<16xi32>, vector<16xi32>], vector<16xf32>,
      %add3A_1535 = arith.constant 8 : i32
      %add3A_1536 = arith.addi %add3A_1475, %add3A_1535 : i32
      %min3A_1537 = arith.constant 511 : i32
      %min3A_1538 = arith.minsi %add3A_1536, %min3A_1537 : i32
      %and3A_1539 = arith.constant -16 : i32
      %and3A_1540 = arith.andi %min3A_1538, %and3A_1539 : i32
      %get3A_1541 = arith.index_cast %and3A_1540 : i32 to index
      %get3A_1542 = tpu.vector_load %arg6[%get3A_1541] {strides = array<i32>} : memref<512xi32, #tpu.memory_space<vmem>>, vector<16xi32>,
      %sub3A_1543 = arith.subi %min3A_1538, %and3A_1540 : i32
      %eq3A_1544 = vector.broadcast %sub3A_1543 : i32 to vector<16xi32>
      %eq3A_1545 = arith.cmpi eq, %iota3A, %eq3A_1544 : vector<16xi32>
      %jit3A_1546 = arith.constant 0 : i32
      %broadcast_in_dim3A_1547 = vector.broadcast %jit3A_1546 : i32 to vector<16xi32>
      %select_n3A_1548 = arith.select %eq3A_1545, %get3A_1542, %broadcast_in_dim3A_1547 : vector<16xi1>, vector<16xi32>
      %reduce_max3A_1549 = arith.constant true
      %reduce_max3A_1550 = vector.broadcast %reduce_max3A_1549 : i1 to vector<16xi1>
      %reduce_max3A_1551 = arith.constant -2147483648 : i32
      %reduce_max3A_1552 = vector.broadcast %reduce_max3A_1551 : i32 to vector<16xi32>
      %reduce_max3A_1553 = arith.xori %select_n3A_1548, %reduce_max3A_1552 : vector<16xi32>
      %reduce_max3A_1554 = tpu.scan <max>, %reduce_max3A_1553 masked %reduce_max3A_1550 : vector<16xi32>, vector<16xi1> -> vector<16xi32>
      %reduce_max3A_1555 = arith.xori %reduce_max3A_1554, %reduce_max3A_1552 : vector<16xi32>
      %reduce_max3A_1556 = vector.extract %reduce_max3A_1555[15] : i32 from vector<16xi32>
      %and3A_1557 = arith.constant -128 : i32
      %and3A_1558 = arith.andi %reduce_max3A_1556, %and3A_1557 : i32
      %min3A_1559 = arith.constant 999808 : i32
      %min3A_1560 = arith.minsi %and3A_1558, %min3A_1559 : i32
      %multiple_of3A_1561 = tpu.assume_multiple %min3A_1560, 128 : i32
      %dma_start3A_1562 = arith.constant 0 : i32
      %dma_start3A_1563 = arith.constant 0 : i32
      %dma_start3A_1564 = tpu.memref_slice %arg16[%dma_start3A_1562, %dma_start3A_1563] : memref<32x128xf32, #tpu.memory_space<vmem>> -> memref<8x128xf32, #tpu.memory_space<vmem>>
      %dma_start3A_1565 = arith.constant 0 : i32
      %dma_start3A_1566 = tpu.memref_slice %arg2[%dma_start3A_1565, %multiple_of3A_1561] : memref<32x1000000xf32, #tpu.memory_space<hbm>> -> memref<8x128xf32, #tpu.memory_space<hbm>>
      %dma_start3A_1567 = arith.constant 0 : i32
      %dma_start3A_1568 = arith.constant 0 : i32
      %dma_start3A_1569 = tpu.memref_slice %arg16[%dma_start3A_1567, %dma_start3A_1568] : memref<32x128xf32, #tpu.memory_space<vmem>> -> memref<8x128xf32, #tpu.memory_space<vmem>>
      %dma_start3A_1570 = arith.constant 0 : i32
      %dma_start3A_1571 = tpu.memref_slice %arg2[%dma_start3A_1570, %multiple_of3A_1561] : memref<32x1000000xf32, #tpu.memory_space<hbm>> -> memref<8x128xf32, #tpu.memory_space<hbm>>
      tpu.enqueue_dma source(%dma_start3A_1571 : memref<8x128xf32, #tpu.memory_space<hbm>>) target(%dma_start3A_1569 : memref<8x128xf32, #tpu.memory_space<vmem>>) target_semaphore(%arg24 : memref<!tpu.dma_semaphore, #tpu.memory_space<semaphore_mem>>)
      %dma_start3A_1572 = arith.constant 8 : i32
      %dma_start3A_1573 = arith.constant 0 : i32
      %dma_start3A_1574 = tpu.memref_slice %arg16[%dma_start3A_1572, %dma_start3A_1573] : memref<32x128xf32, #tpu.memory_space<vmem>> -> memref<8x128xf32, #tpu.memory_space<vmem>>
      %dma_start3A_1575 = arith.constant 8 : i32
      %dma_start3A_1576 = tpu.memref_slice %arg2[%dma_start3A_1575, %multiple_of3A_1561] : memref<32x1000000xf32, #tpu.memory_space<hbm>> -> memref<8x128xf32, #tpu.memory_space<hbm>>
      %dma_start3A_1577 = arith.constant 8 : i32
      %dma_start3A_1578 = arith.constant 0 : i32
      %dma_start3A_1579 = tpu.memref_slice %arg16[%dma_start3A_1577, %dma_start3A_1578] : memref<32x128xf32, #tpu.memory_space<vmem>> -> memref<8x128xf32, #tpu.memory_space<vmem>>
      %dma_start3A_1580 = arith.constant 8 : i32
      %dma_start3A_1581 = tpu.memref_slice %arg2[%dma_start3A_1580, %multiple_of3A_1561] : memref<32x1000000xf32, #tpu.memory_space<hbm>> -> memref<8x128xf32, #tpu.memory_space<hbm>>
      tpu.enqueue_dma source(%dma_start3A_1581 : memref<8x128xf32, #tpu.memory_space<hbm>>) target(%dma_start3A_1579 : memref<8x128xf32, #tpu.memory_space<vmem>>) target_semaphore(%arg24 : memref<!tpu.dma_semaphore, #tpu.memory_space<semaphore_mem>>)
      %dma_start3A_1582 = arith.constant 16 : i32
      %dma_start3A_1583 = arith.constant 0 : i32
      %dma_start3A_1584 = tpu.memref_slice %arg16[%dma_start3A_1582, %dma_start3A_1583] : memref<32x128xf32, #tpu.memory_space<vmem>> -> memref<8x128xf32, #tpu.memory_space<vmem>>
      %dma_start3A_1585 = arith.constant 16 : i32
      %dma_start3A_1586 = tpu.memref_slice %arg2[%dma_start3A_1585, %multiple_of3A_1561] : memref<32x1000000xf32, #tpu.memory_space<hbm>> -> memref<8x128xf32, #tpu.memory_space<hbm>>
      %dma_start3A_1587 = arith.constant 16 : i32
      %dma_start3A_1588 = arith.constant 0 : i32
      %dma_start3A_1589 = tpu.memref_slice %arg16[%dma_start3A_1587, %dma_start3A_1588] : memref<32x128xf32, #tpu.memory_space<vmem>> -> memref<8x128xf32, #tpu.memory_space<vmem>>
      %dma_start3A_1590 = arith.constant 16 : i32
      %dma_start3A_1591 = tpu.memref_slice %arg2[%dma_start3A_1590, %multiple_of3A_1561] : memref<32x1000000xf32, #tpu.memory_space<hbm>> -> memref<8x128xf32, #tpu.memory_space<hbm>>
      tpu.enqueue_dma source(%dma_start3A_1591 : memref<8x128xf32, #tpu.memory_space<hbm>>) target(%dma_start3A_1589 : memref<8x128xf32, #tpu.memory_space<vmem>>) target_semaphore(%arg24 : memref<!tpu.dma_semaphore, #tpu.memory_space<semaphore_mem>>)
      %dma_start3A_1592 = arith.constant 24 : i32
      %dma_start3A_1593 = arith.constant 0 : i32
      %dma_start3A_1594 = tpu.memref_slice %arg16[%dma_start3A_1592, %dma_start3A_1593] : memref<32x128xf32, #tpu.memory_space<vmem>> -> memref<8x128xf32, #tpu.memory_space<vmem>>
      %dma_start3A_1595 = arith.constant 24 : i32
      %dma_start3A_1596 = tpu.memref_slice %arg2[%dma_start3A_1595, %multiple_of3A_1561] : memref<32x1000000xf32, #tpu.memory_space<hbm>> -> memref<8x128xf32, #tpu.memory_space<hbm>>
      %dma_start3A_1597 = arith.constant 24 : i32
      %dma_start3A_1598 = arith.constant 0 : i32
      %dma_start3A_1599 = tpu.memref_slice %arg16[%dma_start3A_1597, %dma_start3A_1598] : memref<32x128xf32, #tpu.memory_space<vmem>> -> memref<8x128xf32, #tpu.memory_space<vmem>>
      %dma_start3A_1600 = arith.constant 24 : i32
      %dma_start3A_1601 = tpu.memref_slice %arg2[%dma_start3A_1600, %multiple_of3A_1561] : memref<32x1000000xf32, #tpu.memory_space<hbm>> -> memref<8x128xf32, #tpu.memory_space<hbm>>
      tpu.enqueue_dma source(%dma_start3A_1601 : memref<8x128xf32, #tpu.memory_space<hbm>>) target(%dma_start3A_1599 : memref<8x128xf32, #tpu.memory_space<vmem>>) target_semaphore(%arg24 : memref<!tpu.dma_semaphore, #tpu.memory_space<semaphore_mem>>)
    }
    %scan3A_516 = arith.constant 64 : i32
    %dma_wait3A = arith.constant 0 : i32
    %dma_wait3A_517 = arith.constant 0 : i32
    %dma_wait3A_518 = tpu.memref_slice %arg2[%dma_wait3A, %dma_wait3A_517] : memref<32x1000000xf32, #tpu.memory_space<hbm>> -> memref<32x128xf32, #tpu.memory_space<hbm>>
    %dma_wait3A_519 = arith.constant 0 : i32
    %dma_wait3A_520 = arith.constant 0 : i32
    %dma_wait3A_521 = tpu.memref_slice %arg2[%dma_wait3A_519, %dma_wait3A_520] : memref<32x1000000xf32, #tpu.memory_space<hbm>> -> memref<32x128xf32, #tpu.memory_space<hbm>>
    tpu.wait_dma2 semaphore(%arg17 : memref<!tpu.dma_semaphore, #tpu.memory_space<semaphore_mem>>) src(%dma_wait3A_521 : memref<32x128xf32, #tpu.memory_space<hbm>>) dst(%arg9 : memref<32x128xf32, #tpu.memory_space<vmem>>)
    %dma_wait3A_522 = arith.constant 0 : i32
    %dma_wait3A_523 = arith.constant 0 : i32
    %dma_wait3A_524 = tpu.memref_slice %arg2[%dma_wait3A_522, %dma_wait3A_523] : memref<32x1000000xf32, #tpu.memory_space<hbm>> -> memref<32x128xf32, #tpu.memory_space<hbm>>
    %dma_wait3A_525 = arith.constant 0 : i32
    %dma_wait3A_526 = arith.constant 0 : i32
    %dma_wait3A_527 = tpu.memref_slice %arg2[%dma_wait3A_525, %dma_wait3A_526] : memref<32x1000000xf32, #tpu.memory_space<hbm>> -> memref<32x128xf32, #tpu.memory_space<hbm>>
    tpu.wait_dma2 semaphore(%arg18 : memref<!tpu.dma_semaphore, #tpu.memory_space<semaphore_mem>>) src(%dma_wait3A_527 : memref<32x128xf32, #tpu.memory_space<hbm>>) dst(%arg10 : memref<32x128xf32, #tpu.memory_space<vmem>>)
    %dma_wait3A_528 = arith.constant 0 : i32
    %dma_wait3A_529 = arith.constant 0 : i32
    %dma_wait3A_530 = tpu.memref_slice %arg2[%dma_wait3A_528, %dma_wait3A_529] : memref<32x1000000xf32, #tpu.memory_space<hbm>> -> memref<32x128xf32, #tpu.memory_space<hbm>>
    %dma_wait3A_531 = arith.constant 0 : i32
    %dma_wait3A_532 = arith.constant 0 : i32
    %dma_wait3A_533 = tpu.memref_slice %arg2[%dma_wait3A_531, %dma_wait3A_532] : memref<32x1000000xf32, #tpu.memory_space<hbm>> -> memref<32x128xf32, #tpu.memory_space<hbm>>
    tpu.wait_dma2 semaphore(%arg19 : memref<!tpu.dma_semaphore, #tpu.memory_space<semaphore_mem>>) src(%dma_wait3A_533 : memref<32x128xf32, #tpu.memory_space<hbm>>) dst(%arg11 : memref<32x128xf32, #tpu.memory_space<vmem>>)
    %dma_wait3A_534 = arith.constant 0 : i32
    %dma_wait3A_535 = arith.constant 0 : i32
    %dma_wait3A_536 = tpu.memref_slice %arg2[%dma_wait3A_534, %dma_wait3A_535] : memref<32x1000000xf32, #tpu.memory_space<hbm>> -> memref<32x128xf32, #tpu.memory_space<hbm>>
    %dma_wait3A_537 = arith.constant 0 : i32
    %dma_wait3A_538 = arith.constant 0 : i32
    %dma_wait3A_539 = tpu.memref_slice %arg2[%dma_wait3A_537, %dma_wait3A_538] : memref<32x1000000xf32, #tpu.memory_space<hbm>> -> memref<32x128xf32, #tpu.memory_space<hbm>>
    tpu.wait_dma2 semaphore(%arg20 : memref<!tpu.dma_semaphore, #tpu.memory_space<semaphore_mem>>) src(%dma_wait3A_539 : memref<32x128xf32, #tpu.memory_space<hbm>>) dst(%arg12 : memref<32x128xf32, #tpu.memory_space<vmem>>)
    %dma_wait3A_540 = arith.constant 0 : i32
    %dma_wait3A_541 = arith.constant 0 : i32
    %dma_wait3A_542 = tpu.memref_slice %arg2[%dma_wait3A_540, %dma_wait3A_541] : memref<32x1000000xf32, #tpu.memory_space<hbm>> -> memref<32x128xf32, #tpu.memory_space<hbm>>
    %dma_wait3A_543 = arith.constant 0 : i32
    %dma_wait3A_544 = arith.constant 0 : i32
    %dma_wait3A_545 = tpu.memref_slice %arg2[%dma_wait3A_543, %dma_wait3A_544] : memref<32x1000000xf32, #tpu.memory_space<hbm>> -> memref<32x128xf32, #tpu.memory_space<hbm>>
    tpu.wait_dma2 semaphore(%arg21 : memref<!tpu.dma_semaphore, #tpu.memory_space<semaphore_mem>>) src(%dma_wait3A_545 : memref<32x128xf32, #tpu.memory_space<hbm>>) dst(%arg13 : memref<32x128xf32, #tpu.memory_space<vmem>>)
    %dma_wait3A_546 = arith.constant 0 : i32
    %dma_wait3A_547 = arith.constant 0 : i32
    %dma_wait3A_548 = tpu.memref_slice %arg2[%dma_wait3A_546, %dma_wait3A_547] : memref<32x1000000xf32, #tpu.memory_space<hbm>> -> memref<32x128xf32, #tpu.memory_space<hbm>>
    %dma_wait3A_549 = arith.constant 0 : i32
    %dma_wait3A_550 = arith.constant 0 : i32
    %dma_wait3A_551 = tpu.memref_slice %arg2[%dma_wait3A_549, %dma_wait3A_550] : memref<32x1000000xf32, #tpu.memory_space<hbm>> -> memref<32x128xf32, #tpu.memory_space<hbm>>
    tpu.wait_dma2 semaphore(%arg22 : memref<!tpu.dma_semaphore, #tpu.memory_space<semaphore_mem>>) src(%dma_wait3A_551 : memref<32x128xf32, #tpu.memory_space<hbm>>) dst(%arg14 : memref<32x128xf32, #tpu.memory_space<vmem>>)
    %dma_wait3A_552 = arith.constant 0 : i32
    %dma_wait3A_553 = arith.constant 0 : i32
    %dma_wait3A_554 = tpu.memref_slice %arg2[%dma_wait3A_552, %dma_wait3A_553] : memref<32x1000000xf32, #tpu.memory_space<hbm>> -> memref<32x128xf32, #tpu.memory_space<hbm>>
    %dma_wait3A_555 = arith.constant 0 : i32
    %dma_wait3A_556 = arith.constant 0 : i32
    %dma_wait3A_557 = tpu.memref_slice %arg2[%dma_wait3A_555, %dma_wait3A_556] : memref<32x1000000xf32, #tpu.memory_space<hbm>> -> memref<32x128xf32, #tpu.memory_space<hbm>>
    tpu.wait_dma2 semaphore(%arg23 : memref<!tpu.dma_semaphore, #tpu.memory_space<semaphore_mem>>) src(%dma_wait3A_557 : memref<32x128xf32, #tpu.memory_space<hbm>>) dst(%arg15 : memref<32x128xf32, #tpu.memory_space<vmem>>)
    %dma_wait3A_558 = arith.constant 0 : i32
    %dma_wait3A_559 = arith.constant 0 : i32
    %dma_wait3A_560 = tpu.memref_slice %arg2[%dma_wait3A_558, %dma_wait3A_559] : memref<32x1000000xf32, #tpu.memory_space<hbm>> -> memref<32x128xf32, #tpu.memory_space<hbm>>
    %dma_wait3A_561 = arith.constant 0 : i32
    %dma_wait3A_562 = arith.constant 0 : i32
    %dma_wait3A_563 = tpu.memref_slice %arg2[%dma_wait3A_561, %dma_wait3A_562] : memref<32x1000000xf32, #tpu.memory_space<hbm>> -> memref<32x128xf32, #tpu.memory_space<hbm>>
    tpu.wait_dma2 semaphore(%arg24 : memref<!tpu.dma_semaphore, #tpu.memory_space<semaphore_mem>>) src(%dma_wait3A_563 : memref<32x128xf32, #tpu.memory_space<hbm>>) dst(%arg16 : memref<32x128xf32, #tpu.memory_space<vmem>>)
    "tpu.region"() ({
      %run_scoped3A = tpu.sem_alloc : memref<!tpu.dma_semaphore, #tpu.memory_space<semaphore_mem>>
      %dma_start3A_564 = arith.constant 0 : i32
      %dma_start3A_565 = tpu.memref_slice %arg5[%dma_start3A_564, %mul3A_2] : memref<32x16384xf32, #tpu.memory_space<hbm>> -> memref<32x512xf32, #tpu.memory_space<hbm>>
      %dma_start3A_566 = arith.constant 0 : i32
      %dma_start3A_567 = tpu.memref_slice %arg5[%dma_start3A_566, %mul3A_2] : memref<32x16384xf32, #tpu.memory_space<hbm>> -> memref<32x512xf32, #tpu.memory_space<hbm>>
      tpu.enqueue_dma source(%arg7 : memref<32x512xf32, #tpu.memory_space<vmem>>) target(%dma_start3A_567 : memref<32x512xf32, #tpu.memory_space<hbm>>) target_semaphore(%run_scoped3A : memref<!tpu.dma_semaphore, #tpu.memory_space<semaphore_mem>>)
      %dma_wait3A_568 = arith.constant 0 : i32
      %dma_wait3A_569 = tpu.memref_slice %arg5[%dma_wait3A_568, %mul3A_2] : memref<32x16384xf32, #tpu.memory_space<hbm>> -> memref<32x512xf32, #tpu.memory_space<hbm>>
      %dma_wait3A_570 = arith.constant 0 : i32
      %dma_wait3A_571 = tpu.memref_slice %arg5[%dma_wait3A_570, %mul3A_2] : memref<32x16384xf32, #tpu.memory_space<hbm>> -> memref<32x512xf32, #tpu.memory_space<hbm>>
      tpu.wait_dma2 semaphore(%run_scoped3A : memref<!tpu.dma_semaphore, #tpu.memory_space<semaphore_mem>>) src(%arg7 : memref<32x512xf32, #tpu.memory_space<vmem>>) dst(%dma_wait3A_571 : memref<32x512xf32, #tpu.memory_space<hbm>>)
      tpu.yield
    }) : () -> ()
    return
  }
}

</mosaic_0001>

<sc_bundles>
// kernel: kernel.3.cloned.1.call-start
scs
__scs_entry_jumppad:
0x0: {  	(pc) =	sbr.rel $0x88, $3  }
0x1: {  	(tag) =	ssettag $0x0;
	lr =	simm.s32 $0x1  }
0x2: {  	[smem:$0x3F9F] =	sst lr;
	_ =	strace $0xD0000000  }
0x3: {  	_ = 	snop  }
0x4: {  	_ = 	snop  }
0x5: {  	_ = 	snop  }
0x6: {  	_ = 	snop  }
0x7: {  	_ = 	snop  }
__scs_overlays_trampoline_lowered:
0x8: {  	[smem:$0x3FAE] =	sst s0  }
0x9: {  	[smem:$0x3FAF] =	sst s1  }
0xa: {  	[smem:$0x3FB0] =	sst s2  }
0xb: {  	[smem:$0x3FB1] =	sst s3  }
0xc: {  	[smem:$0x3FB2] =	sst s4  }
0xd: {  	[smem:$0x3FB3] =	sst s5  }
0xe: {  	[smem:$0x3FB4] =	sst s6  }
0xf: {  	[smem:$0x3FB5] =	sst s7  }
0x10: {  	[smem:$0x3FB6] =	sst s8  }
0x11: {  	[smem:$0x3FB7] =	sst s9;
	s0 =	simm.s32 @!p0 $0x0  }
0x12: {  	s1 =	sld [smem:$0x3F9D];
	s0 =	simm.s32 @p0 $0x1  }
0x13: {  	[smem:$0x3FB8] =	sst s0;
	s0 =	simm.s32 @!p1 $0x0  }
0x14: {  	s2 =	sld [smem:$0x3F9C];
	s0 =	simm.s32 @p1 $0x1  }
0x15: {  	[smem:$0x3FB9] =	sst s0;
	s0 =	simm.s32 @!p2 $0x0  }
0x16: {  	s3 =	sld [smem:$0x3FDB];
	s0 =	simm.s32 @p2 $0x1  }
0x17: {  	s4 =	simm.s32 $0x1BF5;
	[smem:$0x3FBB] =	sst s0  }
0x18: {  	s0 =	sld [smem:$0x3F9E];
	_ =	swait.ge [sflag:s4], $0x0  }
0x19: {  	s7 =	sld [smem:$0x3F9F]  }
0x1a: {  	s8 =	sadd.s32 $0xFFFFE003, lr  }
0x1b: {  	s9 =	sadd.s32 $0xFFFFFEF7, lr;
	s5 =	simm.s32 $0xFFFFFFFF;
	p2 =	slt.u32 s8, $0xFFFFF086  }
0x1c: {  	p1 =	slt.u32 s9, $0xF7A;
	s5 =	simm.s32 @!p2 $0x0  }
0x1d: {  	s5 =	simm.s32 @p1 $0x1;
	p0 =	seq.s32 s7, s2  }
0x1e: {  	s7 =	smul.u32 @!p0 $0xF7A, s2;
	p2 =	seq.s32 @!p0 s5, $0x0  }
0x1f: {  	s9 =	smul.u32 $0xF7A, s1;
	s8 =	simm.s32 @!p0 $0x1BF5;
	p2 =	por !p2, p0  }
0x20: {  	[sflag:s8] =	ssyncset.s32 @!p0 $0xFFFFF086;
	s6 =	sadd.s32 @!p0 s3, s7;
	s7 =	simm.s32 @!p0 $0x108  }
0x21: {  	s3 =	sadd.s32 s3, s9;
	s6 =	sadd.s32 @!p0 $0x88, s6;
	s7 =	simm.s32 @p2 $0x1082  }
0x22: {  	[simem:s7], [sflag:s8] =	dma.local @!p0 [hbm:s6], $0xF7A  }
0x23: {  	s9 =	sor.u32 $0xD0000000, s2;
	s6 =	simm.s32 $0x108;
	_ =	swait.ge @!p0 [sflag:s8], $0x0  }
0x24: {  	s3 =	sadd.s32 $0x88, s3;
	s6 =	simm.s32 @!p1 $0x1082;
	[sflag:s4] =	ssyncset.s32 $0xFFFFF086  }
0x25: {  	[simem:s6], [sflag:s4] =	dma.local [hbm:s3], $0xF7A  }
0x26: {  	[smem:$0x3F9F] =	sst s1;
	(tag) =	ssettag s2;
	_ =	strace s9  }
0x27: {  	s1 =	sld [smem:$0x3FAF]  }
0x28: {  	s2 =	sld [smem:$0x3FB0]  }
0x29: {  	s4 =	sld [smem:$0x3FB2]  }
0x2a: {  	p0 =	seq.s32 s5, $0x0;
	s5 =	sld [smem:$0x3FB3]  }
0x2b: {  	s6 =	sld [smem:$0x3FB4]  }
0x2c: {  	s7 =	sld [smem:$0x3FB5]  }
0x2d: {  	s3 =	simm.s32 $0x108;
	s8 =	sld [smem:$0x3FB6]  }
0x2e: {  	s3 =	simm.s32 @!p0 $0x1082;
	s9 =	sld [smem:$0x3FB7]  }
0x2f: {  	lr =	sadd.s32 s0, s3;
	s0 =	sld [smem:$0x3FAE]  }
0x30: {  	s3 =	sld [smem:$0x3FB1]  }
0x31: {  	[smem:$0x3FBA] =	sst s10  }
0x32: {  	s10 =	sld [smem:$0x3FB8];
	_ =	sdelay $0x3  }
0x33: {  	p0 =	seq.s32 s10, $0x1;
	s10 =	sld [smem:$0x3FBA];
	_ =	sdelay $0x3  }
0x34: {  	[smem:$0x3FBA] =	sst s10  }
0x35: {  	s10 =	sld [smem:$0x3FB9];
	_ =	sdelay $0x3  }
0x36: {  	p1 =	seq.s32 s10, $0x1;
	s10 =	sld [smem:$0x3FBA];
	_ =	sdelay $0x3  }
0x37: {  	[smem:$0x3FBA] =	sst s10  }
0x38: {  	s10 =	sld [smem:$0x3FBB]  }
0x39: {  	_ = 	snop;
	(pc) =	sbr.ind lr, $3  }
0x3a: {  	_ = 	snop  }
0x3b: {  	_ = 	snop  }
0x3c: {  	p2 =	seq.s32 s10, $0x1;
	s10 =	sld [smem:$0x3FBA]  }
0x3d: {  	_ =	shalt  }
0x3e: {  	_ =	shalt  }
0x3f: {  	_ =	shalt  }
0x40: {  	_ =	shalt  }
0x41: {  	_ =	shalt  }
0x42: {  	_ =	shalt  }
0x43: {  	_ =	shalt  }
0x44: {  	_ =	shalt  }
0x45: {  	_ =	shalt  }
0x46: {  	_ =	shalt  }
0x47: {  	_ =	shalt  }
0x48: {  	_ =	shalt  }
0x49: {  	_ =	shalt  }
0x4a: {  	_ =	shalt  }
0x4b: {  	_ =	shalt  }
0x4c: {  	_ =	shalt  }
0x4d: {  	_ =	shalt  }
0x4e: {  	_ =	shalt  }
0x4f: {  	_ =	shalt  }
0x50: {  	_ =	shalt  }
0x51: {  	_ =	shalt  }
0x52: {  	_ =	shalt  }
0x53: {  	_ =	shalt  }
0x54: {  	_ =	shalt  }
0x55: {  	_ =	shalt  }
0x56: {  	_ =	shalt  }
0x57: {  	_ =	shalt  }
0x58: {  	_ =	shalt  }
0x59: {  	_ =	shalt  }
0x5a: {  	_ =	shalt  }
0x5b: {  	_ =	shalt  }
0x5c: {  	_ =	shalt  }
0x5d: {  	_ =	shalt  }
0x5e: {  	_ =	shalt  }
0x5f: {  	_ =	shalt  }
0x60: {  	_ =	shalt  }
0x61: {  	_ =	shalt  }
0x62: {  	_ =	shalt  }
0x63: {  	_ =	shalt  }
0x64: {  	_ =	shalt  }
0x65: {  	_ =	shalt  }
0x66: {  	_ =	shalt  }
0x67: {  	_ =	shalt  }
0x68: {  	_ =	shalt  }
0x69: {  	_ =	shalt  }
0x6a: {  	_ =	shalt  }
0x6b: {  	_ =	shalt  }
0x6c: {  	_ =	shalt  }
0x6d: {  	_ =	shalt  }
0x6e: {  	_ =	shalt  }
0x6f: {  	_ =	shalt  }
0x70: {  	_ =	shalt  }
0x71: {  	_ =	shalt  }
0x72: {  	_ =	shalt  }
0x73: {  	_ =	shalt  }
0x74: {  	_ =	shalt  }
0x75: {  	_ =	shalt  }
0x76: {  	_ =	shalt  }
0x77: {  	_ =	shalt  }
0x78: {  	_ =	shalt  }
0x79: {  	_ =	shalt  }
0x7a: {  	_ =	shalt  }
0x7b: {  	_ =	shalt  }
0x7c: {  	_ =	shalt  }
0x7d: {  	_ =	shalt  }
0x7e: {  	_ =	shalt  }
0x7f: {  	_ =	shalt  }
0x80: {  	_ =	shalt  }
0x81: {  	_ =	shalt  }
0x82: {  	_ =	shalt  }
0x83: {  	_ =	shalt  }
0x84: {  	_ =	shalt  }
0x85: {  	_ =	shalt  }
0x86: {  	_ =	shalt  }
0x87: {  	_ =	shalt  }
.Lfunc_end0:
.L_simem_size_0:
called_computation_lowered:
.L_overlay_start_0:
0x88: {  	s2 =	sld [smem:$0x3FD9]  }
0x89: {  	s3 =	sld [smem:$0x3FFE];
	_ =	sdelay $0x1  }
0x8a: {  	s1 =	srdreg.scid  }
0x8b: {  	s0 =	sand.u32 $0x1, s1  }
0x8c: {  	s17 =	sshll.u32 s0, $0xA;
	s2 =	sadd.s32 s3, s2  }
0x8d: {  	s2 =	sadd.s32 s2, s17  }
0x8e: {  	[smem:$0x3FC6] =	sst s2  }
0x8f: {  	_ = 	snop  }
0x90: {  	s2 =	sld [smem:$0x3FC9]  }
0x91: {  	s18 =	sld [smem:$0x3FC8]  }
0x92: {  	s4 =	sld [smem:$0x3FD0];
	(tm) =	ssettm $0x1  }
0x93: {  	s5 =	sld [smem:$0x3FFB];
	_ =	sdelay $0x3  }
0x94: {  	_ =	strace s5  }
0x95: {  	s5 =	sld [smem:$0x3FFC];
	_ =	sdelay $0x3  }
0x96: {  	_ =	strace s5  }
0x97: {  	s5 =	sld [smem:$0x3FFD];
	_ =	sdelay $0x3  }
0x98: {  	_ =	strace s5  }
0x99: {  	_ =	strace $0x8FFFFFFF  }
0x9a: {  	s19 =	sld [smem:$0x3FDB];
	_ =	sdelay $0x1  }
0x9b: {  	s6 =	simm.s32 $_scs_section_size  }
0x9c: {  	s7 =	simm.s32 $_size__tile_overlayer_lowered;
	s8 =	simm.s32 $_tile_overlayer_lowered  }
0x9d: {  	s22 =	simm.s32 $0x1BFF;
	s21 =	sshll.u32 s8, $0x1;
	s5 =	sadd.s32 s6, s19  }
0x9e: {  	s9 =	simm.s32 $0x0;
	s20 =	sshll.u32 s7, $0x1;
	s7 =	sadd.s32 s21, s5  }
0x9f: {  	[timem:s9], [sflag:s22] =	dma.local [hbm:s7], s20  }
0xa0: {  	_ =	swait.ge [sflag:s22], s20  }
0xa1: {  	s6 =	ssub.s32 $0x0, s20;
	[sflag:s22] =	ssyncset.done $0x0  }
0xa2: {  	[sflag:s22] =	ssyncadd.s32 s6;
	_ =	sdelay $0x1  }
0xa3: {  	s23 =	simm.s32 $0x1B8B  }
0xa4: {  	_ =	swait.ge [sflag:s23], $0x1  }
0xa5: {  	[sflag:s23] =	ssyncset.done $0x0  }
0xa6: {  	s25 =	simm.s32 $0x1B8E;
	s24 =	sld [smem:$0x3FFE];
	[sflag:s23] =	ssyncadd.s32 $0xFFFFFFFF  }
0xa7: {  	s26 =	simm.s32 $execute0_lowered;
	[smem:$0x3FD2] =	sst s25  }
0xa8: {  	s7 =	sshll.u32 s26, $0x1;
	_ =	strace $0x80000046;
	[dreg:$0x1] =	wrdreg $0xFFFFFFFF  }
0xa9: {  	s28 =	simm.s32 $_size_execute0_lowered;
	s5 =	sadd.s32 s5, s7;
	[dreg:$0x0] =	wrdreg $0x0  }
0xaa: {  	s7 =	sshll.u32 s28, $0x1;
	[dreg:$0x2] =	wrdreg s5  }
0xab: {  	[dreg:$0x3] =	wrdreg s7  }
0xac: {  	[dreg:$0x4] =	wrdreg $0xC0  }
0xad: {  	_ =	task [dreg:s9], $0x5FFFF  }
0xae: {  	[dreg:$0x1] =	wrdreg $0xFFFFFFFF  }
0xaf: {  	[dreg:$0x0] =	wrdreg $0x60  }
0xb0: {  	[dreg:$0x2] =	wrdreg s18  }
0xb1: {  	[dreg:$0x3] =	wrdreg s2  }
0xb2: {  	[dreg:$0x4] =	wrdreg s24  }
0xb3: {  	[dreg:$0x5] =	wrdreg s4  }
0xb4: {  	[dreg:$0x6] =	wrdreg $0x9  }
0xb5: {  	_ =	task.clear_ibuf [dreg:s9], $0x7FFFF;
	_ =	strace $0x90000046  }
0xb6: {  	s29 =	simm.s32 $0x9;
	_ =	strace $0x80000048  }
0xb7: {  	_ =	swait.ge [sflag:s29], $0x1  }
0xb8: {  	[sflag:s29] =	ssyncadd.s32 $0xFFFFFFFF  }
0xb9: {  	_ =	strace $0x90000048  }
0xba: {  	_ =	sfence  }
0xbb: {  	s30 =	sld [smem:$0x0];
	_ =	sdelay $0x2  }
0xbc: {  	s31 =	sshll.u32 s1, $0xD;
	s1 =	sshrl.u32 s1, $0x2  }
0xbd: {  	s3 =	sand.u32 $0x4000, s31;
	s1 =	sadd.s32 s1, s30  }
0xbe: {  	s0 =	sor.u32 s3, s0;
	s1 =	sshll.u32 s1, $0x11  }
0xbf: {  	s0 =	sor.u32 s1, s0  }
0xc0: {  	s0 =	sadd.s32 $0x8F2B, s0  }
0xc1: {  	[sflag:s0] =	ssyncadd.remote.s32 $0x1  }
0xc2: {  	_ =	sfence.sel $0xFFFF  }
0xc3: {  	[dreg:$0x0] =	wrdreg $0xFFFFFFFF;
	(pc) =	sbr.abs _section_cstart, $3  }
0xc4: {  	[dreg:$0x1] =	wrdreg $0xFFFFFFFF  }
0xc5: {  	_ =	task.clear_ibuf [dreg:s9], $0x2FFFF;
	_ =	strace $0x9FFFFFFF  }
0xc6: {  	(tm) =	ssettm $0x7FFFFFFF  }
0xc7: {  	_ =	shalt  }
tec
execute0_lowered:
.L_overlay_start_1:
0x0: {  	(tag) =	ssettag $0x1  }
0x1: {  	s1 =	rddreg [dreg:$0x0]  }
0x2: {  	s0 =	rddreg [dreg:$0x1];
	vm0 =	vmmov $0x1;
	vm1 =	vcmask $0x308  }
0x3: {  	s2 =	rddreg [dreg:$0x2];
	vm2 =	vcmask $0x70C;
	vm3 =	vcmask $0xB10;
	v0 =	vlaneseq.u32  }
0x4: {  	s4 =	rddreg [dreg:$0x3];
	vm4 =	vcmask $0xF14;
	vm5 =	vcmask $0x1318;
	v2 =	vimm.s32 $0x1380  }
0x5: {  	s3 =	simm.s32 $0x0;
	s5 =	srdreg.scid;
	s7 =	stileid.u32;
	vm6 =	vcmask $0x300;
	v3 =	vimm.s32 $0x3380;
	vm7 =	vcmask $0x704  }
0x6: {  	s10 =	simm.s32 $0x9;
	s12 =	simm.s32 $0x4200;
	s13 =	simm.s32 $0x4A00;
	vm8 =	vcmask $0x3B38;
	v1 =	vmul.u32 $0x80, v0;
	v2 =	vsel vm6, $0x0, v2  }
0x7: {  	s19 =	simm.s32 $0x4E00;
	s14 =	simm.s32 $0x5200;
	s15 =	simm.s32 $0x5600;
	v3 =	vsel vm6, $0x2000, v3;
	vm6 =	vcmask $0xB08;
	v5 =	vor.u32 $0x10, v0  }
0x8: {  	s17 =	simm.s32 $0x5A00;
	s16 =	simm.s32 $0x5E00;
	s20 =	simm.s32 $0x6200;
	v2 =	vsel vm7, $0x80, v2;
	v3 =	vsel vm7, $0x2080, v3;
	vm7 =	vcmask $0xF0C  }
0x9: {  	s22 =	simm.s32 $0x6600;
	s21 =	simm.s32 $0x6A00;
	s30 =	simm.s32 $0x8A00;
	v2 =	vsel vm6, $0x100, v2;
	v3 =	vsel vm6, $0x2100, v3;
	vm6 =	vcmask $0x1310  }
0xa: {  	s11 =	simm.s32 $0xAA00;
	s18 =	simm.s32 $0xBA00;
	s28 =	simm.s32 $0x3;
	v4 =	vor.u32 $0x800, v1;
	v2 =	vsel vm7, $0x180, v2;
	v3 =	vsel vm7, $0x2180, v3  }
0xb: {  	s29 =	simm.s32 $0x4;
	s31 =	simm.s32 $0x5;
	[smem:$0x7FF] =	sst s3;
	vm7 =	vcmask $0x1714;
	v2 =	vsel vm6, $0x200, v2;
	v3 =	vsel vm6, $0x2200, v3  }
0xc: {  	s5 =	sand.u32 $0x1, s5;
	s7 =	sshll.u32 s7, $0xA;
	s8 =	sadd.s32 $0x2DC780, s1;
	vm6 =	vcmask $0x1B18;
	v2 =	vsel vm7, $0x280, v2;
	v3 =	vsel vm7, $0x2280, v3  }
0xd: {  	s2 =	sadd.s32 $0x400, s2;
	_ =	strace $0x80000047;
	s6 =	ssub.s32 $0x2, s5;
	vm7 =	vcmask $0x1F1C;
	v2 =	vsel vm6, $0x300, v2;
	v3 =	vsel vm6, $0x2300, v3  }
0xe: {  	s5 =	sshll.u32 s5, $0x9;
	[dreg:$0x5] =	wrdreg s2;
	s23 =	sshrl.u32 s6, $0x1;
	vm6 =	vcmask $0x2320;
	v2 =	vsel vm7, $0x380, v2;
	v3 =	vsel vm7, $0x2380, v3  }
0xf: {  	s9 =	sor.u32 s5, s7;
	s5 =	sadd.s32 $0x1E8500, s1;
	s7 =	sadd.s32 $0xF4280, s1;
	vm7 =	vcmask $0x2724;
	v2 =	vsel vm6, $0x1000, v2;
	v3 =	vsel vm6, $0x3000, v3  }
0x10: {  	s2 =	ssub.s32 s6, s23;
	s24 =	sshrl.u32 s9, $0x3;
	s25 =	sadd.s32 s4, s9;
	vm6 =	vcmask $0x2B28;
	v2 =	vsel vm7, $0x1080, v2;
	v3 =	vsel vm7, $0x3080, v3  }
0x11: {  	s4 =	simm.s32 $0x9A00;
	s23 =	simm.s32 $0x1;
	s6 =	simm.s32 $0x8;
	vm7 =	vcmask $0x2F2C;
	v2 =	vsel vm6, $0x1100, v2;
	v3 =	vsel vm6, $0x3100, v3  }
0x12: {  	s9 =	simm.s32 $0x0;
	s0 =	sadd.s32 s0, s24;
	[dreg:$0x7] =	wrdreg s25;
	vm6 =	vcmask $0x3330;
	v2 =	vsel vm7, $0x1180, v2;
	v3 =	vsel vm7, $0x3180, v3  }
0x13: {  	s26 =	smax.u32 s2, $0x1;
	s25 =	simm.s32 $0x7A00;
	[dreg:$0x9] =	wrdreg s9;
	vm7 =	vcmask $0x3734;
	v2 =	vsel vm6, $0x1200, v2;
	v3 =	vsel vm6, $0x3200, v3  }
0x14: {  	s24 =	simm.s32 $0x200;
	s2 =	simm.s32 $0x7;
	[dreg:$0x6] =	wrdreg s0;
	vm6 =	vcmask $0x171C;
	v2 =	vsel vm7, $0x1280, v2;
	v3 =	vsel vm7, $0x3280, v3  }
0x15: {  	[dreg:$0x8] =	wrdreg s26;
	s26 =	simm.s32 $0x2;
	s0 =	simm.s32 $0x6;
	vm7 =	vcmask $0x1B20;
	v2 =	vsel vm8, $0x1300, v2;
	v3 =	vsel vm8, $0x3300, v3  }
.LBB2_1:
0x16: {  	s9 =	rddreg [dreg:$0x6]  }
0x17: {  	[tilespmem:s3], [sflag:$0x9] =	stream.linear.gather [hbm4b:s9+s3], $0x200, $0x38;
	[tilespmem:$0xCA00] =	vst v63  }
0x18: {  	_ =	swait.ge [sflag:s10], $0x200  }
0x19: {  	[sflag:s10] =	ssyncset.done $0x0  }
0x1a: {  	s9 =	rddreg [dreg:$0x5];
	[sflag:s10] =	ssyncadd.s32 $0xFFFFFE00  }
0x1b: {  	[tilespmem:s12], [sflag:$0x9] =	stream.linear.gather [hbm4b:s9+s3], $0x800, $0x38;
	[tilespmem:$0xCA00] =	vst v63  }
0x1c: {  	_ =	swait.ge [sflag:s10], $0x800  }
0x1d: {  	[sflag:s10] =	ssyncset.done $0x0  }
0x1e: {  	[sflag:s10] =	ssyncadd.s32 $0xFFFFF800  }
0x1f: {  	v6 =	vld [tilespmem:$0x0];
	_ =	sdelay $0x4  }
0x20: {  	v6 =	vnsel vm0, $0x0, v6  }
0x21: {  	v6 =	vxor.u32 $0x80000000, v6  }
0x22: {  	(xrf0) =	vmax.scan.msk.u32 $0xffff, v6;
	_ =	sdelay $0x5  }
0x23: {  	v6, _, _ =	vpop (xrf0)  }
0x24: {  	(v2sf) =	vpush v6, $0xF;
	_ =	sdelay $0xe  }
0x25: {  	s10 =	spop (v2sf)  }
0x26: {  	s9 =	sand.u32 $0xFFFFFF80, s10  }
0x27: {  	s9 =	sxor.u32 $0x80000000, s9  }
0x28: {  	p0 =	slt.s32 s9, $0xF4180  }
0x29: {  	s9 =	simm.s32 @!p0 $0xF4180  }
0x2a: {  	s10 =	sadd.s32 s1, s9  }
0x2b: {  	[tilespmem:s13], [sflag:$0x1] =	stream.linear.gather [hbm4b:s10+s3], $0x400, $0x38;
	[tilespmem:$0xCA00] =	vst v63  }
0x2c: {  	s10 =	sadd.s32 s9, s7  }
0x2d: {  	[tilespmem:s19], [sflag:$0x1] =	stream.linear.gather [hbm4b:s10+s3], $0x400, $0x38;
	[tilespmem:$0xCA00] =	vst v63  }
0x2e: {  	s10 =	sadd.s32 s9, s5  }
0x2f: {  	[tilespmem:s14], [sflag:$0x1] =	stream.linear.gather [hbm4b:s10+s3], $0x400, $0x38;
	[tilespmem:$0xCA00] =	vst v63  }
0x30: {  	s9 =	sadd.s32 s9, s8  }
0x31: {  	[tilespmem:s15], [sflag:$0x1] =	stream.linear.gather [hbm4b:s9+s3], $0x400, $0x38;
	[tilespmem:$0xCA00] =	vst v63  }
0x32: {  	v6 =	vld [tilespmem:$0x0];
	_ =	sdelay $0x4  }
0x33: {  	v6 =	vsel vm1, $0x0, v6  }
0x34: {  	v6 =	vxor.u32 $0x80000000, v6  }
0x35: {  	(xrf0) =	vmax.scan.msk.u32 $0xffff, v6;
	_ =	sdelay $0x5  }
0x36: {  	v6, _, _ =	vpop (xrf0)  }
0x37: {  	(v2sf) =	vpush v6, $0xF;
	_ =	sdelay $0xe  }
0x38: {  	s10 =	spop (v2sf)  }
0x39: {  	s9 =	sand.u32 $0xFFFFFF80, s10  }
0x3a: {  	s9 =	sxor.u32 $0x80000000, s9  }
0x3b: {  	p0 =	slt.s32 s9, $0xF4180  }
0x3c: {  	s9 =	simm.s32 @!p0 $0xF4180  }
0x3d: {  	s14 =	sadd.s32 s1, s9  }
0x3e: {  	[tilespmem:s17], [sflag:$0x2] =	stream.linear.gather [hbm4b:s14+s3], $0x400, $0x38;
	[tilespmem:$0xCA00] =	vst v63  }
0x3f: {  	s15 =	sadd.s32 s9, s7  }
0x40: {  	[tilespmem:s16], [sflag:$0x2] =	stream.linear.gather [hbm4b:s15+s3], $0x400, $0x38;
	[tilespmem:$0xCA00] =	vst v63  }
0x41: {  	s14 =	sadd.s32 s9, s5  }
0x42: {  	[tilespmem:s20], [sflag:$0x2] =	stream.linear.gather [hbm4b:s14+s3], $0x400, $0x38;
	[tilespmem:$0xCA00] =	vst v63  }
0x43: {  	s9 =	sadd.s32 s9, s8  }
0x44: {  	[tilespmem:s22], [sflag:$0x2] =	stream.linear.gather [hbm4b:s9+s3], $0x400, $0x38;
	[tilespmem:$0xCA00] =	vst v63  }
0x45: {  	v6 =	vld [tilespmem:$0x0];
	_ =	sdelay $0x4  }
0x46: {  	v6 =	vsel vm2, $0x0, v6  }
0x47: {  	v6 =	vxor.u32 $0x80000000, v6  }
0x48: {  	(xrf0) =	vmax.scan.msk.u32 $0xffff, v6;
	_ =	sdelay $0x5  }
0x49: {  	v6, _, _ =	vpop (xrf0)  }
0x4a: {  	(v2sf) =	vpush v6, $0xF;
	_ =	sdelay $0xe  }
0x4b: {  	s15 =	spop (v2sf)  }
0x4c: {  	s9 =	sand.u32 $0xFFFFFF80, s15  }
0x4d: {  	s9 =	sxor.u32 $0x80000000, s9  }
0x4e: {  	p0 =	slt.s32 s9, $0xF4180  }
0x4f: {  	s9 =	simm.s32 @!p0 $0xF4180  }
0x50: {  	s16 =	sadd.s32 s1, s9  }
0x51: {  	[tilespmem:s21], [sflag:$0x3] =	stream.linear.gather [hbm4b:s16+s3], $0x400, $0x38;
	[tilespmem:$0xCA00] =	vst v63  }
0x52: {  	s22 =	simm.s32 $0x6E00;
	s20 =	sadd.s32 s9, s7  }
0x53: {  	[tilespmem:s22], [sflag:$0x3] =	stream.linear.gather [hbm4b:s20+s3], $0x400, $0x38;
	[tilespmem:$0xCA00] =	vst v63  }
0x54: {  	s15 =	simm.s32 $0x7200;
	s14 =	sadd.s32 s9, s5  }
0x55: {  	[tilespmem:s15], [sflag:$0x3] =	stream.linear.gather [hbm4b:s14+s3], $0x400, $0x38;
	[tilespmem:$0xCA00] =	vst v63  }
0x56: {  	s9 =	sadd.s32 s9, s8;
	s16 =	simm.s32 $0x7600  }
0x57: {  	[tilespmem:s16], [sflag:$0x3] =	stream.linear.gather [hbm4b:s9+s3], $0x400, $0x38;
	[tilespmem:$0xCA00] =	vst v63  }
0x58: {  	v6 =	vld [tilespmem:$0x0];
	_ =	sdelay $0x4  }
0x59: {  	v6 =	vsel vm3, $0x0, v6  }
0x5a: {  	v6 =	vxor.u32 $0x80000000, v6  }
0x5b: {  	(xrf0) =	vmax.scan.msk.u32 $0xffff, v6;
	_ =	sdelay $0x5  }
0x5c: {  	v6, _, _ =	vpop (xrf0)  }
0x5d: {  	(v2sf) =	vpush v6, $0xF;
	_ =	sdelay $0xe  }
0x5e: {  	s20 =	spop (v2sf)  }
0x5f: {  	s9 =	sand.u32 $0xFFFFFF80, s20  }
0x60: {  	s9 =	sxor.u32 $0x80000000, s9  }
0x61: {  	p0 =	slt.s32 s9, $0xF4180  }
0x62: {  	s9 =	simm.s32 @!p0 $0xF4180  }
0x63: {  	s22 =	sadd.s32 s1, s9  }
0x64: {  	[tilespmem:s25], [sflag:$0x4] =	stream.linear.gather [hbm4b:s22+s3], $0x400, $0x38;
	[tilespmem:$0xCA00] =	vst v63  }
0x65: {  	s15 =	simm.s32 $0x7E00;
	s14 =	sadd.s32 s9, s7  }
0x66: {  	[tilespmem:s15], [sflag:$0x4] =	stream.linear.gather [hbm4b:s14+s3], $0x400, $0x38;
	[tilespmem:$0xCA00] =	vst v63  }
0x67: {  	s20 =	simm.s32 $0x8200;
	s16 =	sadd.s32 s9, s5  }
0x68: {  	[tilespmem:s20], [sflag:$0x4] =	stream.linear.gather [hbm4b:s16+s3], $0x400, $0x38;
	[tilespmem:$0xCA00] =	vst v63  }
0x69: {  	s9 =	sadd.s32 s9, s8;
	s22 =	simm.s32 $0x8600  }
0x6a: {  	[tilespmem:s22], [sflag:$0x4] =	stream.linear.gather [hbm4b:s9+s3], $0x400, $0x38;
	[tilespmem:$0xCA00] =	vst v63  }
0x6b: {  	v6 =	vld [tilespmem:$0x0];
	_ =	sdelay $0x4  }
0x6c: {  	v6 =	vsel vm4, $0x0, v6  }
0x6d: {  	v6 =	vxor.u32 $0x80000000, v6  }
0x6e: {  	(xrf0) =	vmax.scan.msk.u32 $0xffff, v6;
	_ =	sdelay $0x5  }
0x6f: {  	v6, _, _ =	vpop (xrf0)  }
0x70: {  	(v2sf) =	vpush v6, $0xF;
	_ =	sdelay $0xe  }
0x71: {  	s10 =	spop (v2sf)  }
0x72: {  	s9 =	sand.u32 $0xFFFFFF80, s10  }
0x73: {  	s9 =	sxor.u32 $0x80000000, s9  }
0x74: {  	p0 =	slt.s32 s9, $0xF4180  }
0x75: {  	s9 =	simm.s32 @!p0 $0xF4180  }
0x76: {  	s14 =	sadd.s32 s1, s9  }
0x77: {  	[tilespmem:s30], [sflag:$0x5] =	stream.linear.gather [hbm4b:s14+s3], $0x400, $0x38;
	[tilespmem:$0xCA00] =	vst v63  }
0x78: {  	s16 =	simm.s32 $0x8E00;
	s15 =	sadd.s32 s9, s7  }
0x79: {  	[tilespmem:s16], [sflag:$0x5] =	stream.linear.gather [hbm4b:s15+s3], $0x400, $0x38;
	[tilespmem:$0xCA00] =	vst v63  }
0x7a: {  	s22 =	simm.s32 $0x9200;
	s20 =	sadd.s32 s9, s5  }
0x7b: {  	[tilespmem:s22], [sflag:$0x5] =	stream.linear.gather [hbm4b:s20+s3], $0x400, $0x38;
	[tilespmem:$0xCA00] =	vst v63  }
0x7c: {  	s9 =	sadd.s32 s9, s8;
	s14 =	simm.s32 $0x9600  }
0x7d: {  	[tilespmem:s14], [sflag:$0x5] =	stream.linear.gather [hbm4b:s9+s3], $0x400, $0x38;
	[tilespmem:$0xCA00] =	vst v63  }
0x7e: {  	v6 =	vld [tilespmem:$0x0];
	_ =	sdelay $0x4  }
0x7f: {  	v6 =	vsel vm5, $0x0, v6  }
0x80: {  	v6 =	vxor.u32 $0x80000000, v6  }
0x81: {  	(xrf0) =	vmax.scan.msk.u32 $0xffff, v6;
	_ =	sdelay $0x5  }
0x82: {  	v6, _, _ =	vpop (xrf0)  }
0x83: {  	(v2sf) =	vpush v6, $0xF;
	_ =	sdelay $0xe  }
0x84: {  	s15 =	spop (v2sf)  }
0x85: {  	s9 =	sand.u32 $0xFFFFFF80, s15  }
0x86: {  	s9 =	sxor.u32 $0x80000000, s9  }
0x87: {  	p0 =	slt.s32 s9, $0xF4180  }
0x88: {  	s9 =	simm.s32 @!p0 $0xF4180  }
0x89: {  	s16 =	sadd.s32 s1, s9  }
0x8a: {  	[tilespmem:s4], [sflag:$0x6] =	stream.linear.gather [hbm4b:s16+s3], $0x400, $0x38;
	[tilespmem:$0xCA00] =	vst v63  }
0x8b: {  	s22 =	simm.s32 $0x9E00;
	s20 =	sadd.s32 s9, s7  }
0x8c: {  	[tilespmem:s22], [sflag:$0x6] =	stream.linear.gather [hbm4b:s20+s3], $0x400, $0x38;
	[tilespmem:$0xCA00] =	vst v63  }
0x8d: {  	s15 =	simm.s32 $0xA200;
	s14 =	sadd.s32 s9, s5  }
0x8e: {  	[tilespmem:s15], [sflag:$0x6] =	stream.linear.gather [hbm4b:s14+s3], $0x400, $0x38;
	[tilespmem:$0xCA00] =	vst v63  }
0x8f: {  	s9 =	sadd.s32 s9, s8;
	s16 =	simm.s32 $0xA600  }
0x90: {  	[tilespmem:s16], [sflag:$0x6] =	stream.linear.gather [hbm4b:s9+s3], $0x400, $0x38;
	[tilespmem:$0xCA00] =	vst v63  }
0x91: {  	v6 =	vld [tilespmem:$0x0];
	_ =	sdelay $0x4  }
0x92: {  	v6 =	vsel vm6, $0x0, v6  }
0x93: {  	v6 =	vxor.u32 $0x80000000, v6  }
0x94: {  	(xrf0) =	vmax.scan.msk.u32 $0xffff, v6;
	_ =	sdelay $0x5  }
0x95: {  	v6, _, _ =	vpop (xrf0)  }
0x96: {  	(v2sf) =	vpush v6, $0xF;
	_ =	sdelay $0xe  }
0x97: {  	s20 =	spop (v2sf)  }
0x98: {  	s9 =	sand.u32 $0xFFFFFF80, s20  }
0x99: {  	s9 =	sxor.u32 $0x80000000, s9  }
0x9a: {  	p0 =	slt.s32 s9, $0xF4180  }
0x9b: {  	s9 =	simm.s32 @!p0 $0xF4180  }
0x9c: {  	s22 =	sadd.s32 s1, s9  }
0x9d: {  	[tilespmem:s11], [sflag:$0x7] =	stream.linear.gather [hbm4b:s22+s3], $0x400, $0x38;
	[tilespmem:$0xCA00] =	vst v63  }
0x9e: {  	s15 =	simm.s32 $0xAE00;
	s14 =	sadd.s32 s9, s7  }
0x9f: {  	[tilespmem:s15], [sflag:$0x7] =	stream.linear.gather [hbm4b:s14+s3], $0x400, $0x38;
	[tilespmem:$0xCA00] =	vst v63  }
0xa0: {  	s20 =	simm.s32 $0xB200;
	s16 =	sadd.s32 s9, s5  }
0xa1: {  	[tilespmem:s20], [sflag:$0x7] =	stream.linear.gather [hbm4b:s16+s3], $0x400, $0x38;
	[tilespmem:$0xCA00] =	vst v63  }
0xa2: {  	s9 =	sadd.s32 s9, s8;
	s22 =	simm.s32 $0xB600  }
0xa3: {  	[tilespmem:s22], [sflag:$0x7] =	stream.linear.gather [hbm4b:s9+s3], $0x400, $0x38;
	[tilespmem:$0xCA00] =	vst v63  }
0xa4: {  	v6 =	vld [tilespmem:$0x0];
	_ =	sdelay $0x4  }
0xa5: {  	v6 =	vsel vm7, $0x0, v6  }
0xa6: {  	v6 =	vxor.u32 $0x80000000, v6  }
0xa7: {  	(xrf0) =	vmax.scan.msk.u32 $0xffff, v6;
	_ =	sdelay $0x5  }
0xa8: {  	v6, _, _ =	vpop (xrf0)  }
0xa9: {  	(v2sf) =	vpush v6, $0xF;
	_ =	sdelay $0xe  }
0xaa: {  	s10 =	spop (v2sf)  }
0xab: {  	s9 =	sand.u32 $0xFFFFFF80, s10  }
0xac: {  	s9 =	sxor.u32 $0x80000000, s9  }
0xad: {  	p0 =	slt.s32 s9, $0xF4180  }
0xae: {  	s9 =	simm.s32 @!p0 $0xF4180  }
0xaf: {  	s14 =	sadd.s32 s1, s9  }
0xb0: {  	[tilespmem:s18], [sflag:$0x8] =	stream.linear.gather [hbm4b:s14+s3], $0x400, $0x38;
	[tilespmem:$0xCA00] =	vst v63  }
0xb1: {  	s16 =	simm.s32 $0xBE00;
	s15 =	sadd.s32 s9, s7  }
0xb2: {  	[tilespmem:s16], [sflag:$0x8] =	stream.linear.gather [hbm4b:s15+s3], $0x400, $0x38;
	[tilespmem:$0xCA00] =	vst v63  }
0xb3: {  	s22 =	simm.s32 $0xC200;
	s20 =	sadd.s32 s9, s5  }
0xb4: {  	[tilespmem:s22], [sflag:$0x8] =	stream.linear.gather [hbm4b:s20+s3], $0x400, $0x38;
	[tilespmem:$0xCA00] =	vst v63  }
0xb5: {  	s9 =	sadd.s32 s9, s8;
	s20 =	simm.s32 $0xC600  }
0xb6: {  	[tilespmem:s20], [sflag:$0x8] =	stream.linear.gather [hbm4b:s9+s3], $0x400, $0x38;
	[tilespmem:$0xCA00] =	vst v63  }
0xb7: {  	s9 =	simm.s32 $0x0  }
.LBB2_2:
0xb8: {  	_ =	swait.ge [sflag:s23], $0x1000  }
0xb9: {  	[sflag:s23] =	ssyncset.done $0x0  }
0xba: {  	s10 =	sand.u32 $0x1F0, s9;
	[sflag:s23] =	ssyncadd.s32 $0xFFFFF000  }
0xbb: {  	v6 =	vld [tilespmem:s10+$0x0];
	_ =	sdelay $0x2  }
0xbc: {  	s14 =	sand.u32 $0x8, s9  }
0xbd: {  	v7 =	vmov s14  }
0xbe: {  	vm8 =	veq.s32 v7, v0;
	v6 =	vxor.u32 $0x80000000, v6  }
0xbf: {  	v6 =	vnsel vm8, $0x80000000, v6  }
0xc0: {  	(xrf0) =	vmax.scan.msk.u32 $0xffff, v6;
	_ =	sdelay $0x5  }
0xc1: {  	v6, _, _ =	vpop (xrf0)  }
0xc2: {  	(v2sf) =	vpush v6, $0xF;
	_ =	sdelay $0xe  }
0xc3: {  	s22 =	spop (v2sf)  }
0xc4: {  	s15 =	sxor.u32 $0x80000000, s22  }
0xc5: {  	s16 =	sand.u32 $0xFFFFFF80, s15  }
0xc6: {  	p0 =	slt.s32 s16, $0xF4180  }
0xc7: {  	s16 =	simm.s32 @!p0 $0xF4180  }
0xc8: {  	s16 =	ssub.s32 s15, s16  }
0xc9: {  	s14 =	sadd.s32 $0x7FF0BE00, s22;
	p0 =	slt.s32 s16, $0x7F  }
0xca: {  	s16 =	simm.s32 @!p0 $0x7F;
	p0 =	sgt.s32 s14, $0x0  }
0xcb: {  	v6 =	vadd.s32 s16, v1;
	s14 =	simm.s32 @!p0 $0x0  }
0xcc: {  	v7 =	vadd.s32 s16, v4;
	s14 =	sshll.u32 s14, $0x5  }
0xcd: {  	v8 =	vor.u32 s14, v0  }
0xce: {  	v9 =	vor.u32 s14, v5  }
0xcf: {  	v10 =	vmov s9  }
0xd0: {  	v11 =	vshll.u32 v10, $0x3;
	v6 =	vld.idx.msk [tilespmem:v6+s13+$0x0], $0xffff  }
0xd1: {  	v10 =	vand.u32 $0x78, v10;
	v11 =	vand.u32 $0xC00, v11;
	v7 =	vld.idx.msk [tilespmem:v7+s13+$0x0], $0xffff  }
0xd2: {  	v10 =	vor.u32 v10, v11;
	v8 =	vld.idx.msk [tilespmem:v8+s12+$0x0], $0xffff  }
0xd3: {  	v11 =	vor.u32 v2, v10;
	v9 =	vld.idx.msk [tilespmem:v9+s12+$0x0], $0xffff  }
0xd4: {  	v10 =	vor.u32 v3, v10;
	_ =	sdelay $0x1  }
0xd5: {  	p5 =	sgt.s32 s15, $0xF41FF  }
0xd6: {  	s16 =	smin.u32 s9, $0x1F7;
	v6 =	vpsel p5, v8, v6  }
0xd7: {  	s14 =	sadd.s32 $0x8, s16;
	v7 =	vpsel p5, v9, v7;
	[tilespmem:v11+s24+$0x0] =	vst.idx.msk $0xffff, v6  }
0xd8: {  	s22 =	sand.u32 $0x3F0, s14;
	[tilespmem:v10+s24+$0x0] =	vst.idx.msk $0xffff, v7  }
0xd9: {  	v6 =	vld [tilespmem:s22+$0x0];
	_ =	sdelay $0x2  }
0xda: {  	s14 =	sand.u32 $0xF, s14  }
0xdb: {  	v7 =	vmov s14  }
0xdc: {  	vm8 =	veq.s32 v7, v0;
	v6 =	vxor.u32 $0x80000000, v6  }
0xdd: {  	v6 =	vnsel vm8, $0x80000000, v6  }
0xde: {  	(xrf0) =	vmax.scan.msk.u32 $0xffff, v6;
	_ =	sdelay $0x5  }
0xdf: {  	v6, _, _ =	vpop (xrf0)  }
0xe0: {  	(v2sf) =	vpush v6, $0xF;
	_ =	sdelay $0xe  }
0xe1: {  	s16 =	spop (v2sf)  }
0xe2: {  	s14 =	sand.u32 $0xFFFFFF80, s16  }
0xe3: {  	s14 =	sxor.u32 $0x80000000, s14  }
0xe4: {  	p0 =	slt.s32 s14, $0xF4180  }
0xe5: {  	s14 =	simm.s32 @!p0 $0xF4180  }
0xe6: {  	s22 =	sadd.s32 s1, s14  }
0xe7: {  	[tilespmem:s13], [sflag:$0x1] =	stream.linear.gather [hbm4b:s22+s3], $0x400, $0x38;
	[tilespmem:$0xCA00] =	vst v63  }
0xe8: {  	s16 =	sadd.s32 s14, s7  }
0xe9: {  	[tilespmem:s19], [sflag:$0x1] =	stream.linear.gather [hbm4b:s16+s3], $0x400, $0x38;
	[tilespmem:$0xCA00] =	vst v63  }
0xea: {  	s22 =	simm.s32 $0x5200;
	s19 =	sadd.s32 s14, s5  }
0xeb: {  	[tilespmem:s22], [sflag:$0x1] =	stream.linear.gather [hbm4b:s19+s3], $0x400, $0x38;
	[tilespmem:$0xCA00] =	vst v63  }
0xec: {  	s14 =	sadd.s32 s14, s8;
	s16 =	simm.s32 $0x5600  }
0xed: {  	[tilespmem:s16], [sflag:$0x1] =	stream.linear.gather [hbm4b:s14+s3], $0x400, $0x38;
	[tilespmem:$0xCA00] =	vst v63  }
0xee: {  	_ =	swait.ge [sflag:s26], $0x1000  }
0xef: {  	[sflag:s26] =	ssyncset.done $0x0  }
0xf0: {  	[sflag:s26] =	ssyncadd.s32 $0xFFFFF000  }
0xf1: {  	v6 =	vld [tilespmem:s10+$0x0];
	_ =	sdelay $0x1  }
0xf2: {  	s14 =	sand.u32 $0xF, s9  }
0xf3: {  	s19 =	sadd.s32 $0x1, s14  }
0xf4: {  	v7 =	vmov s19  }
0xf5: {  	vm8 =	veq.s32 v7, v0;
	v6 =	vxor.u32 $0x80000000, v6  }
0xf6: {  	v6 =	vnsel vm8, $0x80000000, v6  }
0xf7: {  	(xrf0) =	vmax.scan.msk.u32 $0xffff, v6;
	_ =	sdelay $0x5  }
0xf8: {  	v6, _, _ =	vpop (xrf0)  }
0xf9: {  	(v2sf) =	vpush v6, $0xF;
	_ =	sdelay $0xe  }
0xfa: {  	s22 =	spop (v2sf)  }
0xfb: {  	s16 =	sxor.u32 $0x80000000, s22  }
0xfc: {  	s19 =	sand.u32 $0xFFFFFF80, s16  }
0xfd: {  	p0 =	slt.s32 s19, $0xF4180  }
0xfe: {  	s19 =	simm.s32 @!p0 $0xF4180  }
0xff: {  	s19 =	ssub.s32 s16, s19  }
0x100: {  	s15 =	sadd.s32 $0x7FF0BE00, s22;
	p0 =	slt.s32 s19, $0x7F  }
0x101: {  	s19 =	simm.s32 @!p0 $0x7F;
	p0 =	sgt.s32 s15, $0x0  }
0x102: {  	v6 =	vadd.s32 s19, v1;
	s15 =	simm.s32 @!p0 $0x0  }
0x103: {  	v7 =	vadd.s32 s19, v4;
	s15 =	sshll.u32 s15, $0x5  }
0x104: {  	v36 =	vor.u32 s15, v0  }
0x105: {  	s22 =	sadd.s32 $0x1, s9;
	v37 =	vor.u32 s15, v5  }
0x106: {  	v38 =	vmov s22  }
0x107: {  	v39 =	vshll.u32 v38, $0x3;
	v6 =	vld.idx.msk [tilespmem:v6+s17+$0x0], $0xffff  }
0x108: {  	v10 =	vand.u32 $0x79, v38;
	v11 =	vand.u32 $0xC00, v39;
	v7 =	vld.idx.msk [tilespmem:v7+s17+$0x0], $0xffff  }
0x109: {  	v10 =	vor.u32 v10, v11;
	v8 =	vld.idx.msk [tilespmem:v36+s12+$0x0], $0xffff  }
0x10a: {  	v11 =	vor.u32 v2, v10;
	v9 =	vld.idx.msk [tilespmem:v37+s12+$0x0], $0xffff  }
0x10b: {  	v10 =	vor.u32 v3, v10;
	_ =	sdelay $0x1  }
0x10c: {  	p6 =	sgt.s32 s16, $0xF41FF  }
0x10d: {  	s19 =	smin.u32 s9, $0x1F6;
	v6 =	vpsel p6, v8, v6  }
0x10e: {  	s15 =	sadd.s32 $0x9, s19;
	v7 =	vpsel p6, v9, v7;
	[tilespmem:v11+s24+$0x0] =	vst.idx.msk $0xffff, v6  }
0x10f: {  	s22 =	sand.u32 $0x3F0, s15;
	[tilespmem:v10+s24+$0x0] =	vst.idx.msk $0xffff, v7  }
0x110: {  	v6 =	vld [tilespmem:s22+$0x0];
	_ =	sdelay $0x2  }
0x111: {  	s15 =	sand.u32 $0xF, s15  }
0x112: {  	v7 =	vmov s15  }
0x113: {  	vm8 =	veq.s32 v7, v0;
	v6 =	vxor.u32 $0x80000000, v6  }
0x114: {  	v6 =	vnsel vm8, $0x80000000, v6  }
0x115: {  	(xrf0) =	vmax.scan.msk.u32 $0xffff, v6;
	_ =	sdelay $0x5  }
0x116: {  	v6, _, _ =	vpop (xrf0)  }
0x117: {  	(v2sf) =	vpush v6, $0xF;
	_ =	sdelay $0xe  }
0x118: {  	s19 =	spop (v2sf)  }
0x119: {  	s15 =	sand.u32 $0xFFFFFF80, s19  }
0x11a: {  	s15 =	sxor.u32 $0x80000000, s15  }
0x11b: {  	p0 =	slt.s32 s15, $0xF4180  }
0x11c: {  	s15 =	simm.s32 @!p0 $0xF4180  }
0x11d: {  	s22 =	sadd.s32 s1, s15  }
0x11e: {  	[tilespmem:s17], [sflag:$0x2] =	stream.linear.gather [hbm4b:s22+s3], $0x400, $0x38;
	[tilespmem:$0xCA00] =	vst v63  }
0x11f: {  	s19 =	sadd.s32 s15, s7;
	s22 =	simm.s32 $0x5E00  }
0x120: {  	[tilespmem:s22], [sflag:$0x2] =	stream.linear.gather [hbm4b:s19+s3], $0x400, $0x38;
	[tilespmem:$0xCA00] =	vst v63  }
0x121: {  	s19 =	sadd.s32 s15, s5;
	s22 =	simm.s32 $0x6200  }
0x122: {  	[tilespmem:s22], [sflag:$0x2] =	stream.linear.gather [hbm4b:s19+s3], $0x400, $0x38;
	[tilespmem:$0xCA00] =	vst v63  }
0x123: {  	s15 =	sadd.s32 s15, s8;
	s22 =	simm.s32 $0x6600  }
0x124: {  	[tilespmem:s22], [sflag:$0x2] =	stream.linear.gather [hbm4b:s15+s3], $0x400, $0x38;
	[tilespmem:$0xCA00] =	vst v63  }
0x125: {  	_ =	swait.ge [sflag:s28], $0x1000  }
0x126: {  	[sflag:s28] =	ssyncset.done $0x0  }
0x127: {  	[sflag:s28] =	ssyncadd.s32 $0xFFFFF000  }
0x128: {  	v6 =	vld [tilespmem:s10+$0x0];
	_ =	sdelay $0x2  }
0x129: {  	s19 =	sadd.s32 $0x2, s14  }
0x12a: {  	v7 =	vmov s19  }
0x12b: {  	vm8 =	veq.s32 v7, v0;
	v6 =	vxor.u32 $0x80000000, v6  }
0x12c: {  	v6 =	vnsel vm8, $0x80000000, v6  }
0x12d: {  	(xrf0) =	vmax.scan.msk.u32 $0xffff, v6;
	_ =	sdelay $0x5  }
0x12e: {  	v6, _, _ =	vpop (xrf0)  }
0x12f: {  	(v2sf) =	vpush v6, $0xF;
	_ =	sdelay $0xe  }
0x130: {  	s22 =	spop (v2sf)  }
0x131: {  	s16 =	sxor.u32 $0x80000000, s22  }
0x132: {  	s19 =	sand.u32 $0xFFFFFF80, s16  }
0x133: {  	p0 =	slt.s32 s19, $0xF4180  }
0x134: {  	s19 =	simm.s32 @!p0 $0xF4180  }
0x135: {  	s19 =	ssub.s32 s16, s19  }
0x136: {  	s15 =	sadd.s32 $0x7FF0BE00, s22;
	p0 =	slt.s32 s19, $0x7F  }
0x137: {  	s19 =	simm.s32 @!p0 $0x7F;
	p0 =	sgt.s32 s15, $0x0  }
0x138: {  	v6 =	vadd.s32 s19, v1;
	s15 =	simm.s32 @!p0 $0x0  }
0x139: {  	v7 =	vadd.s32 s19, v4;
	s15 =	sshll.u32 s15, $0x5  }
0x13a: {  	v40 =	vor.u32 s15, v0  }
0x13b: {  	s22 =	sadd.s32 $0x2, s9;
	v41 =	vor.u32 s15, v5  }
0x13c: {  	v42 =	vmov s22  }
0x13d: {  	v43 =	vshll.u32 v42, $0x3;
	v6 =	vld.idx.msk [tilespmem:v6+s21+$0x0], $0xffff  }
0x13e: {  	v10 =	vand.u32 $0x7A, v42;
	v11 =	vand.u32 $0xC00, v43;
	v7 =	vld.idx.msk [tilespmem:v7+s21+$0x0], $0xffff  }
0x13f: {  	v10 =	vor.u32 v10, v11;
	v8 =	vld.idx.msk [tilespmem:v40+s12+$0x0], $0xffff  }
0x140: {  	v11 =	vor.u32 v2, v10;
	v9 =	vld.idx.msk [tilespmem:v41+s12+$0x0], $0xffff  }
0x141: {  	v10 =	vor.u32 v3, v10;
	_ =	sdelay $0x1  }
0x142: {  	p1 =	sgt.s32 s16, $0xF41FF  }
0x143: {  	s19 =	smin.u32 s9, $0x1F5;
	v6 =	vpsel p1, v8, v6  }
0x144: {  	s15 =	sadd.s32 $0xA, s19;
	v7 =	vpsel p1, v9, v7;
	[tilespmem:v11+s24+$0x0] =	vst.idx.msk $0xffff, v6  }
0x145: {  	s22 =	sand.u32 $0x3F0, s15;
	[tilespmem:v10+s24+$0x0] =	vst.idx.msk $0xffff, v7  }
0x146: {  	v6 =	vld [tilespmem:s22+$0x0];
	_ =	sdelay $0x2  }
0x147: {  	s15 =	sand.u32 $0xF, s15  }
0x148: {  	v7 =	vmov s15  }
0x149: {  	vm8 =	veq.s32 v7, v0;
	v6 =	vxor.u32 $0x80000000, v6  }
0x14a: {  	v6 =	vnsel vm8, $0x80000000, v6  }
0x14b: {  	(xrf0) =	vmax.scan.msk.u32 $0xffff, v6;
	_ =	sdelay $0x5  }
0x14c: {  	v6, _, _ =	vpop (xrf0)  }
0x14d: {  	(v2sf) =	vpush v6, $0xF;
	_ =	sdelay $0xe  }
0x14e: {  	s19 =	spop (v2sf)  }
0x14f: {  	s15 =	sand.u32 $0xFFFFFF80, s19  }
0x150: {  	s15 =	sxor.u32 $0x80000000, s15  }
0x151: {  	p0 =	slt.s32 s15, $0xF4180  }
0x152: {  	s15 =	simm.s32 @!p0 $0xF4180  }
0x153: {  	s22 =	sadd.s32 s1, s15  }
0x154: {  	[tilespmem:s21], [sflag:$0x3] =	stream.linear.gather [hbm4b:s22+s3], $0x400, $0x38;
	[tilespmem:$0xCA00] =	vst v63  }
0x155: {  	s19 =	sadd.s32 s15, s7;
	s22 =	simm.s32 $0x6E00  }
0x156: {  	[tilespmem:s22], [sflag:$0x3] =	stream.linear.gather [hbm4b:s19+s3], $0x400, $0x38;
	[tilespmem:$0xCA00] =	vst v63  }
0x157: {  	s19 =	sadd.s32 s15, s5;
	s22 =	simm.s32 $0x7200  }
0x158: {  	[tilespmem:s22], [sflag:$0x3] =	stream.linear.gather [hbm4b:s19+s3], $0x400, $0x38;
	[tilespmem:$0xCA00] =	vst v63  }
0x159: {  	s15 =	sadd.s32 s15, s8;
	s22 =	simm.s32 $0x7600  }
0x15a: {  	[tilespmem:s22], [sflag:$0x3] =	stream.linear.gather [hbm4b:s15+s3], $0x400, $0x38;
	[tilespmem:$0xCA00] =	vst v63  }
0x15b: {  	_ =	swait.ge [sflag:s29], $0x1000  }
0x15c: {  	[sflag:s29] =	ssyncset.done $0x0  }
0x15d: {  	[sflag:s29] =	ssyncadd.s32 $0xFFFFF000  }
0x15e: {  	v6 =	vld [tilespmem:s10+$0x0];
	_ =	sdelay $0x2  }
0x15f: {  	s19 =	sadd.s32 $0x3, s14  }
0x160: {  	v7 =	vmov s19  }
0x161: {  	vm8 =	veq.s32 v7, v0;
	v6 =	vxor.u32 $0x80000000, v6  }
0x162: {  	v6 =	vnsel vm8, $0x80000000, v6  }
0x163: {  	(xrf0) =	vmax.scan.msk.u32 $0xffff, v6;
	_ =	sdelay $0x5  }
0x164: {  	v6, _, _ =	vpop (xrf0)  }
0x165: {  	(v2sf) =	vpush v6, $0xF;
	_ =	sdelay $0xe  }
0x166: {  	s22 =	spop (v2sf)  }
0x167: {  	s16 =	sxor.u32 $0x80000000, s22  }
0x168: {  	s19 =	sand.u32 $0xFFFFFF80, s16  }
0x169: {  	p0 =	slt.s32 s19, $0xF4180  }
0x16a: {  	s19 =	simm.s32 @!p0 $0xF4180  }
0x16b: {  	s19 =	ssub.s32 s16, s19  }
0x16c: {  	s15 =	sadd.s32 $0x7FF0BE00, s22;
	p0 =	slt.s32 s19, $0x7F  }
0x16d: {  	s19 =	simm.s32 @!p0 $0x7F;
	p0 =	sgt.s32 s15, $0x0  }
0x16e: {  	v6 =	vadd.s32 s19, v1;
	s15 =	simm.s32 @!p0 $0x0  }
0x16f: {  	v7 =	vadd.s32 s19, v4;
	s15 =	sshll.u32 s15, $0x5  }
0x170: {  	v44 =	vor.u32 s15, v0  }
0x171: {  	s22 =	sadd.s32 $0x3, s9;
	v45 =	vor.u32 s15, v5  }
0x172: {  	v46 =	vmov s22  }
0x173: {  	v47 =	vshll.u32 v46, $0x3;
	v6 =	vld.idx.msk [tilespmem:v6+s25+$0x0], $0xffff  }
0x174: {  	v10 =	vand.u32 $0x7B, v46;
	v11 =	vand.u32 $0xC00, v47;
	v7 =	vld.idx.msk [tilespmem:v7+s25+$0x0], $0xffff  }
0x175: {  	v10 =	vor.u32 v10, v11;
	v8 =	vld.idx.msk [tilespmem:v44+s12+$0x0], $0xffff  }
0x176: {  	v11 =	vor.u32 v2, v10;
	v9 =	vld.idx.msk [tilespmem:v45+s12+$0x0], $0xffff  }
0x177: {  	v10 =	vor.u32 v3, v10;
	_ =	sdelay $0x1  }
0x178: {  	p2 =	sgt.s32 s16, $0xF41FF  }
0x179: {  	s19 =	smin.u32 s9, $0x1F4;
	v6 =	vpsel p2, v8, v6  }
0x17a: {  	s15 =	sadd.s32 $0xB, s19;
	v7 =	vpsel p2, v9, v7;
	[tilespmem:v11+s24+$0x0] =	vst.idx.msk $0xffff, v6  }
0x17b: {  	s22 =	sand.u32 $0x3F0, s15;
	[tilespmem:v10+s24+$0x0] =	vst.idx.msk $0xffff, v7  }
0x17c: {  	v6 =	vld [tilespmem:s22+$0x0];
	_ =	sdelay $0x2  }
0x17d: {  	s15 =	sand.u32 $0xF, s15  }
0x17e: {  	v7 =	vmov s15  }
0x17f: {  	vm8 =	veq.s32 v7, v0;
	v6 =	vxor.u32 $0x80000000, v6  }
0x180: {  	v6 =	vnsel vm8, $0x80000000, v6  }
0x181: {  	(xrf0) =	vmax.scan.msk.u32 $0xffff, v6;
	_ =	sdelay $0x5  }
0x182: {  	v6, _, _ =	vpop (xrf0)  }
0x183: {  	(v2sf) =	vpush v6, $0xF;
	_ =	sdelay $0xe  }
0x184: {  	s19 =	spop (v2sf)  }
0x185: {  	s15 =	sand.u32 $0xFFFFFF80, s19  }
0x186: {  	s15 =	sxor.u32 $0x80000000, s15  }
0x187: {  	p0 =	slt.s32 s15, $0xF4180  }
0x188: {  	s15 =	simm.s32 @!p0 $0xF4180  }
0x189: {  	s22 =	sadd.s32 s1, s15  }
0x18a: {  	[tilespmem:s25], [sflag:$0x4] =	stream.linear.gather [hbm4b:s22+s3], $0x400, $0x38;
	[tilespmem:$0xCA00] =	vst v63  }
0x18b: {  	s19 =	sadd.s32 s15, s7;
	s22 =	simm.s32 $0x7E00  }
0x18c: {  	[tilespmem:s22], [sflag:$0x4] =	stream.linear.gather [hbm4b:s19+s3], $0x400, $0x38;
	[tilespmem:$0xCA00] =	vst v63  }
0x18d: {  	s19 =	sadd.s32 s15, s5;
	s22 =	simm.s32 $0x8200  }
0x18e: {  	[tilespmem:s22], [sflag:$0x4] =	stream.linear.gather [hbm4b:s19+s3], $0x400, $0x38;
	[tilespmem:$0xCA00] =	vst v63  }
0x18f: {  	s15 =	sadd.s32 s15, s8;
	s22 =	simm.s32 $0x8600  }
0x190: {  	[tilespmem:s22], [sflag:$0x4] =	stream.linear.gather [hbm4b:s15+s3], $0x400, $0x38;
	[tilespmem:$0xCA00] =	vst v63  }
0x191: {  	_ =	swait.ge [sflag:s31], $0x1000  }
0x192: {  	[sflag:s31] =	ssyncset.done $0x0  }
0x193: {  	[sflag:s31] =	ssyncadd.s32 $0xFFFFF000  }
0x194: {  	v6 =	vld [tilespmem:s10+$0x0];
	_ =	sdelay $0x2  }
0x195: {  	s19 =	sadd.s32 $0x4, s14  }
0x196: {  	v7 =	vmov s19  }
0x197: {  	vm8 =	veq.s32 v7, v0;
	v6 =	vxor.u32 $0x80000000, v6  }
0x198: {  	v6 =	vnsel vm8, $0x80000000, v6  }
0x199: {  	(xrf0) =	vmax.scan.msk.u32 $0xffff, v6;
	_ =	sdelay $0x5  }
0x19a: {  	v6, _, _ =	vpop (xrf0)  }
0x19b: {  	(v2sf) =	vpush v6, $0xF;
	_ =	sdelay $0xe  }
0x19c: {  	s22 =	spop (v2sf)  }
0x19d: {  	s16 =	sxor.u32 $0x80000000, s22  }
0x19e: {  	s19 =	sand.u32 $0xFFFFFF80, s16  }
0x19f: {  	p0 =	slt.s32 s19, $0xF4180  }
0x1a0: {  	s19 =	simm.s32 @!p0 $0xF4180  }
0x1a1: {  	s19 =	ssub.s32 s16, s19  }
0x1a2: {  	s15 =	sadd.s32 $0x7FF0BE00, s22;
	p0 =	slt.s32 s19, $0x7F  }
0x1a3: {  	s19 =	simm.s32 @!p0 $0x7F;
	p0 =	sgt.s32 s15, $0x0  }
0x1a4: {  	v6 =	vadd.s32 s19, v1;
	s15 =	simm.s32 @!p0 $0x0  }
0x1a5: {  	v7 =	vadd.s32 s19, v4;
	s15 =	sshll.u32 s15, $0x5  }
0x1a6: {  	v48 =	vor.u32 s15, v0  }
0x1a7: {  	s22 =	sadd.s32 $0x4, s9;
	v49 =	vor.u32 s15, v5  }
0x1a8: {  	v50 =	vmov s22  }
0x1a9: {  	v51 =	vshll.u32 v50, $0x3;
	v6 =	vld.idx.msk [tilespmem:v6+s30+$0x0], $0xffff  }
0x1aa: {  	v10 =	vand.u32 $0x7C, v50;
	v11 =	vand.u32 $0xC00, v51;
	v7 =	vld.idx.msk [tilespmem:v7+s30+$0x0], $0xffff  }
0x1ab: {  	v10 =	vor.u32 v10, v11;
	v8 =	vld.idx.msk [tilespmem:v48+s12+$0x0], $0xffff  }
0x1ac: {  	v11 =	vor.u32 v2, v10;
	v9 =	vld.idx.msk [tilespmem:v49+s12+$0x0], $0xffff  }
0x1ad: {  	v10 =	vor.u32 v3, v10;
	_ =	sdelay $0x1  }
0x1ae: {  	p3 =	sgt.s32 s16, $0xF41FF  }
0x1af: {  	s19 =	smin.u32 s9, $0x1F3;
	v6 =	vpsel p3, v8, v6  }
0x1b0: {  	s15 =	sadd.s32 $0xC, s19;
	v7 =	vpsel p3, v9, v7;
	[tilespmem:v11+s24+$0x0] =	vst.idx.msk $0xffff, v6  }
0x1b1: {  	s22 =	sand.u32 $0x3F0, s15;
	[tilespmem:v10+s24+$0x0] =	vst.idx.msk $0xffff, v7  }
0x1b2: {  	v6 =	vld [tilespmem:s22+$0x0];
	_ =	sdelay $0x2  }
0x1b3: {  	s15 =	sand.u32 $0xF, s15  }
0x1b4: {  	v7 =	vmov s15  }
0x1b5: {  	vm8 =	veq.s32 v7, v0;
	v6 =	vxor.u32 $0x80000000, v6  }
0x1b6: {  	v6 =	vnsel vm8, $0x80000000, v6  }
0x1b7: {  	(xrf0) =	vmax.scan.msk.u32 $0xffff, v6;
	_ =	sdelay $0x5  }
0x1b8: {  	v6, _, _ =	vpop (xrf0)  }
0x1b9: {  	(v2sf) =	vpush v6, $0xF;
	_ =	sdelay $0xe  }
0x1ba: {  	s19 =	spop (v2sf)  }
0x1bb: {  	s15 =	sand.u32 $0xFFFFFF80, s19  }
0x1bc: {  	s15 =	sxor.u32 $0x80000000, s15  }
0x1bd: {  	p0 =	slt.s32 s15, $0xF4180  }
0x1be: {  	s15 =	simm.s32 @!p0 $0xF4180  }
0x1bf: {  	s22 =	sadd.s32 s1, s15  }
0x1c0: {  	[tilespmem:s30], [sflag:$0x5] =	stream.linear.gather [hbm4b:s22+s3], $0x400, $0x38;
	[tilespmem:$0xCA00] =	vst v63  }
0x1c1: {  	s19 =	sadd.s32 s15, s7;
	s22 =	simm.s32 $0x8E00  }
0x1c2: {  	[tilespmem:s22], [sflag:$0x5] =	stream.linear.gather [hbm4b:s19+s3], $0x400, $0x38;
	[tilespmem:$0xCA00] =	vst v63  }
0x1c3: {  	s19 =	sadd.s32 s15, s5;
	s22 =	simm.s32 $0x9200  }
0x1c4: {  	[tilespmem:s22], [sflag:$0x5] =	stream.linear.gather [hbm4b:s19+s3], $0x400, $0x38;
	[tilespmem:$0xCA00] =	vst v63  }
0x1c5: {  	s15 =	sadd.s32 s15, s8;
	s22 =	simm.s32 $0x9600  }
0x1c6: {  	[tilespmem:s22], [sflag:$0x5] =	stream.linear.gather [hbm4b:s15+s3], $0x400, $0x38;
	[tilespmem:$0xCA00] =	vst v63  }
0x1c7: {  	_ =	swait.ge [sflag:s0], $0x1000  }
0x1c8: {  	[sflag:s0] =	ssyncset.done $0x0  }
0x1c9: {  	[sflag:s0] =	ssyncadd.s32 $0xFFFFF000  }
0x1ca: {  	v6 =	vld [tilespmem:s10+$0x0];
	_ =	sdelay $0x2  }
0x1cb: {  	s19 =	sadd.s32 $0x5, s14  }
0x1cc: {  	v7 =	vmov s19  }
0x1cd: {  	vm8 =	veq.s32 v7, v0;
	v6 =	vxor.u32 $0x80000000, v6  }
0x1ce: {  	v6 =	vnsel vm8, $0x80000000, v6  }
0x1cf: {  	(xrf0) =	vmax.scan.msk.u32 $0xffff, v6;
	_ =	sdelay $0x5  }
0x1d0: {  	v6, _, _ =	vpop (xrf0)  }
0x1d1: {  	(v2sf) =	vpush v6, $0xF;
	_ =	sdelay $0xe  }
0x1d2: {  	s22 =	spop (v2sf)  }
0x1d3: {  	s16 =	sxor.u32 $0x80000000, s22  }
0x1d4: {  	s19 =	sand.u32 $0xFFFFFF80, s16  }
0x1d5: {  	p0 =	slt.s32 s19, $0xF4180  }
0x1d6: {  	s19 =	simm.s32 @!p0 $0xF4180  }
0x1d7: {  	s19 =	ssub.s32 s16, s19  }
0x1d8: {  	s15 =	sadd.s32 $0x7FF0BE00, s22;
	p0 =	slt.s32 s19, $0x7F  }
0x1d9: {  	s19 =	simm.s32 @!p0 $0x7F;
	p0 =	sgt.s32 s15, $0x0  }
0x1da: {  	v6 =	vadd.s32 s19, v1;
	s15 =	simm.s32 @!p0 $0x0  }
0x1db: {  	v7 =	vadd.s32 s19, v4;
	s15 =	sshll.u32 s15, $0x5  }
0x1dc: {  	v52 =	vor.u32 s15, v0  }
0x1dd: {  	s22 =	sadd.s32 $0x5, s9;
	v53 =	vor.u32 s15, v5  }
0x1de: {  	v54 =	vmov s22  }
0x1df: {  	v55 =	vshll.u32 v54, $0x3;
	v6 =	vld.idx.msk [tilespmem:v6+s4+$0x0], $0xffff  }
0x1e0: {  	v10 =	vand.u32 $0x7D, v54;
	v11 =	vand.u32 $0xC00, v55;
	v7 =	vld.idx.msk [tilespmem:v7+s4+$0x0], $0xffff  }
0x1e1: {  	v10 =	vor.u32 v10, v11;
	v8 =	vld.idx.msk [tilespmem:v52+s12+$0x0], $0xffff  }
0x1e2: {  	v11 =	vor.u32 v2, v10;
	v9 =	vld.idx.msk [tilespmem:v53+s12+$0x0], $0xffff  }
0x1e3: {  	v10 =	vor.u32 v3, v10;
	_ =	sdelay $0x1  }
0x1e4: {  	p4 =	sgt.s32 s16, $0xF41FF  }
0x1e5: {  	s19 =	smin.u32 s9, $0x1F2;
	v6 =	vpsel p4, v8, v6  }
0x1e6: {  	s15 =	sadd.s32 $0xD, s19;
	v7 =	vpsel p4, v9, v7;
	[tilespmem:v11+s24+$0x0] =	vst.idx.msk $0xffff, v6  }
0x1e7: {  	s22 =	sand.u32 $0x3F0, s15;
	[tilespmem:v10+s24+$0x0] =	vst.idx.msk $0xffff, v7  }
0x1e8: {  	v6 =	vld [tilespmem:s22+$0x0];
	_ =	sdelay $0x2  }
0x1e9: {  	s15 =	sand.u32 $0xF, s15  }
0x1ea: {  	v7 =	vmov s15  }
0x1eb: {  	vm8 =	veq.s32 v7, v0;
	v6 =	vxor.u32 $0x80000000, v6  }
0x1ec: {  	v6 =	vnsel vm8, $0x80000000, v6  }
0x1ed: {  	(xrf0) =	vmax.scan.msk.u32 $0xffff, v6;
	_ =	sdelay $0x5  }
0x1ee: {  	v6, _, _ =	vpop (xrf0)  }
0x1ef: {  	(v2sf) =	vpush v6, $0xF;
	_ =	sdelay $0xe  }
0x1f0: {  	s19 =	spop (v2sf)  }
0x1f1: {  	s15 =	sand.u32 $0xFFFFFF80, s19  }
0x1f2: {  	s15 =	sxor.u32 $0x80000000, s15  }
0x1f3: {  	p0 =	slt.s32 s15, $0xF4180  }
0x1f4: {  	s15 =	simm.s32 @!p0 $0xF4180  }
0x1f5: {  	s22 =	sadd.s32 s1, s15  }
0x1f6: {  	[tilespmem:s4], [sflag:$0x6] =	stream.linear.gather [hbm4b:s22+s3], $0x400, $0x38;
	[tilespmem:$0xCA00] =	vst v63  }
0x1f7: {  	s19 =	sadd.s32 s15, s7;
	s22 =	simm.s32 $0x9E00  }
0x1f8: {  	[tilespmem:s22], [sflag:$0x6] =	stream.linear.gather [hbm4b:s19+s3], $0x400, $0x38;
	[tilespmem:$0xCA00] =	vst v63  }
0x1f9: {  	s19 =	sadd.s32 s15, s5;
	s22 =	simm.s32 $0xA200  }
0x1fa: {  	[tilespmem:s22], [sflag:$0x6] =	stream.linear.gather [hbm4b:s19+s3], $0x400, $0x38;
	[tilespmem:$0xCA00] =	vst v63  }
0x1fb: {  	s15 =	sadd.s32 s15, s8;
	s22 =	simm.s32 $0xA600  }
0x1fc: {  	[tilespmem:s22], [sflag:$0x6] =	stream.linear.gather [hbm4b:s15+s3], $0x400, $0x38;
	[tilespmem:$0xCA00] =	vst v63  }
0x1fd: {  	_ =	swait.ge [sflag:s2], $0x1000  }
0x1fe: {  	[sflag:s2] =	ssyncset.done $0x0  }
0x1ff: {  	[sflag:s2] =	ssyncadd.s32 $0xFFFFF000  }
0x200: {  	v6 =	vld [tilespmem:s10+$0x0];
	_ =	sdelay $0x2  }
0x201: {  	s19 =	sadd.s32 $0x6, s14  }
0x202: {  	v7 =	vmov s19  }
0x203: {  	vm8 =	veq.s32 v7, v0;
	v6 =	vxor.u32 $0x80000000, v6  }
0x204: {  	v6 =	vnsel vm8, $0x80000000, v6  }
0x205: {  	(xrf0) =	vmax.scan.msk.u32 $0xffff, v6;
	_ =	sdelay $0x5  }
0x206: {  	v6, _, _ =	vpop (xrf0)  }
0x207: {  	(v2sf) =	vpush v6, $0xF;
	_ =	sdelay $0xe  }
0x208: {  	s22 =	spop (v2sf)  }
0x209: {  	s16 =	sxor.u32 $0x80000000, s22  }
0x20a: {  	s19 =	sand.u32 $0xFFFFFF80, s16  }
0x20b: {  	p0 =	slt.s32 s19, $0xF4180  }
0x20c: {  	s19 =	simm.s32 @!p0 $0xF4180  }
0x20d: {  	s19 =	ssub.s32 s16, s19  }
0x20e: {  	s15 =	sadd.s32 $0x7FF0BE00, s22;
	p0 =	slt.s32 s19, $0x7F  }
0x20f: {  	s19 =	simm.s32 @!p0 $0x7F;
	p0 =	sgt.s32 s15, $0x0  }
0x210: {  	v6 =	vadd.s32 s19, v1;
	s15 =	simm.s32 @!p0 $0x0  }
0x211: {  	v7 =	vadd.s32 s19, v4;
	s15 =	sshll.u32 s15, $0x5  }
0x212: {  	v56 =	vor.u32 s15, v0  }
0x213: {  	s22 =	sadd.s32 $0x6, s9;
	v57 =	vor.u32 s15, v5  }
0x214: {  	v58 =	vmov s22  }
0x215: {  	v59 =	vshll.u32 v58, $0x3;
	v6 =	vld.idx.msk [tilespmem:v6+s11+$0x0], $0xffff  }
0x216: {  	v10 =	vand.u32 $0x7E, v58;
	v11 =	vand.u32 $0xC00, v59;
	v7 =	vld.idx.msk [tilespmem:v7+s11+$0x0], $0xffff  }
0x217: {  	v10 =	vor.u32 v10, v11;
	v8 =	vld.idx.msk [tilespmem:v56+s12+$0x0], $0xffff  }
0x218: {  	v11 =	vor.u32 v2, v10;
	v9 =	vld.idx.msk [tilespmem:v57+s12+$0x0], $0xffff  }
0x219: {  	v10 =	vor.u32 v3, v10;
	_ =	sdelay $0x1  }
0x21a: {  	p5 =	sgt.s32 s16, $0xF41FF  }
0x21b: {  	s16 =	smin.u32 s9, $0x1F1;
	v6 =	vpsel p5, v8, v6  }
0x21c: {  	s15 =	sadd.s32 $0xE, s16;
	v7 =	vpsel p5, v9, v7;
	[tilespmem:v11+s24+$0x0] =	vst.idx.msk $0xffff, v6  }
0x21d: {  	s22 =	sand.u32 $0x3F0, s15;
	[tilespmem:v10+s24+$0x0] =	vst.idx.msk $0xffff, v7  }
0x21e: {  	v6 =	vld [tilespmem:s22+$0x0];
	_ =	sdelay $0x2  }
0x21f: {  	s15 =	sand.u32 $0xF, s15  }
0x220: {  	v7 =	vmov s15  }
0x221: {  	vm8 =	veq.s32 v7, v0;
	v6 =	vxor.u32 $0x80000000, v6  }
0x222: {  	v6 =	vnsel vm8, $0x80000000, v6  }
0x223: {  	(xrf0) =	vmax.scan.msk.u32 $0xffff, v6;
	_ =	sdelay $0x5  }
0x224: {  	v6, _, _ =	vpop (xrf0)  }
0x225: {  	(v2sf) =	vpush v6, $0xF;
	_ =	sdelay $0xe  }
0x226: {  	s16 =	spop (v2sf)  }
0x227: {  	s15 =	sand.u32 $0xFFFFFF80, s16  }
0x228: {  	s15 =	sxor.u32 $0x80000000, s15  }
0x229: {  	p0 =	slt.s32 s15, $0xF4180  }
0x22a: {  	s15 =	simm.s32 @!p0 $0xF4180  }
0x22b: {  	s22 =	sadd.s32 s1, s15  }
0x22c: {  	[tilespmem:s11], [sflag:$0x7] =	stream.linear.gather [hbm4b:s22+s3], $0x400, $0x38;
	[tilespmem:$0xCA00] =	vst v63  }
0x22d: {  	s16 =	sadd.s32 s15, s7;
	s22 =	simm.s32 $0xAE00  }
0x22e: {  	[tilespmem:s22], [sflag:$0x7] =	stream.linear.gather [hbm4b:s16+s3], $0x400, $0x38;
	[tilespmem:$0xCA00] =	vst v63  }
0x22f: {  	s16 =	sadd.s32 s15, s5;
	s22 =	simm.s32 $0xB200  }
0x230: {  	[tilespmem:s22], [sflag:$0x7] =	stream.linear.gather [hbm4b:s16+s3], $0x400, $0x38;
	[tilespmem:$0xCA00] =	vst v63  }
0x231: {  	s15 =	sadd.s32 s15, s8;
	s22 =	simm.s32 $0xB600  }
0x232: {  	[tilespmem:s22], [sflag:$0x7] =	stream.linear.gather [hbm4b:s15+s3], $0x400, $0x38;
	[tilespmem:$0xCA00] =	vst v63  }
0x233: {  	_ =	swait.ge [sflag:s6], $0x1000  }
0x234: {  	[sflag:s6] =	ssyncset.done $0x0  }
0x235: {  	[sflag:s6] =	ssyncadd.s32 $0xFFFFF000  }
0x236: {  	v6 =	vld [tilespmem:s10+$0x0];
	_ =	sdelay $0x2  }
0x237: {  	s15 =	sadd.s32 $0x7, s14  }
0x238: {  	v7 =	vmov s15  }
0x239: {  	vm8 =	veq.s32 v7, v0;
	v6 =	vxor.u32 $0x80000000, v6  }
0x23a: {  	v6 =	vnsel vm8, $0x80000000, v6  }
0x23b: {  	(xrf0) =	vmax.scan.msk.u32 $0xffff, v6;
	_ =	sdelay $0x5  }
0x23c: {  	v6, _, _ =	vpop (xrf0)  }
0x23d: {  	(v2sf) =	vpush v6, $0xF;
	_ =	sdelay $0xe  }
0x23e: {  	s16 =	spop (v2sf)  }
0x23f: {  	s22 =	sxor.u32 $0x80000000, s16  }
0x240: {  	s15 =	sand.u32 $0xFFFFFF80, s22  }
0x241: {  	p0 =	slt.s32 s15, $0xF4180  }
0x242: {  	s15 =	simm.s32 @!p0 $0xF4180  }
0x243: {  	s15 =	ssub.s32 s22, s15  }
0x244: {  	s10 =	sadd.s32 $0x7FF0BE00, s16;
	p0 =	slt.s32 s15, $0x7F  }
0x245: {  	s15 =	simm.s32 @!p0 $0x7F;
	p0 =	sgt.s32 s10, $0x0  }
0x246: {  	v6 =	vadd.s32 s15, v1;
	s10 =	simm.s32 @!p0 $0x0  }
0x247: {  	v7 =	vadd.s32 s15, v4;
	s10 =	sshll.u32 s10, $0x5  }
0x248: {  	v60 =	vor.u32 s10, v0  }
0x249: {  	s15 =	sadd.s32 $0x7, s9;
	v61 =	vor.u32 s10, v5  }
0x24a: {  	v62 =	vmov s15  }
0x24b: {  	v63 =	vshll.u32 v62, $0x3;
	v6 =	vld.idx.msk [tilespmem:v6+s18+$0x0], $0xffff  }
0x24c: {  	v10 =	vand.u32 $0x7F, v62;
	v11 =	vand.u32 $0xC00, v63;
	v7 =	vld.idx.msk [tilespmem:v7+s18+$0x0], $0xffff  }
0x24d: {  	v10 =	vor.u32 v10, v11;
	v8 =	vld.idx.msk [tilespmem:v60+s12+$0x0], $0xffff  }
0x24e: {  	v11 =	vor.u32 v2, v10;
	v9 =	vld.idx.msk [tilespmem:v61+s12+$0x0], $0xffff  }
0x24f: {  	v10 =	vor.u32 v3, v10;
	_ =	sdelay $0x1  }
0x250: {  	p6 =	sgt.s32 s22, $0xF41FF  }
0x251: {  	s16 =	smin.u32 s9, $0x1F0;
	v6 =	vpsel p6, v8, v6  }
0x252: {  	s10 =	sadd.s32 $0xF, s16;
	v7 =	vpsel p6, v9, v7;
	[tilespmem:v11+s24+$0x0] =	vst.idx.msk $0xffff, v6  }
0x253: {  	s22 =	sand.u32 $0x3F0, s10;
	[tilespmem:v10+s24+$0x0] =	vst.idx.msk $0xffff, v7  }
0x254: {  	v6 =	vld [tilespmem:s22+$0x0];
	_ =	sdelay $0x2  }
0x255: {  	s10 =	sand.u32 $0xF, s10  }
0x256: {  	v7 =	vmov s10  }
0x257: {  	vm8 =	veq.s32 v7, v0;
	v6 =	vxor.u32 $0x80000000, v6  }
0x258: {  	v6 =	vnsel vm8, $0x80000000, v6  }
0x259: {  	(xrf0) =	vmax.scan.msk.u32 $0xffff, v6;
	_ =	sdelay $0x5  }
0x25a: {  	v6, _, _ =	vpop (xrf0)  }
0x25b: {  	(v2sf) =	vpush v6, $0xF;
	_ =	sdelay $0xe  }
0x25c: {  	s14 =	spop (v2sf)  }
0x25d: {  	s10 =	sand.u32 $0xFFFFFF80, s14  }
0x25e: {  	s10 =	sxor.u32 $0x80000000, s10  }
0x25f: {  	p0 =	slt.s32 s10, $0xF4180  }
0x260: {  	s10 =	simm.s32 @!p0 $0xF4180  }
0x261: {  	s15 =	sadd.s32 s1, s10  }
0x262: {  	[tilespmem:s18], [sflag:$0x8] =	stream.linear.gather [hbm4b:s15+s3], $0x400, $0x38;
	[tilespmem:$0xCA00] =	vst v63  }
0x263: {  	s22 =	simm.s32 $0xBE00;
	p0 =	sne.s32 s9, $0x1F8;
	s16 =	sadd.s32 s10, s7  }
0x264: {  	[tilespmem:s22], [sflag:$0x8] =	stream.linear.gather [hbm4b:s16+s3], $0x400, $0x38;
	[tilespmem:$0xCA00] =	vst v63  }
.Ltmp0:
0x265: {  	_ = 	snop;
	(pc) =	sbr.rel @p0 .LBB2_2-.Ltmp0, $4  }
0x266: {  	s16 =	sadd.s32 s10, s5;
	s22 =	simm.s32 $0xC200  }
0x267: {  	[tilespmem:s22], [sflag:$0x8] =	stream.linear.gather [hbm4b:s16+s3], $0x400, $0x38;
	[tilespmem:$0xCA00] =	vst v63  }
0x268: {  	s19 =	simm.s32 $0x4E00;
	s9 =	sadd.s32 $0x8, s9;
	s10 =	sadd.s32 s10, s8  }
0x269: {  	[tilespmem:s20], [sflag:$0x8] =	stream.linear.gather [hbm4b:s10+s3], $0x400, $0x38;
	[tilespmem:$0xCA00] =	vst v63  }
0x26a: {  	_ =	swait.ge [sflag:s23], $0x1000  }
0x26b: {  	[sflag:s23] =	ssyncset.done $0x0  }
0x26c: {  	[sflag:s23] =	ssyncadd.s32 $0xFFFFF000  }
0x26d: {  	_ =	swait.ge [sflag:s26], $0x1000  }
0x26e: {  	[sflag:s26] =	ssyncset.done $0x0  }
0x26f: {  	[sflag:s26] =	ssyncadd.s32 $0xFFFFF000  }
0x270: {  	_ =	swait.ge [sflag:s28], $0x1000  }
0x271: {  	[sflag:s28] =	ssyncset.done $0x0  }
0x272: {  	[sflag:s28] =	ssyncadd.s32 $0xFFFFF000  }
0x273: {  	_ =	swait.ge [sflag:s29], $0x1000  }
0x274: {  	[sflag:s29] =	ssyncset.done $0x0  }
0x275: {  	[sflag:s29] =	ssyncadd.s32 $0xFFFFF000  }
0x276: {  	_ =	swait.ge [sflag:s31], $0x1000  }
0x277: {  	[sflag:s31] =	ssyncset.done $0x0  }
0x278: {  	[sflag:s31] =	ssyncadd.s32 $0xFFFFF000  }
0x279: {  	_ =	swait.ge [sflag:s0], $0x1000  }
0x27a: {  	[sflag:s0] =	ssyncset.done $0x0  }
0x27b: {  	[sflag:s0] =	ssyncadd.s32 $0xFFFFF000  }
0x27c: {  	_ =	swait.ge [sflag:s2], $0x1000  }
0x27d: {  	[sflag:s2] =	ssyncset.done $0x0  }
0x27e: {  	[sflag:s2] =	ssyncadd.s32 $0xFFFFF000  }
0x27f: {  	_ =	swait.ge [sflag:s6], $0x1000  }
0x280: {  	s10 =	simm.s32 $0x1000;
	[sflag:s6] =	ssyncset.done $0x0  }
0x281: {  	s14 =	simm.s32 $0x20000;
	s9 =	rddreg [dreg:$0x7];
	[sflag:s6] =	ssyncadd.s32 $0xFFFFF000  }
0x282: {  	[hbm4b:s9+s10] =	stream.strided.scatter [tilespmem:s24], [sflag:$0x9], $0x4000, s14, s10, $0x38;
	[tilespmem:$0xCA00] =	vst v63  }
0x283: {  	s10 =	simm.s32 $0x9  }
0x284: {  	_ =	swait.ge [sflag:s10], $0x4000  }
0x285: {  	s20 =	rddreg [dreg:$0x9]  }
0x286: {  	s22 =	rddreg [dreg:$0x8];
	s14 =	sadd.s32 $0x1, s20  }
0x287: {  	p0 =	sne.s32 s14, s22  }
.Ltmp1:
0x288: {  	_ = 	snop;
	(pc) =	sbr.rel @p0 .LBB2_1-.Ltmp1, $4  }
0x289: {  	_ = 	snop  }
0x28a: {  	s15 =	simm.s32 $0x5600;
	[sflag:s10] =	ssyncset.done $0x0  }
0x28b: {  	s16 =	simm.s32 $0x5E00;
	[sflag:s10] =	ssyncadd.s32 $0xFFFFC000;
	s20 =	simm.s32 $0x6200  }
0x28c: {  	[dreg:$0x9] =	wrdreg s14;
	s14 =	simm.s32 $0x5200;
	s22 =	simm.s32 $0x6600  }
0x28d: {  	_ =	sfence.sel $0x180000  }
0x28e: {  	[bflag:$0x0] =	sbarrier.arrive $0xFFFF  }
0x28f: {  	_ =	strace $0x90000047  }
0x290: {  	s0 =	stileid.u32;
	[bflag:$0x2] =	sbarrier.arrive $0xFFFF  }
0x291: {  	p0 =	sne.s32 s0, $0x0;
	s0 =	rddreg [dreg:$0x4]  }
0x292: {  	s0 =	sadd.s32 @!p0 $0x100000, s0  }
0x293: {  	[sflag:s0] =	ssyncadd.tile.s32 @!p0 $0x1;
	_ =	shalt  }
.Lfunc_end2:
_tile_overlayer_lowered:
.L_overlay_start_2:
0x294: {  	(tag) =	ssettag $0x2  }
0x295: {  	s0 =	rddreg [dreg:$0x0];
	s2 =	stileid.u32  }
0x296: {  	s1 =	rddreg [dreg:$0x1];
	p0 =	sne.s32 s2, $0x0  }
0x297: {  	s3 =	rddreg [dreg:$0x2];
	[bflag:$0x3] =	sbarrier.arrive $0xFFFF;
	s2 =	simm.s32 @!p0 $0x1C09  }
0x298: {  	[timem:s3], [sflag:s2] =	dma.local @!p0 [hbm:s0], s1  }
0x299: {  	s0 =	simm.s32 @!p0 $0x9  }
0x29a: {  	_ =	swait.ge @!p0 [sflag:s0], s1  }
0x29b: {  	s1 =	ssub.s32 @!p0 $0x0, s1;
	[sflag:s0] =	ssyncset.done @!p0 $0x0  }
0x29c: {  	[sflag:s0] =	ssyncadd.s32 @!p0 s1  }
0x29d: {  	[bflag:$0x3] =	sbarrier.arrive $0xFFFF  }
0x29e: {  	_ =	shalt  }

</sc_bundles>
